<compile_context>
chip_gen: v7x
topology: tpu7x:2x2x1
jax: 0.10.2.dev20260603
libtpu: 0.0.44.dev20260713+nightly
codegen_flags: <defaults>
</compile_context>

<pallas_src>
import jax
import jax.numpy as jnp
from jax import lax
from jax.experimental import pallas as pl
from jax.experimental.pallas import tpu as pltpu
from jax.experimental.pallas import tpu_sc as plsc

HID = 256
N_MESH = 10000
N_GRID = 10000
N_EDGE = 160000

NC = 2
NS = 16
NW = NC * NS

PADE = 163840
CH = 80
GNCH = (PADE // NW) // CH
SNCH = (PADE // NS) // CH
GPAD = 10240
ROWS_PER_TILE = GPAD // NS

_SC_MESH = plsc.VectorSubcoreMesh(core_axis_name="c", subcore_axis_name="s")


def _proj_body(mesh_ref, grid_ref, wme_ref, wge_ref, wmn_ref,
               me_ref, gp_ref, mn0_ref, mn1_ref):
    m = mesh_ref[...]
    g = grid_ref[...]

    def pack(x):
        bits = lax.bitcast_convert_type(x.astype(jnp.bfloat16), jnp.uint16)
        lo = bits[:, :128].astype(jnp.uint32)
        hi = bits[:, 128:].astype(jnp.uint32)
        return lax.bitcast_convert_type(lo | (hi << 16), jnp.int32)

    me_ref[...] = pack(jnp.dot(m, wme_ref[...],
                               preferred_element_type=jnp.float32))
    gp_ref[...] = pack(jnp.dot(g, wge_ref[...],
                               preferred_element_type=jnp.float32))
    mn = jnp.dot(m, wmn_ref[...], preferred_element_type=jnp.float32)
    mn0_ref[...] = mn[:, :128]
    mn1_ref[...] = mn[:, 128:]


def _proj_call(mesh, grid, wme, wge, wmn):
    blk = 2000
    n_blk = N_MESH // blk
    row_spec = pl.BlockSpec((blk, HID), lambda i: (i, 0))
    half_spec = pl.BlockSpec((blk, 128), lambda i: (i, 0))
    w_spec = pl.BlockSpec((HID, HID), lambda i: (0, 0))
    return pl.pallas_call(
        _proj_body,
        grid=(n_blk,),
        in_specs=[row_spec, row_spec, w_spec, w_spec, w_spec],
        out_specs=[half_spec, half_spec, half_spec, half_spec],
        out_shape=[
            jax.ShapeDtypeStruct((N_MESH, 128), jnp.int32),
            jax.ShapeDtypeStruct((N_GRID, 128), jnp.int32),
            jax.ShapeDtypeStruct((N_MESH, 128), jnp.float32),
            jax.ShapeDtypeStruct((N_MESH, 128), jnp.float32),
        ],
    )(mesh, grid, wme, wge, wmn)


def _gather_body(me_hbm, gp_hbm, src_hbm, dst_hbm, outa_hbm, outb_hbm,
                 sidx, didx, ba0, ba1, bb0, bb1,
                 sa0, sa1, sb0, sb1, swa0, swa1, swb0, swb1):
    c = lax.axis_index("c")
    s = lax.axis_index("s")
    w = s * NC + c
    pltpu.sync_copy(src_hbm.at[w], sidx)
    pltpu.sync_copy(dst_hbm.at[w], didx)
    base = w * (PADE // NW)
    bufa = (ba0, ba1)
    bufb = (bb0, bb1)
    sema = (sa0, sa1)
    semb = (sb0, sb1)
    semwa = (swa0, swa1)
    semwb = (swb0, swb1)

    def issue(cw, slot):
        pltpu.async_copy(me_hbm.at[sidx.at[cw]], bufa[slot], sema[slot])
        pltpu.async_copy(gp_hbm.at[didx.at[cw]], bufb[slot], semb[slot])

    def outa_slice(cw):
        return outa_hbm.at[pl.ds(base + cw * CH, CH)]

    def outb_slice(cw):
        return outb_hbm.at[pl.ds(base + cw * CH, CH)]

    issue(0, 0)

    def pair(g, carry):
        for b in (0, 1):
            cidx = 2 * g + b
            nxt = cidx + 1

            def prefetch():
                def drain_wb():
                    pltpu.make_async_copy(
                        bufa[1 - b], outa_slice(cidx - 1), semwa[1 - b]).wait()
                    pltpu.make_async_copy(
                        bufb[1 - b], outb_slice(cidx - 1), semwb[1 - b]).wait()
                pl.when(cidx >= 1)(drain_wb)
                issue(nxt, 1 - b)

            pl.when(nxt < GNCH)(prefetch)
            pltpu.make_async_copy(
                me_hbm.at[sidx.at[cidx]], bufa[b], sema[b]).wait()
            pltpu.make_async_copy(
                gp_hbm.at[didx.at[cidx]], bufb[b], semb[b]).wait()
            pltpu.async_copy(bufa[b], outa_slice(cidx), semwa[b])
            pltpu.async_copy(bufb[b], outb_slice(cidx), semwb[b])
        return carry

    lax.fori_loop(0, GNCH // 2, pair, 0)
    pltpu.make_async_copy(bufa[0], outa_slice(GNCH - 2), semwa[0]).wait()
    pltpu.make_async_copy(bufa[1], outa_slice(GNCH - 1), semwa[1]).wait()
    pltpu.make_async_copy(bufb[0], outb_slice(GNCH - 2), semwb[0]).wait()
    pltpu.make_async_copy(bufb[1], outb_slice(GNCH - 1), semwb[1]).wait()


def _gather_call(me_proj, gp_proj, src3, dst3):
    out = jax.ShapeDtypeStruct((PADE, HID // 2), jnp.int32)
    fn = pl.kernel(
        _gather_body,
        out_type=(out, out),
        mesh=_SC_MESH,
        scratch_types=[
            pltpu.VMEM((GNCH, CH), jnp.int32),
            pltpu.VMEM((GNCH, CH), jnp.int32),
            pltpu.VMEM((CH, HID // 2), jnp.int32),
            pltpu.VMEM((CH, HID // 2), jnp.int32),
            pltpu.VMEM((CH, HID // 2), jnp.int32),
            pltpu.VMEM((CH, HID // 2), jnp.int32),
            pltpu.SemaphoreType.DMA,
            pltpu.SemaphoreType.DMA,
            pltpu.SemaphoreType.DMA,
            pltpu.SemaphoreType.DMA,
            pltpu.SemaphoreType.DMA,
            pltpu.SemaphoreType.DMA,
            pltpu.SemaphoreType.DMA,
            pltpu.SemaphoreType.DMA,
        ],
    )
    return fn(me_proj, gp_proj, src3, dst3)


def _edge_body(e_ref, ga_ref, gb_ref, w1_ref, b1_ref, w2_ref, b2_ref,
               gln_ref, bln_ref, o0_ref, o1_ref):
    x = e_ref[...]

    def unpack(w):
        wu = lax.bitcast_convert_type(w, jnp.uint32)
        lo = lax.bitcast_convert_type(wu << 16, jnp.float32)
        hi = lax.bitcast_convert_type(wu & jnp.uint32(0xFFFF0000), jnp.float32)
        return jnp.concatenate([lo, hi], axis=-1)

    g = unpack(ga_ref[...]) + unpack(gb_ref[...])
    h = jnp.dot(x.astype(jnp.bfloat16), w1_ref[...].astype(jnp.bfloat16),
                preferred_element_type=jnp.float32)
    h = h + g + b1_ref[...]
    h = h * jax.nn.sigmoid(h)
    h = jnp.dot(h.astype(jnp.bfloat16), w2_ref[...].astype(jnp.bfloat16),
                preferred_element_type=jnp.float32) + b2_ref[...]
    mu = jnp.mean(h, axis=-1, keepdims=True)
    var = jnp.mean((h - mu) * (h - mu), axis=-1, keepdims=True)
    h = (h - mu) * lax.rsqrt(var + 1e-5) * gln_ref[...] + bln_ref[...]
    out = h + x
    o0_ref[...] = out[:, :128]
    o1_ref[...] = out[:, 128:]


def _edge_call(e, ga, gb, w1, b1, w2, b2, gln, bln):
    blk = 2000
    n_blk = N_EDGE // blk
    row_spec = pl.BlockSpec((blk, HID), lambda i: (i, 0))
    half_spec = pl.BlockSpec((blk, 128), lambda i: (i, 0))
    w_spec = pl.BlockSpec((HID, HID), lambda i: (0, 0))
    b_spec = pl.BlockSpec((1, HID), lambda i: (0, 0))
    return pl.pallas_call(
        _edge_body,
        grid=(n_blk,),
        in_specs=[row_spec, half_spec, half_spec, w_spec, b_spec, w_spec,
                  b_spec, b_spec, b_spec],
        out_specs=[half_spec, half_spec],
        out_shape=[
            jax.ShapeDtypeStruct((PADE, 128), jnp.float32),
            jax.ShapeDtypeStruct((PADE, 128), jnp.float32),
        ],
    )(e, ga, gb, w1, b1, w2, b2, gln, bln)


def _agg_e_body(ef0, ef1, dst3, zeros_h,
                ae0, ae1, spmem, didxb, db0, db1, sd0, sd1, si0, si1):
    c = lax.axis_index("c")
    t = lax.axis_index("s")
    rows = pl.ds(t * ROWS_PER_TILE, ROWS_PER_TILE)
    ebase = t * (PADE // NS)
    dbuf = (db0, db1)
    semd = (sd0, sd1)
    semi = (si0, si1)

    def load_didx(cw, slot):
        pltpu.async_copy(dst3.at[t, cw], didxb.at[slot], semi[slot])

    def wait_didx(cw, slot):
        pltpu.make_async_copy(
            dst3.at[t, cw], didxb.at[slot], semi[slot]).wait()

    def run(efc, aec):
        pltpu.sync_copy(zeros_h.at[rows], spmem.at[rows])
        plsc.subcore_barrier()

        def load_a(cw, slot):
            pltpu.async_copy(
                efc.at[pl.ds(ebase + cw * CH, CH)], dbuf[slot], semd[slot])

        load_a(0, 0)
        load_didx(0, 0)

        def pair_a(g, carry):
            for b in (0, 1):
                cidx = 2 * g + b

                def prefetch():
                    load_a(cidx + 1, 1 - b)
                    load_didx(cidx + 1, 1 - b)

                pl.when(cidx + 1 < SNCH)(prefetch)
                pltpu.make_async_copy(
                    efc.at[pl.ds(ebase + cidx * CH, CH)],
                    dbuf[b], semd[b]).wait()
                wait_didx(cidx, b)
                pltpu.sync_copy(dbuf[b], spmem.at[didxb.at[b]], add=True)
            return carry

        lax.fori_loop(0, SNCH // 2, pair_a, 0)
        plsc.subcore_barrier()
        pltpu.sync_copy(spmem.at[rows], aec.at[rows])

    pl.when(c == 0)(lambda: run(ef0, ae0))
    pl.when(c == 1)(lambda: run(ef1, ae1))


def _agg_e_call(ef0, ef1, dst3, zeros_h):
    out = jax.ShapeDtypeStruct((GPAD, 128), jnp.float32)
    fn = pl.kernel(
        _agg_e_body,
        out_type=(out, out),
        mesh=_SC_MESH,
        scratch_types=[
            pltpu.VMEM_SHARED((GPAD, 128), jnp.float32),
            pltpu.VMEM((2, CH), jnp.int32),
            pltpu.VMEM((CH, 128), jnp.float32),
            pltpu.VMEM((CH, 128), jnp.float32),
            pltpu.SemaphoreType.DMA,
            pltpu.SemaphoreType.DMA,
            pltpu.SemaphoreType.DMA,
            pltpu.SemaphoreType.DMA,
        ],
    )
    return fn(ef0, ef1, dst3, zeros_h)


def _agg_s_body(mn0, mn1, dst3, src3, zeros_h,
                as0, as1, spmem, didxb, sidx, db0, db1, sd0, sd1, si0, si1):
    c = lax.axis_index("c")
    t = lax.axis_index("s")
    rows = pl.ds(t * ROWS_PER_TILE, ROWS_PER_TILE)
    dbuf = (db0, db1)
    semd = (sd0, sd1)
    semi = (si0, si1)

    def load_didx(cw, slot):
        pltpu.async_copy(dst3.at[t, cw], didxb.at[slot], semi[slot])

    def wait_didx(cw, slot):
        pltpu.make_async_copy(
            dst3.at[t, cw], didxb.at[slot], semi[slot]).wait()

    def run(mnc, asc):
        pltpu.sync_copy(src3.at[t], sidx)
        pltpu.sync_copy(zeros_h.at[rows], spmem.at[rows])
        plsc.subcore_barrier()

        def load_b(cw, slot):
            pltpu.async_copy(mnc.at[sidx.at[cw]], dbuf[slot], semd[slot])

        load_b(0, 0)
        load_didx(0, 0)

        def pair_b(g, carry):
            for b in (0, 1):
                cidx = 2 * g + b

                def prefetch():
                    load_b(cidx + 1, 1 - b)
                    load_didx(cidx + 1, 1 - b)

                pl.when(cidx + 1 < SNCH)(prefetch)
                pltpu.make_async_copy(
                    mnc.at[sidx.at[cidx]], dbuf[b], semd[b]).wait()
                wait_didx(cidx, b)
                pltpu.sync_copy(dbuf[b], spmem.at[didxb.at[b]], add=True)
            return carry

        lax.fori_loop(0, SNCH // 2, pair_b, 0)
        plsc.subcore_barrier()
        pltpu.sync_copy(spmem.at[rows], asc.at[rows])

    pl.when(c == 0)(lambda: run(mn0, as0))
    pl.when(c == 1)(lambda: run(mn1, as1))


def _agg_s_call(mn0, mn1, dst3, src3, zeros_h):
    out = jax.ShapeDtypeStruct((GPAD, 128), jnp.float32)
    fn = pl.kernel(
        _agg_s_body,
        out_type=(out, out),
        mesh=_SC_MESH,
        scratch_types=[
            pltpu.VMEM_SHARED((GPAD, 128), jnp.float32),
            pltpu.VMEM((2, CH), jnp.int32),
            pltpu.VMEM((SNCH, CH), jnp.int32),
            pltpu.VMEM((CH, 128), jnp.float32),
            pltpu.VMEM((CH, 128), jnp.float32),
            pltpu.SemaphoreType.DMA,
            pltpu.SemaphoreType.DMA,
            pltpu.SemaphoreType.DMA,
            pltpu.SemaphoreType.DMA,
        ],
    )
    return fn(mn0, mn1, dst3, src3, zeros_h)


def _node_body(ae0_ref, ae1_ref, as0_ref, as1_ref, grid_ref,
               wa_ref, wb_ref, b1_ref, w2_ref, b2_ref, gln_ref, bln_ref,
               out_ref):
    pre = jnp.concatenate([as0_ref[...], as1_ref[...]], axis=-1)
    pre = pre + jnp.dot(ae0_ref[...], wa_ref[...],
                        preferred_element_type=jnp.float32)
    pre = pre + jnp.dot(ae1_ref[...], wb_ref[...],
                        preferred_element_type=jnp.float32)
    pre = pre + b1_ref[...]
    h = pre * jax.nn.sigmoid(pre)
    h = jnp.dot(h, w2_ref[...], preferred_element_type=jnp.float32) + b2_ref[...]
    mu = jnp.mean(h, axis=-1, keepdims=True)
    var = jnp.mean((h - mu) * (h - mu), axis=-1, keepdims=True)
    h = (h - mu) * lax.rsqrt(var + 1e-5) * gln_ref[...] + bln_ref[...]
    out_ref[...] = h + grid_ref[...]


def _node_call(ae0, ae1, as0, as1, grid, wa, wb, b1, w2, b2, gln, bln):
    blk = 2000
    n_blk = N_GRID // blk
    row_spec = pl.BlockSpec((blk, HID), lambda i: (i, 0))
    half_spec = pl.BlockSpec((blk, 128), lambda i: (i, 0))
    wh_spec = pl.BlockSpec((128, HID), lambda i: (0, 0))
    w_spec = pl.BlockSpec((HID, HID), lambda i: (0, 0))
    b_spec = pl.BlockSpec((1, HID), lambda i: (0, 0))
    return pl.pallas_call(
        _node_body,
        grid=(n_blk,),
        in_specs=[half_spec, half_spec, half_spec, half_spec, row_spec,
                  wh_spec, wh_spec, b_spec, w_spec, b_spec, b_spec, b_spec],
        out_specs=row_spec,
        out_shape=jax.ShapeDtypeStruct((N_GRID, HID), jnp.float32),
    )(ae0, ae1, as0, as1, grid, wa, wb, b1, w2, b2, gln, bln)


def kernel(mesh2grid_edge_features, grid_node_features, mesh_node_features,
           mesh2graph_edge_indices_src, mesh2graph_edge_indices_dst,
           eW1, eb1, eW2, eb2, eg, ebt,
           nW1, nb1, nW2, nb2, ng, nbt):
    src = mesh2graph_edge_indices_src.astype(jnp.int32)
    dst = mesh2graph_edge_indices_dst.astype(jnp.int32)
    npad = PADE - N_EDGE
    pad_iota = jnp.arange(npad, dtype=jnp.int32)
    src_p = jnp.concatenate([src, pad_iota % N_MESH])
    dst_p = jnp.concatenate([dst, pad_iota % N_GRID])
    dst_t = jnp.concatenate([dst, N_GRID + pad_iota % (GPAD - N_GRID)])

    me_proj, gp_proj, mn0, mn1 = _proj_call(
        mesh_node_features, grid_node_features,
        eW1[256:512], eW1[512:768], nW1[:256])

    ga_i32, gb_i32 = _gather_call(
        me_proj, gp_proj,
        src_p.reshape(NW, GNCH, CH), dst_p.reshape(NW, GNCH, CH))

    zeros_h = jnp.zeros((GPAD, 128), jnp.float32)
    dst_sc = dst_t.reshape(NS, SNCH, CH)
    as0, as1 = _agg_s_call(
        mn0, mn1, dst_sc, src_p.reshape(NS, SNCH, CH), zeros_h)

    ef0, ef1 = _edge_call(
        mesh2grid_edge_features, ga_i32, gb_i32,
        eW1[:256], eb1.reshape(1, HID), eW2, eb2.reshape(1, HID),
        eg.reshape(1, HID), ebt.reshape(1, HID))

    ae0, ae1 = _agg_e_call(ef0, ef1, dst_sc, zeros_h)

    out = _node_call(
        ae0, ae1, as0, as1,
        grid_node_features,
        nW1[256:384], nW1[384:512], nb1.reshape(1, HID),
        nW2, nb2.reshape(1, HID), ng.reshape(1, HID), nbt.reshape(1, HID))
    return out

# --- scband reference (transcript-rebuilt; emitter-appended) ---
"""Pipeline reference for scband-graph-cast-decoder-26585847562367 (READ-ONLY COPY).

The authoritative reference and input builder live on the scoring server;
editing this copy changes nothing except your own understanding.
"""

import jax, jax.numpy as jnp
import numpy as np

HID = 256
N_MESH = 10000
N_GRID = 10000
N_EDGE = 160000

def _ln(x, g, b, eps=1e-5):
    mu = jnp.mean(x, axis=-1, keepdims=True)
    var = jnp.var(x, axis=-1, keepdims=True)
    return (x - mu) / jnp.sqrt(var + eps) * g + b

def setup_inputs(seed: int = 0) -> dict:
    key = jax.random.key(seed)
    ks = jax.random.split(key, 20)
    inp = {}
    inp['mesh2grid_edge_features'] = jax.random.normal(ks[0], (N_EDGE, HID), dtype=jnp.float32)
    inp['grid_node_features'] = jax.random.normal(ks[1], (N_GRID, HID), dtype=jnp.float32)
    inp['mesh_node_features'] = jax.random.normal(ks[2], (N_MESH, HID), dtype=jnp.float32)
    inp['mesh2graph_edge_indices_src'] = jax.random.randint(ks[3], (N_EDGE,), 0, N_MESH, dtype=jnp.int32).astype(jnp.int64)
    inp['mesh2graph_edge_indices_dst'] = jax.random.randint(ks[4], (N_EDGE,), 0, N_GRID, dtype=jnp.int32).astype(jnp.int64)
    s = 1.0 / np.sqrt(HID)
    # edge MLP: Linear(3h->h), SiLU, Linear(h->h), LayerNorm; residual
    inp['eW1'] = jax.random.normal(ks[5], (3 * HID, HID), dtype=jnp.float32) * s
    inp['eb1'] = jnp.zeros((HID,), dtype=jnp.float32)
    inp['eW2'] = jax.random.normal(ks[6], (HID, HID), dtype=jnp.float32) * s
    inp['eb2'] = jnp.zeros((HID,), dtype=jnp.float32)
    inp['eg'] = jnp.ones((HID,), dtype=jnp.float32)
    inp['ebt'] = jnp.zeros((HID,), dtype=jnp.float32)
    # node MLP: Linear(2h->h), SiLU, Linear(h->h), LayerNorm
    inp['nW1'] = jax.random.normal(ks[7], (2 * HID, HID), dtype=jnp.float32) * s
    inp['nb1'] = jnp.zeros((HID,), dtype=jnp.float32)
    inp['nW2'] = jax.random.normal(ks[8], (HID, HID), dtype=jnp.float32) * s
    inp['nb2'] = jnp.zeros((HID,), dtype=jnp.float32)
    inp['ng'] = jnp.ones((HID,), dtype=jnp.float32)
    inp['nbt'] = jnp.zeros((HID,), dtype=jnp.float32)
    return inp

def reference(mesh2grid_edge_features, grid_node_features, mesh_node_features,
              mesh2graph_edge_indices_src, mesh2graph_edge_indices_dst,
              eW1, eb1, eW2, eb2, eg, ebt,
              nW1, nb1, nW2, nb2, ng, nbt):
    src = mesh2graph_edge_indices_src
    dst = mesh2graph_edge_indices_dst
    # MeshEdgeBlock: e' = LN(MLP([e, x_src_mesh, x_dst_grid])) + e
    x_src = jnp.take(mesh_node_features, src, axis=0)
    x_dst = jnp.take(grid_node_features, dst, axis=0)
    cat_e = jnp.concatenate([mesh2grid_edge_features, x_src, x_dst], axis=-1)
    h = jax.nn.silu(cat_e @ eW1 + eb1) @ eW2 + eb2
    h = _ln(h, eg, ebt)
    e_feats = h + mesh2grid_edge_features
    # node update: aggregate edges and gathered src features to dst (grid) nodes
    n_grid = grid_node_features.shape[0]
    agg_e = jax.ops.segment_sum(e_feats, dst, num_segments=n_grid)
    agg_s = jax.ops.segment_sum(x_src, dst, num_segments=n_grid)
    cat_n = jnp.concatenate([agg_s, agg_e], axis=-1)
    n = jax.nn.silu(cat_n @ nW1 + nb1) @ nW2 + nb2
    n = _ln(n, ng, nbt)
    return grid_node_features + n

if __name__ == "__main__":
    import jax
    _d = setup_inputs()
    print(jax.jit(kernel)(*tuple(_d.values())))

</pallas_src>

<mosaic_0001>
#map = affine_map<(d0, d1) -> (0, 0)>
#map1 = affine_map<(d0, d1) -> (0, 0, 0)>
module attributes {stable_mosaic.version = 14 : i64} {
  func.func @_gather_body(%arg0: i32, %arg1: i32, %arg2: memref<10000x128xi32, #tpu.memory_space<hbm>>, %arg3: memref<10000x128xi32, #tpu.memory_space<hbm>>, %arg4: memref<32x64x80xi32, #tpu.memory_space<hbm>>, %arg5: memref<32x64x80xi32, #tpu.memory_space<hbm>>, %arg6: memref<163840x128xi32, #tpu.memory_space<hbm>>, %arg7: memref<163840x128xi32, #tpu.memory_space<hbm>>, %arg8: memref<64x80xi32, #tpu.memory_space<vmem>>, %arg9: memref<64x80xi32, #tpu.memory_space<vmem>>, %arg10: memref<80x128xi32, #tpu.memory_space<vmem>>, %arg11: memref<80x128xi32, #tpu.memory_space<vmem>>, %arg12: memref<80x128xi32, #tpu.memory_space<vmem>>, %arg13: memref<80x128xi32, #tpu.memory_space<vmem>>, %arg14: memref<!tpu.dma_semaphore, #tpu.memory_space<semaphore_mem>>, %arg15: memref<!tpu.dma_semaphore, #tpu.memory_space<semaphore_mem>>, %arg16: memref<!tpu.dma_semaphore, #tpu.memory_space<semaphore_mem>>, %arg17: memref<!tpu.dma_semaphore, #tpu.memory_space<semaphore_mem>>, %arg18: memref<!tpu.dma_semaphore, #tpu.memory_space<semaphore_mem>>, %arg19: memref<!tpu.dma_semaphore, #tpu.memory_space<semaphore_mem>>, %arg20: memref<!tpu.dma_semaphore, #tpu.memory_space<semaphore_mem>>, %arg21: memref<!tpu.dma_semaphore, #tpu.memory_space<semaphore_mem>>) attributes {dimension_semantics = [#tpu.dimension_semantics<core_parallel>, #tpu.dimension_semantics<subcore_parallel>], iteration_bounds = array<i64: 2, 16>, scalar_prefetch = 0 : i64, scratch_operands = 14 : i64, tpu.core_type = #tpu.core_type<sc_vector_subcore>, window_params = [{transform_indices = #map}, {transform_indices = #map}, {transform_indices = #map1}, {transform_indices = #map1}, {transform_indices = #map}, {transform_indices = #map}]} {
    %mul3A = arith.constant 2 : i32
    %mul3A_0 = arith.muli %arg1, %mul3A : i32
    %add3A = arith.addi %mul3A_0, %arg0 : i32
    "tpu.region"() ({
      %run_scoped3A = tpu.sem_alloc : memref<!tpu.dma_semaphore, #tpu.memory_space<semaphore_mem>>
      %dma_start3A_44 = arith.constant 0 : i32
      %dma_start3A_45 = arith.constant 0 : i32
      %dma_start3A_46 = tpu.memref_slice %arg4[%add3A, %dma_start3A_44, %dma_start3A_45] : memref<32x64x80xi32, #tpu.memory_space<hbm>> -> memref<1x64x80xi32, #tpu.memory_space<hbm>>
      %dma_start3A_47 = tpu.memref_squeeze %dma_start3A_46 : memref<1x64x80xi32, #tpu.memory_space<hbm>> -> memref<64x80xi32, #tpu.memory_space<hbm>>
      %dma_start3A_48 = arith.constant 0 : i32
      %dma_start3A_49 = arith.constant 0 : i32
      %dma_start3A_50 = tpu.memref_slice %arg4[%add3A, %dma_start3A_48, %dma_start3A_49] : memref<32x64x80xi32, #tpu.memory_space<hbm>> -> memref<1x64x80xi32, #tpu.memory_space<hbm>>
      %dma_start3A_51 = tpu.memref_squeeze %dma_start3A_50 : memref<1x64x80xi32, #tpu.memory_space<hbm>> -> memref<64x80xi32, #tpu.memory_space<hbm>>
      tpu.enqueue_dma source(%dma_start3A_51 : memref<64x80xi32, #tpu.memory_space<hbm>>) target(%arg8 : memref<64x80xi32, #tpu.memory_space<vmem>>) target_semaphore(%run_scoped3A : memref<!tpu.dma_semaphore, #tpu.memory_space<semaphore_mem>>)
      %dma_wait3A_52 = arith.constant 0 : i32
      %dma_wait3A_53 = arith.constant 0 : i32
      %dma_wait3A_54 = tpu.memref_slice %arg4[%add3A, %dma_wait3A_52, %dma_wait3A_53] : memref<32x64x80xi32, #tpu.memory_space<hbm>> -> memref<1x64x80xi32, #tpu.memory_space<hbm>>
      %dma_wait3A_55 = tpu.memref_squeeze %dma_wait3A_54 : memref<1x64x80xi32, #tpu.memory_space<hbm>> -> memref<64x80xi32, #tpu.memory_space<hbm>>
      %dma_wait3A_56 = arith.constant 0 : i32
      %dma_wait3A_57 = arith.constant 0 : i32
      %dma_wait3A_58 = tpu.memref_slice %arg4[%add3A, %dma_wait3A_56, %dma_wait3A_57] : memref<32x64x80xi32, #tpu.memory_space<hbm>> -> memref<1x64x80xi32, #tpu.memory_space<hbm>>
      %dma_wait3A_59 = tpu.memref_squeeze %dma_wait3A_58 : memref<1x64x80xi32, #tpu.memory_space<hbm>> -> memref<64x80xi32, #tpu.memory_space<hbm>>
      tpu.wait_dma2 semaphore(%run_scoped3A : memref<!tpu.dma_semaphore, #tpu.memory_space<semaphore_mem>>) src(%dma_wait3A_59 : memref<64x80xi32, #tpu.memory_space<hbm>>) dst(%arg8 : memref<64x80xi32, #tpu.memory_space<vmem>>)
      tpu.yield
    }) : () -> ()
    "tpu.region"() ({
      %run_scoped3A = tpu.sem_alloc : memref<!tpu.dma_semaphore, #tpu.memory_space<semaphore_mem>>
      %dma_start3A_44 = arith.constant 0 : i32
      %dma_start3A_45 = arith.constant 0 : i32
      %dma_start3A_46 = tpu.memref_slice %arg5[%add3A, %dma_start3A_44, %dma_start3A_45] : memref<32x64x80xi32, #tpu.memory_space<hbm>> -> memref<1x64x80xi32, #tpu.memory_space<hbm>>
      %dma_start3A_47 = tpu.memref_squeeze %dma_start3A_46 : memref<1x64x80xi32, #tpu.memory_space<hbm>> -> memref<64x80xi32, #tpu.memory_space<hbm>>
      %dma_start3A_48 = arith.constant 0 : i32
      %dma_start3A_49 = arith.constant 0 : i32
      %dma_start3A_50 = tpu.memref_slice %arg5[%add3A, %dma_start3A_48, %dma_start3A_49] : memref<32x64x80xi32, #tpu.memory_space<hbm>> -> memref<1x64x80xi32, #tpu.memory_space<hbm>>
      %dma_start3A_51 = tpu.memref_squeeze %dma_start3A_50 : memref<1x64x80xi32, #tpu.memory_space<hbm>> -> memref<64x80xi32, #tpu.memory_space<hbm>>
      tpu.enqueue_dma source(%dma_start3A_51 : memref<64x80xi32, #tpu.memory_space<hbm>>) target(%arg9 : memref<64x80xi32, #tpu.memory_space<vmem>>) target_semaphore(%run_scoped3A : memref<!tpu.dma_semaphore, #tpu.memory_space<semaphore_mem>>)
      %dma_wait3A_52 = arith.constant 0 : i32
      %dma_wait3A_53 = arith.constant 0 : i32
      %dma_wait3A_54 = tpu.memref_slice %arg5[%add3A, %dma_wait3A_52, %dma_wait3A_53] : memref<32x64x80xi32, #tpu.memory_space<hbm>> -> memref<1x64x80xi32, #tpu.memory_space<hbm>>
      %dma_wait3A_55 = tpu.memref_squeeze %dma_wait3A_54 : memref<1x64x80xi32, #tpu.memory_space<hbm>> -> memref<64x80xi32, #tpu.memory_space<hbm>>
      %dma_wait3A_56 = arith.constant 0 : i32
      %dma_wait3A_57 = arith.constant 0 : i32
      %dma_wait3A_58 = tpu.memref_slice %arg5[%add3A, %dma_wait3A_56, %dma_wait3A_57] : memref<32x64x80xi32, #tpu.memory_space<hbm>> -> memref<1x64x80xi32, #tpu.memory_space<hbm>>
      %dma_wait3A_59 = tpu.memref_squeeze %dma_wait3A_58 : memref<1x64x80xi32, #tpu.memory_space<hbm>> -> memref<64x80xi32, #tpu.memory_space<hbm>>
      tpu.wait_dma2 semaphore(%run_scoped3A : memref<!tpu.dma_semaphore, #tpu.memory_space<semaphore_mem>>) src(%dma_wait3A_59 : memref<64x80xi32, #tpu.memory_space<hbm>>) dst(%arg9 : memref<64x80xi32, #tpu.memory_space<vmem>>)
      tpu.yield
    }) : () -> ()
    %mul3A_1 = arith.constant 5120 : i32
    %mul3A_2 = arith.muli %add3A, %mul3A_1 : i32
    %dma_start3A = arith.constant 0 : i32
    %dma_start3A_3 = arith.constant 0 : i32
    %dma_start3A_4 = tpu.memref_slice %arg8[%dma_start3A, %dma_start3A_3] : memref<64x80xi32, #tpu.memory_space<vmem>> -> memref<1x80xi32, #tpu.memory_space<vmem>>
    %dma_start3A_5 = tpu.memref_squeeze %dma_start3A_4 : memref<1x80xi32, #tpu.memory_space<vmem>> -> memref<80xi32, #tpu.memory_space<vmem>>
    %dma_start3A_6 = arith.constant 0 : i32
    %dma_start3A_7 = arith.constant 0 : i32
    %dma_start3A_8 = tpu.memref_slice %arg2[%dma_start3A_6, %dma_start3A_7] : memref<10000x128xi32, #tpu.memory_space<hbm>> -> memref<10000x128xi32, #tpu.memory_space<hbm>>
    tpu.enqueue_indirect_dma source(%dma_start3A_8 : memref<10000x128xi32, #tpu.memory_space<hbm>>) target(%arg10 : memref<80x128xi32, #tpu.memory_space<vmem>>) offsets(%dma_start3A_5 : memref<80xi32, #tpu.memory_space<vmem>>) semaphore(%arg14 : memref<!tpu.dma_semaphore, #tpu.memory_space<semaphore_mem>>)
    %dma_start3A_9 = arith.constant 0 : i32
    %dma_start3A_10 = arith.constant 0 : i32
    %dma_start3A_11 = tpu.memref_slice %arg9[%dma_start3A_9, %dma_start3A_10] : memref<64x80xi32, #tpu.memory_space<vmem>> -> memref<1x80xi32, #tpu.memory_space<vmem>>
    %dma_start3A_12 = tpu.memref_squeeze %dma_start3A_11 : memref<1x80xi32, #tpu.memory_space<vmem>> -> memref<80xi32, #tpu.memory_space<vmem>>
    %dma_start3A_13 = arith.constant 0 : i32
    %dma_start3A_14 = arith.constant 0 : i32
    %dma_start3A_15 = tpu.memref_slice %arg3[%dma_start3A_13, %dma_start3A_14] : memref<10000x128xi32, #tpu.memory_space<hbm>> -> memref<10000x128xi32, #tpu.memory_space<hbm>>
    tpu.enqueue_indirect_dma source(%dma_start3A_15 : memref<10000x128xi32, #tpu.memory_space<hbm>>) target(%arg12 : memref<80x128xi32, #tpu.memory_space<vmem>>) offsets(%dma_start3A_12 : memref<80xi32, #tpu.memory_space<vmem>>) semaphore(%arg16 : memref<!tpu.dma_semaphore, #tpu.memory_space<semaphore_mem>>)
    %scan3A = arith.constant 0 : i32
    %scan3A_16 = arith.constant 0 : i32
    %scan3A_17 = arith.constant 32 : i32
    %scan3A_18 = arith.addi %scan3A_16, %scan3A_17 : i32
    %scan3A_19 = arith.constant 1 : i32
    scf.for %scan3A_44 = %scan3A_16 to %scan3A_18 step %scan3A_19  : i32 {
      %mul3A_45 = arith.constant 2 : i32
      %mul3A_46 = arith.muli %mul3A_45, %scan3A_44 : i32
      %add3A_47 = arith.constant 0 : i32
      %add3A_48 = arith.addi %mul3A_46, %add3A_47 : i32
      %add3A_49 = arith.constant 1 : i32
      %add3A_50 = arith.addi %add3A_48, %add3A_49 : i32
      %lt3A = arith.constant 64 : i32
      %lt3A_51 = arith.cmpi slt, %add3A_50, %lt3A : i32
      %convert_element_type3A = arith.extui %lt3A_51 : i1 to i32
      %cond3A = arith.constant 0 : i32
      %cond3A_52 = arith.cmpi ne, %convert_element_type3A, %cond3A : i32
      scf.if %cond3A_52 {
        %ge3A = arith.constant 1 : i32
        %ge3A_116 = arith.cmpi sge, %add3A_48, %ge3A : i32
        %convert_element_type3A_117 = arith.extui %ge3A_116 : i1 to i32
        %cond3A_118 = arith.constant 0 : i32
        %cond3A_119 = arith.cmpi ne, %convert_element_type3A_117, %cond3A_118 : i32
        scf.if %cond3A_119 {
          %sub3A = arith.constant 1 : i32
          %sub3A_132 = arith.subi %add3A_48, %sub3A : i32
          %mul3A_133 = arith.constant 80 : i32
          %mul3A_134 = arith.muli %sub3A_132, %mul3A_133 : i32
          %add3A_135 = arith.addi %mul3A_2, %mul3A_134 : i32
          %dma_wait3A_136 = arith.constant 0 : i32
          %dma_wait3A_137 = tpu.memref_slice %arg6[%add3A_135, %dma_wait3A_136] : memref<163840x128xi32, #tpu.memory_space<hbm>> -> memref<80x128xi32, #tpu.memory_space<hbm>>
          %dma_wait3A_138 = arith.constant 0 : i32
          %dma_wait3A_139 = tpu.memref_slice %arg6[%add3A_135, %dma_wait3A_138] : memref<163840x128xi32, #tpu.memory_space<hbm>> -> memref<80x128xi32, #tpu.memory_space<hbm>>
          tpu.wait_dma2 semaphore(%arg19 : memref<!tpu.dma_semaphore, #tpu.memory_space<semaphore_mem>>) src(%arg11 : memref<80x128xi32, #tpu.memory_space<vmem>>) dst(%dma_wait3A_139 : memref<80x128xi32, #tpu.memory_space<hbm>>)
          %sub3A_140 = arith.constant 1 : i32
          %sub3A_141 = arith.subi %add3A_48, %sub3A_140 : i32
          %mul3A_142 = arith.constant 80 : i32
          %mul3A_143 = arith.muli %sub3A_141, %mul3A_142 : i32
          %add3A_144 = arith.addi %mul3A_2, %mul3A_143 : i32
          %dma_wait3A_145 = arith.constant 0 : i32
          %dma_wait3A_146 = tpu.memref_slice %arg7[%add3A_144, %dma_wait3A_145] : memref<163840x128xi32, #tpu.memory_space<hbm>> -> memref<80x128xi32, #tpu.memory_space<hbm>>
          %dma_wait3A_147 = arith.constant 0 : i32
          %dma_wait3A_148 = tpu.memref_slice %arg7[%add3A_144, %dma_wait3A_147] : memref<163840x128xi32, #tpu.memory_space<hbm>> -> memref<80x128xi32, #tpu.memory_space<hbm>>
          tpu.wait_dma2 semaphore(%arg21 : memref<!tpu.dma_semaphore, #tpu.memory_space<semaphore_mem>>) src(%arg13 : memref<80x128xi32, #tpu.memory_space<vmem>>) dst(%dma_wait3A_148 : memref<80x128xi32, #tpu.memory_space<hbm>>)
        } else {
        }
        %dma_start3A_120 = arith.constant 0 : i32
        %dma_start3A_121 = tpu.memref_slice %arg8[%add3A_50, %dma_start3A_120] : memref<64x80xi32, #tpu.memory_space<vmem>> -> memref<1x80xi32, #tpu.memory_space<vmem>>
        %dma_start3A_122 = tpu.memref_squeeze %dma_start3A_121 : memref<1x80xi32, #tpu.memory_space<vmem>> -> memref<80xi32, #tpu.memory_space<vmem>>
        %dma_start3A_123 = arith.constant 0 : i32
        %dma_start3A_124 = arith.constant 0 : i32
        %dma_start3A_125 = tpu.memref_slice %arg2[%dma_start3A_123, %dma_start3A_124] : memref<10000x128xi32, #tpu.memory_space<hbm>> -> memref<10000x128xi32, #tpu.memory_space<hbm>>
        tpu.enqueue_indirect_dma source(%dma_start3A_125 : memref<10000x128xi32, #tpu.memory_space<hbm>>) target(%arg11 : memref<80x128xi32, #tpu.memory_space<vmem>>) offsets(%dma_start3A_122 : memref<80xi32, #tpu.memory_space<vmem>>) semaphore(%arg15 : memref<!tpu.dma_semaphore, #tpu.memory_space<semaphore_mem>>)
        %dma_start3A_126 = arith.constant 0 : i32
        %dma_start3A_127 = tpu.memref_slice %arg9[%add3A_50, %dma_start3A_126] : memref<64x80xi32, #tpu.memory_space<vmem>> -> memref<1x80xi32, #tpu.memory_space<vmem>>
        %dma_start3A_128 = tpu.memref_squeeze %dma_start3A_127 : memref<1x80xi32, #tpu.memory_space<vmem>> -> memref<80xi32, #tpu.memory_space<vmem>>
        %dma_start3A_129 = arith.constant 0 : i32
        %dma_start3A_130 = arith.constant 0 : i32
        %dma_start3A_131 = tpu.memref_slice %arg3[%dma_start3A_129, %dma_start3A_130] : memref<10000x128xi32, #tpu.memory_space<hbm>> -> memref<10000x128xi32, #tpu.memory_space<hbm>>
        tpu.enqueue_indirect_dma source(%dma_start3A_131 : memref<10000x128xi32, #tpu.memory_space<hbm>>) target(%arg13 : memref<80x128xi32, #tpu.memory_space<vmem>>) offsets(%dma_start3A_128 : memref<80xi32, #tpu.memory_space<vmem>>) semaphore(%arg17 : memref<!tpu.dma_semaphore, #tpu.memory_space<semaphore_mem>>)
      } else {
      }
      %dma_wait3A_53 = arith.constant 0 : i32
      %dma_wait3A_54 = tpu.memref_slice %arg8[%add3A_48, %dma_wait3A_53] : memref<64x80xi32, #tpu.memory_space<vmem>> -> memref<1x80xi32, #tpu.memory_space<vmem>>
      %dma_wait3A_55 = tpu.memref_squeeze %dma_wait3A_54 : memref<1x80xi32, #tpu.memory_space<vmem>> -> memref<80xi32, #tpu.memory_space<vmem>>
      %dma_wait3A_56 = arith.constant 0 : i32
      %dma_wait3A_57 = arith.constant 0 : i32
      %dma_wait3A_58 = tpu.memref_slice %arg2[%dma_wait3A_56, %dma_wait3A_57] : memref<10000x128xi32, #tpu.memory_space<hbm>> -> memref<10000x128xi32, #tpu.memory_space<hbm>>
      tpu.wait_indirect_dma semaphore(%arg14 : memref<!tpu.dma_semaphore, #tpu.memory_space<semaphore_mem>>) src(%dma_wait3A_58 : memref<10000x128xi32, #tpu.memory_space<hbm>>) dst(%arg10 : memref<80x128xi32, #tpu.memory_space<vmem>>)
      %dma_wait3A_59 = arith.constant 0 : i32
      %dma_wait3A_60 = tpu.memref_slice %arg9[%add3A_48, %dma_wait3A_59] : memref<64x80xi32, #tpu.memory_space<vmem>> -> memref<1x80xi32, #tpu.memory_space<vmem>>
      %dma_wait3A_61 = tpu.memref_squeeze %dma_wait3A_60 : memref<1x80xi32, #tpu.memory_space<vmem>> -> memref<80xi32, #tpu.memory_space<vmem>>
      %dma_wait3A_62 = arith.constant 0 : i32
      %dma_wait3A_63 = arith.constant 0 : i32
      %dma_wait3A_64 = tpu.memref_slice %arg3[%dma_wait3A_62, %dma_wait3A_63] : memref<10000x128xi32, #tpu.memory_space<hbm>> -> memref<10000x128xi32, #tpu.memory_space<hbm>>
      tpu.wait_indirect_dma semaphore(%arg16 : memref<!tpu.dma_semaphore, #tpu.memory_space<semaphore_mem>>) src(%dma_wait3A_64 : memref<10000x128xi32, #tpu.memory_space<hbm>>) dst(%arg12 : memref<80x128xi32, #tpu.memory_space<vmem>>)
      %mul3A_65 = arith.constant 80 : i32
      %mul3A_66 = arith.muli %add3A_48, %mul3A_65 : i32
      %add3A_67 = arith.addi %mul3A_2, %mul3A_66 : i32
      %dma_start3A_68 = arith.constant 0 : i32
      %dma_start3A_69 = tpu.memref_slice %arg6[%add3A_67, %dma_start3A_68] : memref<163840x128xi32, #tpu.memory_space<hbm>> -> memref<80x128xi32, #tpu.memory_space<hbm>>
      %dma_start3A_70 = arith.constant 0 : i32
      %dma_start3A_71 = tpu.memref_slice %arg6[%add3A_67, %dma_start3A_70] : memref<163840x128xi32, #tpu.memory_space<hbm>> -> memref<80x128xi32, #tpu.memory_space<hbm>>
      tpu.enqueue_dma source(%arg10 : memref<80x128xi32, #tpu.memory_space<vmem>>) target(%dma_start3A_71 : memref<80x128xi32, #tpu.memory_space<hbm>>) target_semaphore(%arg18 : memref<!tpu.dma_semaphore, #tpu.memory_space<semaphore_mem>>)
      %mul3A_72 = arith.constant 80 : i32
      %mul3A_73 = arith.muli %add3A_48, %mul3A_72 : i32
      %add3A_74 = arith.addi %mul3A_2, %mul3A_73 : i32
      %dma_start3A_75 = arith.constant 0 : i32
      %dma_start3A_76 = tpu.memref_slice %arg7[%add3A_74, %dma_start3A_75] : memref<163840x128xi32, #tpu.memory_space<hbm>> -> memref<80x128xi32, #tpu.memory_space<hbm>>
      %dma_start3A_77 = arith.constant 0 : i32
      %dma_start3A_78 = tpu.memref_slice %arg7[%add3A_74, %dma_start3A_77] : memref<163840x128xi32, #tpu.memory_space<hbm>> -> memref<80x128xi32, #tpu.memory_space<hbm>>
      tpu.enqueue_dma source(%arg12 : memref<80x128xi32, #tpu.memory_space<vmem>>) target(%dma_start3A_78 : memref<80x128xi32, #tpu.memory_space<hbm>>) target_semaphore(%arg20 : memref<!tpu.dma_semaphore, #tpu.memory_space<semaphore_mem>>)
      %mul3A_79 = arith.constant 2 : i32
      %mul3A_80 = arith.muli %mul3A_79, %scan3A_44 : i32
      %add3A_81 = arith.constant 1 : i32
      %add3A_82 = arith.addi %mul3A_80, %add3A_81 : i32
      %add3A_83 = arith.constant 1 : i32
      %add3A_84 = arith.addi %add3A_82, %add3A_83 : i32
      %lt3A_85 = arith.constant 64 : i32
      %lt3A_86 = arith.cmpi slt, %add3A_84, %lt3A_85 : i32
      %convert_element_type3A_87 = arith.extui %lt3A_86 : i1 to i32
      %cond3A_88 = arith.constant 0 : i32
      %cond3A_89 = arith.cmpi ne, %convert_element_type3A_87, %cond3A_88 : i32
      scf.if %cond3A_89 {
        %ge3A = arith.constant 1 : i32
        %ge3A_116 = arith.cmpi sge, %add3A_82, %ge3A : i32
        %convert_element_type3A_117 = arith.extui %ge3A_116 : i1 to i32
        %cond3A_118 = arith.constant 0 : i32
        %cond3A_119 = arith.cmpi ne, %convert_element_type3A_117, %cond3A_118 : i32
        scf.if %cond3A_119 {
          %sub3A = arith.constant 1 : i32
          %sub3A_132 = arith.subi %add3A_82, %sub3A : i32
          %mul3A_133 = arith.constant 80 : i32
          %mul3A_134 = arith.muli %sub3A_132, %mul3A_133 : i32
          %add3A_135 = arith.addi %mul3A_2, %mul3A_134 : i32
          %dma_wait3A_136 = arith.constant 0 : i32
          %dma_wait3A_137 = tpu.memref_slice %arg6[%add3A_135, %dma_wait3A_136] : memref<163840x128xi32, #tpu.memory_space<hbm>> -> memref<80x128xi32, #tpu.memory_space<hbm>>
          %dma_wait3A_138 = arith.constant 0 : i32
          %dma_wait3A_139 = tpu.memref_slice %arg6[%add3A_135, %dma_wait3A_138] : memref<163840x128xi32, #tpu.memory_space<hbm>> -> memref<80x128xi32, #tpu.memory_space<hbm>>
          tpu.wait_dma2 semaphore(%arg18 : memref<!tpu.dma_semaphore, #tpu.memory_space<semaphore_mem>>) src(%arg10 : memref<80x128xi32, #tpu.memory_space<vmem>>) dst(%dma_wait3A_139 : memref<80x128xi32, #tpu.memory_space<hbm>>)
          %sub3A_140 = arith.constant 1 : i32
          %sub3A_141 = arith.subi %add3A_82, %sub3A_140 : i32
          %mul3A_142 = arith.constant 80 : i32
          %mul3A_143 = arith.muli %sub3A_141, %mul3A_142 : i32
          %add3A_144 = arith.addi %mul3A_2, %mul3A_143 : i32
          %dma_wait3A_145 = arith.constant 0 : i32
          %dma_wait3A_146 = tpu.memref_slice %arg7[%add3A_144, %dma_wait3A_145] : memref<163840x128xi32, #tpu.memory_space<hbm>> -> memref<80x128xi32, #tpu.memory_space<hbm>>
          %dma_wait3A_147 = arith.constant 0 : i32
          %dma_wait3A_148 = tpu.memref_slice %arg7[%add3A_144, %dma_wait3A_147] : memref<163840x128xi32, #tpu.memory_space<hbm>> -> memref<80x128xi32, #tpu.memory_space<hbm>>
          tpu.wait_dma2 semaphore(%arg20 : memref<!tpu.dma_semaphore, #tpu.memory_space<semaphore_mem>>) src(%arg12 : memref<80x128xi32, #tpu.memory_space<vmem>>) dst(%dma_wait3A_148 : memref<80x128xi32, #tpu.memory_space<hbm>>)
        } else {
        }
        %dma_start3A_120 = arith.constant 0 : i32
        %dma_start3A_121 = tpu.memref_slice %arg8[%add3A_84, %dma_start3A_120] : memref<64x80xi32, #tpu.memory_space<vmem>> -> memref<1x80xi32, #tpu.memory_space<vmem>>
        %dma_start3A_122 = tpu.memref_squeeze %dma_start3A_121 : memref<1x80xi32, #tpu.memory_space<vmem>> -> memref<80xi32, #tpu.memory_space<vmem>>
        %dma_start3A_123 = arith.constant 0 : i32
        %dma_start3A_124 = arith.constant 0 : i32
        %dma_start3A_125 = tpu.memref_slice %arg2[%dma_start3A_123, %dma_start3A_124] : memref<10000x128xi32, #tpu.memory_space<hbm>> -> memref<10000x128xi32, #tpu.memory_space<hbm>>
        tpu.enqueue_indirect_dma source(%dma_start3A_125 : memref<10000x128xi32, #tpu.memory_space<hbm>>) target(%arg10 : memref<80x128xi32, #tpu.memory_space<vmem>>) offsets(%dma_start3A_122 : memref<80xi32, #tpu.memory_space<vmem>>) semaphore(%arg14 : memref<!tpu.dma_semaphore, #tpu.memory_space<semaphore_mem>>)
        %dma_start3A_126 = arith.constant 0 : i32
        %dma_start3A_127 = tpu.memref_slice %arg9[%add3A_84, %dma_start3A_126] : memref<64x80xi32, #tpu.memory_space<vmem>> -> memref<1x80xi32, #tpu.memory_space<vmem>>
        %dma_start3A_128 = tpu.memref_squeeze %dma_start3A_127 : memref<1x80xi32, #tpu.memory_space<vmem>> -> memref<80xi32, #tpu.memory_space<vmem>>
        %dma_start3A_129 = arith.constant 0 : i32
        %dma_start3A_130 = arith.constant 0 : i32
        %dma_start3A_131 = tpu.memref_slice %arg3[%dma_start3A_129, %dma_start3A_130] : memref<10000x128xi32, #tpu.memory_space<hbm>> -> memref<10000x128xi32, #tpu.memory_space<hbm>>
        tpu.enqueue_indirect_dma source(%dma_start3A_131 : memref<10000x128xi32, #tpu.memory_space<hbm>>) target(%arg12 : memref<80x128xi32, #tpu.memory_space<vmem>>) offsets(%dma_start3A_128 : memref<80xi32, #tpu.memory_space<vmem>>) semaphore(%arg16 : memref<!tpu.dma_semaphore, #tpu.memory_space<semaphore_mem>>)
      } else {
      }
      %dma_wait3A_90 = arith.constant 0 : i32
      %dma_wait3A_91 = tpu.memref_slice %arg8[%add3A_82, %dma_wait3A_90] : memref<64x80xi32, #tpu.memory_space<vmem>> -> memref<1x80xi32, #tpu.memory_space<vmem>>
      %dma_wait3A_92 = tpu.memref_squeeze %dma_wait3A_91 : memref<1x80xi32, #tpu.memory_space<vmem>> -> memref<80xi32, #tpu.memory_space<vmem>>
      %dma_wait3A_93 = arith.constant 0 : i32
      %dma_wait3A_94 = arith.constant 0 : i32
      %dma_wait3A_95 = tpu.memref_slice %arg2[%dma_wait3A_93, %dma_wait3A_94] : memref<10000x128xi32, #tpu.memory_space<hbm>> -> memref<10000x128xi32, #tpu.memory_space<hbm>>
      tpu.wait_indirect_dma semaphore(%arg15 : memref<!tpu.dma_semaphore, #tpu.memory_space<semaphore_mem>>) src(%dma_wait3A_95 : memref<10000x128xi32, #tpu.memory_space<hbm>>) dst(%arg11 : memref<80x128xi32, #tpu.memory_space<vmem>>)
      %dma_wait3A_96 = arith.constant 0 : i32
      %dma_wait3A_97 = tpu.memref_slice %arg9[%add3A_82, %dma_wait3A_96] : memref<64x80xi32, #tpu.memory_space<vmem>> -> memref<1x80xi32, #tpu.memory_space<vmem>>
      %dma_wait3A_98 = tpu.memref_squeeze %dma_wait3A_97 : memref<1x80xi32, #tpu.memory_space<vmem>> -> memref<80xi32, #tpu.memory_space<vmem>>
      %dma_wait3A_99 = arith.constant 0 : i32
      %dma_wait3A_100 = arith.constant 0 : i32
      %dma_wait3A_101 = tpu.memref_slice %arg3[%dma_wait3A_99, %dma_wait3A_100] : memref<10000x128xi32, #tpu.memory_space<hbm>> -> memref<10000x128xi32, #tpu.memory_space<hbm>>
      tpu.wait_indirect_dma semaphore(%arg17 : memref<!tpu.dma_semaphore, #tpu.memory_space<semaphore_mem>>) src(%dma_wait3A_101 : memref<10000x128xi32, #tpu.memory_space<hbm>>) dst(%arg13 : memref<80x128xi32, #tpu.memory_space<vmem>>)
      %mul3A_102 = arith.constant 80 : i32
      %mul3A_103 = arith.muli %add3A_82, %mul3A_102 : i32
      %add3A_104 = arith.addi %mul3A_2, %mul3A_103 : i32
      %dma_start3A_105 = arith.constant 0 : i32
      %dma_start3A_106 = tpu.memref_slice %arg6[%add3A_104, %dma_start3A_105] : memref<163840x128xi32, #tpu.memory_space<hbm>> -> memref<80x128xi32, #tpu.memory_space<hbm>>
      %dma_start3A_107 = arith.constant 0 : i32
      %dma_start3A_108 = tpu.memref_slice %arg6[%add3A_104, %dma_start3A_107] : memref<163840x128xi32, #tpu.memory_space<hbm>> -> memref<80x128xi32, #tpu.memory_space<hbm>>
      tpu.enqueue_dma source(%arg11 : memref<80x128xi32, #tpu.memory_space<vmem>>) target(%dma_start3A_108 : memref<80x128xi32, #tpu.memory_space<hbm>>) target_semaphore(%arg19 : memref<!tpu.dma_semaphore, #tpu.memory_space<semaphore_mem>>)
      %mul3A_109 = arith.constant 80 : i32
      %mul3A_110 = arith.muli %add3A_82, %mul3A_109 : i32
      %add3A_111 = arith.addi %mul3A_2, %mul3A_110 : i32
      %dma_start3A_112 = arith.constant 0 : i32
      %dma_start3A_113 = tpu.memref_slice %arg7[%add3A_111, %dma_start3A_112] : memref<163840x128xi32, #tpu.memory_space<hbm>> -> memref<80x128xi32, #tpu.memory_space<hbm>>
      %dma_start3A_114 = arith.constant 0 : i32
      %dma_start3A_115 = tpu.memref_slice %arg7[%add3A_111, %dma_start3A_114] : memref<163840x128xi32, #tpu.memory_space<hbm>> -> memref<80x128xi32, #tpu.memory_space<hbm>>
      tpu.enqueue_dma source(%arg13 : memref<80x128xi32, #tpu.memory_space<vmem>>) target(%dma_start3A_115 : memref<80x128xi32, #tpu.memory_space<hbm>>) target_semaphore(%arg21 : memref<!tpu.dma_semaphore, #tpu.memory_space<semaphore_mem>>)
    }
    %scan3A_20 = arith.constant 32 : i32
    %add3A_21 = arith.constant 4960 : i32
    %add3A_22 = arith.addi %mul3A_2, %add3A_21 : i32
    %dma_wait3A = arith.constant 0 : i32
    %dma_wait3A_23 = tpu.memref_slice %arg6[%add3A_22, %dma_wait3A] : memref<163840x128xi32, #tpu.memory_space<hbm>> -> memref<80x128xi32, #tpu.memory_space<hbm>>
    %dma_wait3A_24 = arith.constant 0 : i32
    %dma_wait3A_25 = tpu.memref_slice %arg6[%add3A_22, %dma_wait3A_24] : memref<163840x128xi32, #tpu.memory_space<hbm>> -> memref<80x128xi32, #tpu.memory_space<hbm>>
    tpu.wait_dma2 semaphore(%arg18 : memref<!tpu.dma_semaphore, #tpu.memory_space<semaphore_mem>>) src(%arg10 : memref<80x128xi32, #tpu.memory_space<vmem>>) dst(%dma_wait3A_25 : memref<80x128xi32, #tpu.memory_space<hbm>>)
    %add3A_26 = arith.constant 5040 : i32
    %add3A_27 = arith.addi %mul3A_2, %add3A_26 : i32
    %dma_wait3A_28 = arith.constant 0 : i32
    %dma_wait3A_29 = tpu.memref_slice %arg6[%add3A_27, %dma_wait3A_28] : memref<163840x128xi32, #tpu.memory_space<hbm>> -> memref<80x128xi32, #tpu.memory_space<hbm>>
    %dma_wait3A_30 = arith.constant 0 : i32
    %dma_wait3A_31 = tpu.memref_slice %arg6[%add3A_27, %dma_wait3A_30] : memref<163840x128xi32, #tpu.memory_space<hbm>> -> memref<80x128xi32, #tpu.memory_space<hbm>>
    tpu.wait_dma2 semaphore(%arg19 : memref<!tpu.dma_semaphore, #tpu.memory_space<semaphore_mem>>) src(%arg11 : memref<80x128xi32, #tpu.memory_space<vmem>>) dst(%dma_wait3A_31 : memref<80x128xi32, #tpu.memory_space<hbm>>)
    %add3A_32 = arith.constant 4960 : i32
    %add3A_33 = arith.addi %mul3A_2, %add3A_32 : i32
    %dma_wait3A_34 = arith.constant 0 : i32
    %dma_wait3A_35 = tpu.memref_slice %arg7[%add3A_33, %dma_wait3A_34] : memref<163840x128xi32, #tpu.memory_space<hbm>> -> memref<80x128xi32, #tpu.memory_space<hbm>>
    %dma_wait3A_36 = arith.constant 0 : i32
    %dma_wait3A_37 = tpu.memref_slice %arg7[%add3A_33, %dma_wait3A_36] : memref<163840x128xi32, #tpu.memory_space<hbm>> -> memref<80x128xi32, #tpu.memory_space<hbm>>
    tpu.wait_dma2 semaphore(%arg20 : memref<!tpu.dma_semaphore, #tpu.memory_space<semaphore_mem>>) src(%arg12 : memref<80x128xi32, #tpu.memory_space<vmem>>) dst(%dma_wait3A_37 : memref<80x128xi32, #tpu.memory_space<hbm>>)
    %add3A_38 = arith.constant 5040 : i32
    %add3A_39 = arith.addi %mul3A_2, %add3A_38 : i32
    %dma_wait3A_40 = arith.constant 0 : i32
    %dma_wait3A_41 = tpu.memref_slice %arg7[%add3A_39, %dma_wait3A_40] : memref<163840x128xi32, #tpu.memory_space<hbm>> -> memref<80x128xi32, #tpu.memory_space<hbm>>
    %dma_wait3A_42 = arith.constant 0 : i32
    %dma_wait3A_43 = tpu.memref_slice %arg7[%add3A_39, %dma_wait3A_42] : memref<163840x128xi32, #tpu.memory_space<hbm>> -> memref<80x128xi32, #tpu.memory_space<hbm>>
    tpu.wait_dma2 semaphore(%arg21 : memref<!tpu.dma_semaphore, #tpu.memory_space<semaphore_mem>>) src(%arg13 : memref<80x128xi32, #tpu.memory_space<vmem>>) dst(%dma_wait3A_43 : memref<80x128xi32, #tpu.memory_space<hbm>>)
    return
  }
}

#map = affine_map<(d0, d1) -> (0, 0)>
#map1 = affine_map<(d0, d1) -> (0, 0, 0)>
module attributes {stable_mosaic.version = 14 : i64} {
  func.func @_agg_s_body(%arg0: i32, %arg1: i32, %arg2: memref<10000x128xf32, #tpu.memory_space<hbm>>, %arg3: memref<10000x128xf32, #tpu.memory_space<hbm>>, %arg4: memref<16x128x80xi32, #tpu.memory_space<hbm>>, %arg5: memref<16x128x80xi32, #tpu.memory_space<hbm>>, %arg6: memref<10240x128xf32, #tpu.memory_space<hbm>>, %arg7: memref<10240x128xf32, #tpu.memory_space<hbm>>, %arg8: memref<10240x128xf32, #tpu.memory_space<hbm>>, %arg9: memref<10240x128xf32, #tpu.memory_space<vmem_shared>>, %arg10: memref<2x80xi32, #tpu.memory_space<vmem>>, %arg11: memref<128x80xi32, #tpu.memory_space<vmem>>, %arg12: memref<80x128xf32, #tpu.memory_space<vmem>>, %arg13: memref<80x128xf32, #tpu.memory_space<vmem>>, %arg14: memref<!tpu.dma_semaphore, #tpu.memory_space<semaphore_mem>>, %arg15: memref<!tpu.dma_semaphore, #tpu.memory_space<semaphore_mem>>, %arg16: memref<!tpu.dma_semaphore, #tpu.memory_space<semaphore_mem>>, %arg17: memref<!tpu.dma_semaphore, #tpu.memory_space<semaphore_mem>>) attributes {dimension_semantics = [#tpu.dimension_semantics<core_parallel>, #tpu.dimension_semantics<subcore_parallel>], iteration_bounds = array<i64: 2, 16>, scalar_prefetch = 0 : i64, scratch_operands = 9 : i64, tpu.core_type = #tpu.core_type<sc_vector_subcore>, window_params = [{transform_indices = #map}, {transform_indices = #map}, {transform_indices = #map1}, {transform_indices = #map1}, {transform_indices = #map}, {transform_indices = #map}, {transform_indices = #map}]} {
    %mul3A = arith.constant 640 : i32
    %mul3A_0 = arith.muli %arg1, %mul3A : i32
    %eq3A = arith.constant 0 : i32
    %eq3A_1 = arith.cmpi eq, %arg0, %eq3A : i32
    %convert_element_type3A = arith.extui %eq3A_1 : i1 to i32
    %cond3A = arith.constant 0 : i32
    %cond3A_2 = arith.cmpi ne, %convert_element_type3A, %cond3A : i32
    scf.if %cond3A_2 {
      "tpu.region"() ({
        %run_scoped3A = tpu.sem_alloc : memref<!tpu.dma_semaphore, #tpu.memory_space<semaphore_mem>>
        %dma_start3A_34 = arith.constant 0 : i32
        %dma_start3A_35 = arith.constant 0 : i32
        %dma_start3A_36 = tpu.memref_slice %arg5[%arg1, %dma_start3A_34, %dma_start3A_35] : memref<16x128x80xi32, #tpu.memory_space<hbm>> -> memref<1x128x80xi32, #tpu.memory_space<hbm>>
        %dma_start3A_37 = tpu.memref_squeeze %dma_start3A_36 : memref<1x128x80xi32, #tpu.memory_space<hbm>> -> memref<128x80xi32, #tpu.memory_space<hbm>>
        %dma_start3A_38 = arith.constant 0 : i32
        %dma_start3A_39 = arith.constant 0 : i32
        %dma_start3A_40 = tpu.memref_slice %arg5[%arg1, %dma_start3A_38, %dma_start3A_39] : memref<16x128x80xi32, #tpu.memory_space<hbm>> -> memref<1x128x80xi32, #tpu.memory_space<hbm>>
        %dma_start3A_41 = tpu.memref_squeeze %dma_start3A_40 : memref<1x128x80xi32, #tpu.memory_space<hbm>> -> memref<128x80xi32, #tpu.memory_space<hbm>>
        tpu.enqueue_dma source(%dma_start3A_41 : memref<128x80xi32, #tpu.memory_space<hbm>>) target(%arg11 : memref<128x80xi32, #tpu.memory_space<vmem>>) target_semaphore(%run_scoped3A : memref<!tpu.dma_semaphore, #tpu.memory_space<semaphore_mem>>)
        %dma_wait3A = arith.constant 0 : i32
        %dma_wait3A_42 = arith.constant 0 : i32
        %dma_wait3A_43 = tpu.memref_slice %arg5[%arg1, %dma_wait3A, %dma_wait3A_42] : memref<16x128x80xi32, #tpu.memory_space<hbm>> -> memref<1x128x80xi32, #tpu.memory_space<hbm>>
        %dma_wait3A_44 = tpu.memref_squeeze %dma_wait3A_43 : memref<1x128x80xi32, #tpu.memory_space<hbm>> -> memref<128x80xi32, #tpu.memory_space<hbm>>
        %dma_wait3A_45 = arith.constant 0 : i32
        %dma_wait3A_46 = arith.constant 0 : i32
        %dma_wait3A_47 = tpu.memref_slice %arg5[%arg1, %dma_wait3A_45, %dma_wait3A_46] : memref<16x128x80xi32, #tpu.memory_space<hbm>> -> memref<1x128x80xi32, #tpu.memory_space<hbm>>
        %dma_wait3A_48 = tpu.memref_squeeze %dma_wait3A_47 : memref<1x128x80xi32, #tpu.memory_space<hbm>> -> memref<128x80xi32, #tpu.memory_space<hbm>>
        tpu.wait_dma2 semaphore(%run_scoped3A : memref<!tpu.dma_semaphore, #tpu.memory_space<semaphore_mem>>) src(%dma_wait3A_48 : memref<128x80xi32, #tpu.memory_space<hbm>>) dst(%arg11 : memref<128x80xi32, #tpu.memory_space<vmem>>)
        tpu.yield
      }) : () -> ()
      "tpu.region"() ({
        %run_scoped3A = tpu.sem_alloc : memref<!tpu.dma_semaphore, #tpu.memory_space<semaphore_mem>>
        %dma_start3A_34 = arith.constant 0 : i32
        %dma_start3A_35 = tpu.memref_slice %arg9[%mul3A_0, %dma_start3A_34] : memref<10240x128xf32, #tpu.memory_space<vmem_shared>> -> memref<640x128xf32, #tpu.memory_space<vmem_shared>>
        %dma_start3A_36 = arith.constant 0 : i32
        %dma_start3A_37 = tpu.memref_slice %arg6[%mul3A_0, %dma_start3A_36] : memref<10240x128xf32, #tpu.memory_space<hbm>> -> memref<640x128xf32, #tpu.memory_space<hbm>>
        tpu.enqueue_dma source(%dma_start3A_37 : memref<640x128xf32, #tpu.memory_space<hbm>>) target(%dma_start3A_35 : memref<640x128xf32, #tpu.memory_space<vmem_shared>>) target_semaphore(%run_scoped3A : memref<!tpu.dma_semaphore, #tpu.memory_space<semaphore_mem>>)
        %dma_wait3A = arith.constant 0 : i32
        %dma_wait3A_38 = tpu.memref_slice %arg9[%mul3A_0, %dma_wait3A] : memref<10240x128xf32, #tpu.memory_space<vmem_shared>> -> memref<640x128xf32, #tpu.memory_space<vmem_shared>>
        %dma_wait3A_39 = arith.constant 0 : i32
        %dma_wait3A_40 = tpu.memref_slice %arg6[%mul3A_0, %dma_wait3A_39] : memref<10240x128xf32, #tpu.memory_space<hbm>> -> memref<640x128xf32, #tpu.memory_space<hbm>>
        tpu.wait_dma2 semaphore(%run_scoped3A : memref<!tpu.dma_semaphore, #tpu.memory_space<semaphore_mem>>) src(%dma_wait3A_40 : memref<640x128xf32, #tpu.memory_space<hbm>>) dst(%dma_wait3A_38 : memref<640x128xf32, #tpu.memory_space<vmem_shared>>)
        tpu.yield
      }) : () -> ()
      %barrier3A = arith.constant 0 : index
      tpu.barrier barrier_id(%barrier3A)
      %dma_start3A = arith.constant 0 : i32
      %dma_start3A_8 = arith.constant 0 : i32
      %dma_start3A_9 = tpu.memref_slice %arg11[%dma_start3A, %dma_start3A_8] : memref<128x80xi32, #tpu.memory_space<vmem>> -> memref<1x80xi32, #tpu.memory_space<vmem>>
      %dma_start3A_10 = tpu.memref_squeeze %dma_start3A_9 : memref<1x80xi32, #tpu.memory_space<vmem>> -> memref<80xi32, #tpu.memory_space<vmem>>
      %dma_start3A_11 = arith.constant 0 : i32
      %dma_start3A_12 = arith.constant 0 : i32
      %dma_start3A_13 = tpu.memref_slice %arg2[%dma_start3A_11, %dma_start3A_12] : memref<10000x128xf32, #tpu.memory_space<hbm>> -> memref<10000x128xf32, #tpu.memory_space<hbm>>
      tpu.enqueue_indirect_dma source(%dma_start3A_13 : memref<10000x128xf32, #tpu.memory_space<hbm>>) target(%arg12 : memref<80x128xf32, #tpu.memory_space<vmem>>) offsets(%dma_start3A_10 : memref<80xi32, #tpu.memory_space<vmem>>) semaphore(%arg14 : memref<!tpu.dma_semaphore, #tpu.memory_space<semaphore_mem>>)
      %dma_start3A_14 = arith.constant 0 : i32
      %dma_start3A_15 = arith.constant 0 : i32
      %dma_start3A_16 = arith.constant 0 : i32
      %dma_start3A_17 = tpu.memref_slice %arg10[%dma_start3A_15, %dma_start3A_16] : memref<2x80xi32, #tpu.memory_space<vmem>> -> memref<1x80xi32, #tpu.memory_space<vmem>>
      %dma_start3A_18 = tpu.memref_squeeze %dma_start3A_17 : memref<1x80xi32, #tpu.memory_space<vmem>> -> memref<80xi32, #tpu.memory_space<vmem>>
      %dma_start3A_19 = arith.constant 0 : i32
      %dma_start3A_20 = tpu.memref_slice %arg4[%arg1, %dma_start3A_14, %dma_start3A_19] : memref<16x128x80xi32, #tpu.memory_space<hbm>> -> memref<1x1x80xi32, #tpu.memory_space<hbm>>
      %dma_start3A_21 = tpu.memref_squeeze %dma_start3A_20 : memref<1x1x80xi32, #tpu.memory_space<hbm>> -> memref<80xi32, #tpu.memory_space<hbm>>
      %dma_start3A_22 = arith.constant 0 : i32
      %dma_start3A_23 = tpu.memref_slice %arg10[%dma_start3A_15, %dma_start3A_22] : memref<2x80xi32, #tpu.memory_space<vmem>> -> memref<1x80xi32, #tpu.memory_space<vmem>>
      %dma_start3A_24 = tpu.memref_squeeze %dma_start3A_23 : memref<1x80xi32, #tpu.memory_space<vmem>> -> memref<80xi32, #tpu.memory_space<vmem>>
      %dma_start3A_25 = arith.constant 0 : i32
      %dma_start3A_26 = tpu.memref_slice %arg4[%arg1, %dma_start3A_14, %dma_start3A_25] : memref<16x128x80xi32, #tpu.memory_space<hbm>> -> memref<1x1x80xi32, #tpu.memory_space<hbm>>
      %dma_start3A_27 = tpu.memref_squeeze %dma_start3A_26 : memref<1x1x80xi32, #tpu.memory_space<hbm>> -> memref<80xi32, #tpu.memory_space<hbm>>
      tpu.enqueue_dma source(%dma_start3A_27 : memref<80xi32, #tpu.memory_space<hbm>>) target(%dma_start3A_24 : memref<80xi32, #tpu.memory_space<vmem>>) target_semaphore(%arg16 : memref<!tpu.dma_semaphore, #tpu.memory_space<semaphore_mem>>)
      %scan3A = arith.constant 0 : i32
      %scan3A_28 = arith.constant 0 : i32
      %scan3A_29 = arith.constant 64 : i32
      %scan3A_30 = arith.addi %scan3A_28, %scan3A_29 : i32
      %scan3A_31 = arith.constant 1 : i32
      scf.for %scan3A_34 = %scan3A_28 to %scan3A_30 step %scan3A_31  : i32 {
        %mul3A_35 = arith.constant 2 : i32
        %mul3A_36 = arith.muli %mul3A_35, %scan3A_34 : i32
        %add3A = arith.constant 0 : i32
        %add3A_37 = arith.addi %mul3A_36, %add3A : i32
        %add3A_38 = arith.constant 1 : i32
        %add3A_39 = arith.addi %add3A_37, %add3A_38 : i32
        %lt3A = arith.constant 128 : i32
        %lt3A_40 = arith.cmpi slt, %add3A_39, %lt3A : i32
        %convert_element_type3A_41 = arith.extui %lt3A_40 : i1 to i32
        %cond3A_42 = arith.constant 0 : i32
        %cond3A_43 = arith.cmpi ne, %convert_element_type3A_41, %cond3A_42 : i32
        scf.if %cond3A_43 {
          %add3A_93 = arith.constant 1 : i32
          %add3A_94 = arith.addi %add3A_37, %add3A_93 : i32
          %dma_start3A_95 = arith.constant 0 : i32
          %dma_start3A_96 = tpu.memref_slice %arg11[%add3A_94, %dma_start3A_95] : memref<128x80xi32, #tpu.memory_space<vmem>> -> memref<1x80xi32, #tpu.memory_space<vmem>>
          %dma_start3A_97 = tpu.memref_squeeze %dma_start3A_96 : memref<1x80xi32, #tpu.memory_space<vmem>> -> memref<80xi32, #tpu.memory_space<vmem>>
          %dma_start3A_98 = arith.constant 0 : i32
          %dma_start3A_99 = arith.constant 0 : i32
          %dma_start3A_100 = tpu.memref_slice %arg2[%dma_start3A_98, %dma_start3A_99] : memref<10000x128xf32, #tpu.memory_space<hbm>> -> memref<10000x128xf32, #tpu.memory_space<hbm>>
          tpu.enqueue_indirect_dma source(%dma_start3A_100 : memref<10000x128xf32, #tpu.memory_space<hbm>>) target(%arg13 : memref<80x128xf32, #tpu.memory_space<vmem>>) offsets(%dma_start3A_97 : memref<80xi32, #tpu.memory_space<vmem>>) semaphore(%arg15 : memref<!tpu.dma_semaphore, #tpu.memory_space<semaphore_mem>>)
          %add3A_101 = arith.constant 1 : i32
          %add3A_102 = arith.addi %add3A_37, %add3A_101 : i32
          %dma_start3A_103 = arith.constant 1 : i32
          %dma_start3A_104 = arith.constant 0 : i32
          %dma_start3A_105 = tpu.memref_slice %arg10[%dma_start3A_103, %dma_start3A_104] : memref<2x80xi32, #tpu.memory_space<vmem>> -> memref<1x80xi32, #tpu.memory_space<vmem>>
          %dma_start3A_106 = tpu.memref_squeeze %dma_start3A_105 : memref<1x80xi32, #tpu.memory_space<vmem>> -> memref<80xi32, #tpu.memory_space<vmem>>
          %dma_start3A_107 = arith.constant 0 : i32
          %dma_start3A_108 = tpu.memref_slice %arg4[%arg1, %add3A_102, %dma_start3A_107] : memref<16x128x80xi32, #tpu.memory_space<hbm>> -> memref<1x1x80xi32, #tpu.memory_space<hbm>>
          %dma_start3A_109 = tpu.memref_squeeze %dma_start3A_108 : memref<1x1x80xi32, #tpu.memory_space<hbm>> -> memref<80xi32, #tpu.memory_space<hbm>>
          %dma_start3A_110 = arith.constant 0 : i32
          %dma_start3A_111 = tpu.memref_slice %arg10[%dma_start3A_103, %dma_start3A_110] : memref<2x80xi32, #tpu.memory_space<vmem>> -> memref<1x80xi32, #tpu.memory_space<vmem>>
          %dma_start3A_112 = tpu.memref_squeeze %dma_start3A_111 : memref<1x80xi32, #tpu.memory_space<vmem>> -> memref<80xi32, #tpu.memory_space<vmem>>
          %dma_start3A_113 = arith.constant 0 : i32
          %dma_start3A_114 = tpu.memref_slice %arg4[%arg1, %add3A_102, %dma_start3A_113] : memref<16x128x80xi32, #tpu.memory_space<hbm>> -> memref<1x1x80xi32, #tpu.memory_space<hbm>>
          %dma_start3A_115 = tpu.memref_squeeze %dma_start3A_114 : memref<1x1x80xi32, #tpu.memory_space<hbm>> -> memref<80xi32, #tpu.memory_space<hbm>>
          tpu.enqueue_dma source(%dma_start3A_115 : memref<80xi32, #tpu.memory_space<hbm>>) target(%dma_start3A_112 : memref<80xi32, #tpu.memory_space<vmem>>) target_semaphore(%arg17 : memref<!tpu.dma_semaphore, #tpu.memory_space<semaphore_mem>>)
        } else {
        }
        %dma_wait3A = arith.constant 0 : i32
        %dma_wait3A_44 = tpu.memref_slice %arg11[%add3A_37, %dma_wait3A] : memref<128x80xi32, #tpu.memory_space<vmem>> -> memref<1x80xi32, #tpu.memory_space<vmem>>
        %dma_wait3A_45 = tpu.memref_squeeze %dma_wait3A_44 : memref<1x80xi32, #tpu.memory_space<vmem>> -> memref<80xi32, #tpu.memory_space<vmem>>
        %dma_wait3A_46 = arith.constant 0 : i32
        %dma_wait3A_47 = arith.constant 0 : i32
        %dma_wait3A_48 = tpu.memref_slice %arg2[%dma_wait3A_46, %dma_wait3A_47] : memref<10000x128xf32, #tpu.memory_space<hbm>> -> memref<10000x128xf32, #tpu.memory_space<hbm>>
        tpu.wait_indirect_dma semaphore(%arg14 : memref<!tpu.dma_semaphore, #tpu.memory_space<semaphore_mem>>) src(%dma_wait3A_48 : memref<10000x128xf32, #tpu.memory_space<hbm>>) dst(%arg12 : memref<80x128xf32, #tpu.memory_space<vmem>>)
        %dma_wait3A_49 = arith.constant 0 : i32
        %dma_wait3A_50 = arith.constant 0 : i32
        %dma_wait3A_51 = tpu.memref_slice %arg10[%dma_wait3A_49, %dma_wait3A_50] : memref<2x80xi32, #tpu.memory_space<vmem>> -> memref<1x80xi32, #tpu.memory_space<vmem>>
        %dma_wait3A_52 = tpu.memref_squeeze %dma_wait3A_51 : memref<1x80xi32, #tpu.memory_space<vmem>> -> memref<80xi32, #tpu.memory_space<vmem>>
        %dma_wait3A_53 = arith.constant 0 : i32
        %dma_wait3A_54 = tpu.memref_slice %arg4[%arg1, %add3A_37, %dma_wait3A_53] : memref<16x128x80xi32, #tpu.memory_space<hbm>> -> memref<1x1x80xi32, #tpu.memory_space<hbm>>
        %dma_wait3A_55 = tpu.memref_squeeze %dma_wait3A_54 : memref<1x1x80xi32, #tpu.memory_space<hbm>> -> memref<80xi32, #tpu.memory_space<hbm>>
        %dma_wait3A_56 = arith.constant 0 : i32
        %dma_wait3A_57 = tpu.memref_slice %arg10[%dma_wait3A_49, %dma_wait3A_56] : memref<2x80xi32, #tpu.memory_space<vmem>> -> memref<1x80xi32, #tpu.memory_space<vmem>>
        %dma_wait3A_58 = tpu.memref_squeeze %dma_wait3A_57 : memref<1x80xi32, #tpu.memory_space<vmem>> -> memref<80xi32, #tpu.memory_space<vmem>>
        %dma_wait3A_59 = arith.constant 0 : i32
        %dma_wait3A_60 = tpu.memref_slice %arg4[%arg1, %add3A_37, %dma_wait3A_59] : memref<16x128x80xi32, #tpu.memory_space<hbm>> -> memref<1x1x80xi32, #tpu.memory_space<hbm>>
        %dma_wait3A_61 = tpu.memref_squeeze %dma_wait3A_60 : memref<1x1x80xi32, #tpu.memory_space<hbm>> -> memref<80xi32, #tpu.memory_space<hbm>>
        tpu.wait_dma2 semaphore(%arg16 : memref<!tpu.dma_semaphore, #tpu.memory_space<semaphore_mem>>) src(%dma_wait3A_61 : memref<80xi32, #tpu.memory_space<hbm>>) dst(%dma_wait3A_58 : memref<80xi32, #tpu.memory_space<vmem>>)
        %run_scoped3A = arith.constant 0 : i32
        "tpu.region"() ({
          %run_scoped3A_93 = tpu.sem_alloc : memref<!tpu.dma_semaphore, #tpu.memory_space<semaphore_mem>>
          %dma_start3A_94 = arith.constant 0 : i32
          %dma_start3A_95 = tpu.memref_slice %arg10[%run_scoped3A, %dma_start3A_94] : memref<2x80xi32, #tpu.memory_space<vmem>> -> memref<1x80xi32, #tpu.memory_space<vmem>>
          %dma_start3A_96 = tpu.memref_squeeze %dma_start3A_95 : memref<1x80xi32, #tpu.memory_space<vmem>> -> memref<80xi32, #tpu.memory_space<vmem>>
          %dma_start3A_97 = arith.constant 0 : i32
          %dma_start3A_98 = arith.constant 0 : i32
          %dma_start3A_99 = tpu.memref_slice %arg9[%dma_start3A_97, %dma_start3A_98] : memref<10240x128xf32, #tpu.memory_space<vmem_shared>> -> memref<10240x128xf32, #tpu.memory_space<vmem_shared>>
          tpu.enqueue_indirect_dma source(%arg12 : memref<80x128xf32, #tpu.memory_space<vmem>>) target(%dma_start3A_99 : memref<10240x128xf32, #tpu.memory_space<vmem_shared>>) offsets(%dma_start3A_96 : memref<80xi32, #tpu.memory_space<vmem>>) semaphore(%run_scoped3A_93 : memref<!tpu.dma_semaphore, #tpu.memory_space<semaphore_mem>>) {add = true}
          %dma_wait3A_100 = arith.constant 0 : i32
          %dma_wait3A_101 = tpu.memref_slice %arg10[%run_scoped3A, %dma_wait3A_100] : memref<2x80xi32, #tpu.memory_space<vmem>> -> memref<1x80xi32, #tpu.memory_space<vmem>>
          %dma_wait3A_102 = tpu.memref_squeeze %dma_wait3A_101 : memref<1x80xi32, #tpu.memory_space<vmem>> -> memref<80xi32, #tpu.memory_space<vmem>>
          %dma_wait3A_103 = arith.constant 0 : i32
          %dma_wait3A_104 = arith.constant 0 : i32
          %dma_wait3A_105 = tpu.memref_slice %arg9[%dma_wait3A_103, %dma_wait3A_104] : memref<10240x128xf32, #tpu.memory_space<vmem_shared>> -> memref<10240x128xf32, #tpu.memory_space<vmem_shared>>
          tpu.wait_indirect_dma semaphore(%run_scoped3A_93 : memref<!tpu.dma_semaphore, #tpu.memory_space<semaphore_mem>>) src(%arg12 : memref<80x128xf32, #tpu.memory_space<vmem>>) dst(%dma_wait3A_105 : memref<10240x128xf32, #tpu.memory_space<vmem_shared>>)
          tpu.yield
        }) : () -> ()
        %mul3A_62 = arith.constant 2 : i32
        %mul3A_63 = arith.muli %mul3A_62, %scan3A_34 : i32
        %add3A_64 = arith.constant 1 : i32
        %add3A_65 = arith.addi %mul3A_63, %add3A_64 : i32
        %add3A_66 = arith.constant 1 : i32
        %add3A_67 = arith.addi %add3A_65, %add3A_66 : i32
        %lt3A_68 = arith.constant 128 : i32
        %lt3A_69 = arith.cmpi slt, %add3A_67, %lt3A_68 : i32
        %convert_element_type3A_70 = arith.extui %lt3A_69 : i1 to i32
        %cond3A_71 = arith.constant 0 : i32
        %cond3A_72 = arith.cmpi ne, %convert_element_type3A_70, %cond3A_71 : i32
        scf.if %cond3A_72 {
          %add3A_93 = arith.constant 1 : i32
          %add3A_94 = arith.addi %add3A_65, %add3A_93 : i32
          %dma_start3A_95 = arith.constant 0 : i32
          %dma_start3A_96 = tpu.memref_slice %arg11[%add3A_94, %dma_start3A_95] : memref<128x80xi32, #tpu.memory_space<vmem>> -> memref<1x80xi32, #tpu.memory_space<vmem>>
          %dma_start3A_97 = tpu.memref_squeeze %dma_start3A_96 : memref<1x80xi32, #tpu.memory_space<vmem>> -> memref<80xi32, #tpu.memory_space<vmem>>
          %dma_start3A_98 = arith.constant 0 : i32
          %dma_start3A_99 = arith.constant 0 : i32
          %dma_start3A_100 = tpu.memref_slice %arg2[%dma_start3A_98, %dma_start3A_99] : memref<10000x128xf32, #tpu.memory_space<hbm>> -> memref<10000x128xf32, #tpu.memory_space<hbm>>
          tpu.enqueue_indirect_dma source(%dma_start3A_100 : memref<10000x128xf32, #tpu.memory_space<hbm>>) target(%arg12 : memref<80x128xf32, #tpu.memory_space<vmem>>) offsets(%dma_start3A_97 : memref<80xi32, #tpu.memory_space<vmem>>) semaphore(%arg14 : memref<!tpu.dma_semaphore, #tpu.memory_space<semaphore_mem>>)
          %add3A_101 = arith.constant 1 : i32
          %add3A_102 = arith.addi %add3A_65, %add3A_101 : i32
          %dma_start3A_103 = arith.constant 0 : i32
          %dma_start3A_104 = arith.constant 0 : i32
          %dma_start3A_105 = tpu.memref_slice %arg10[%dma_start3A_103, %dma_start3A_104] : memref<2x80xi32, #tpu.memory_space<vmem>> -> memref<1x80xi32, #tpu.memory_space<vmem>>
          %dma_start3A_106 = tpu.memref_squeeze %dma_start3A_105 : memref<1x80xi32, #tpu.memory_space<vmem>> -> memref<80xi32, #tpu.memory_space<vmem>>
          %dma_start3A_107 = arith.constant 0 : i32
          %dma_start3A_108 = tpu.memref_slice %arg4[%arg1, %add3A_102, %dma_start3A_107] : memref<16x128x80xi32, #tpu.memory_space<hbm>> -> memref<1x1x80xi32, #tpu.memory_space<hbm>>
          %dma_start3A_109 = tpu.memref_squeeze %dma_start3A_108 : memref<1x1x80xi32, #tpu.memory_space<hbm>> -> memref<80xi32, #tpu.memory_space<hbm>>
          %dma_start3A_110 = arith.constant 0 : i32
          %dma_start3A_111 = tpu.memref_slice %arg10[%dma_start3A_103, %dma_start3A_110] : memref<2x80xi32, #tpu.memory_space<vmem>> -> memref<1x80xi32, #tpu.memory_space<vmem>>
          %dma_start3A_112 = tpu.memref_squeeze %dma_start3A_111 : memref<1x80xi32, #tpu.memory_space<vmem>> -> memref<80xi32, #tpu.memory_space<vmem>>
          %dma_start3A_113 = arith.constant 0 : i32
          %dma_start3A_114 = tpu.memref_slice %arg4[%arg1, %add3A_102, %dma_start3A_113] : memref<16x128x80xi32, #tpu.memory_space<hbm>> -> memref<1x1x80xi32, #tpu.memory_space<hbm>>
          %dma_start3A_115 = tpu.memref_squeeze %dma_start3A_114 : memref<1x1x80xi32, #tpu.memory_space<hbm>> -> memref<80xi32, #tpu.memory_space<hbm>>
          tpu.enqueue_dma source(%dma_start3A_115 : memref<80xi32, #tpu.memory_space<hbm>>) target(%dma_start3A_112 : memref<80xi32, #tpu.memory_space<vmem>>) target_semaphore(%arg16 : memref<!tpu.dma_semaphore, #tpu.memory_space<semaphore_mem>>)
        } else {
        }
        %dma_wait3A_73 = arith.constant 0 : i32
        %dma_wait3A_74 = tpu.memref_slice %arg11[%add3A_65, %dma_wait3A_73] : memref<128x80xi32, #tpu.memory_space<vmem>> -> memref<1x80xi32, #tpu.memory_space<vmem>>
        %dma_wait3A_75 = tpu.memref_squeeze %dma_wait3A_74 : memref<1x80xi32, #tpu.memory_space<vmem>> -> memref<80xi32, #tpu.memory_space<vmem>>
        %dma_wait3A_76 = arith.constant 0 : i32
        %dma_wait3A_77 = arith.constant 0 : i32
        %dma_wait3A_78 = tpu.memref_slice %arg2[%dma_wait3A_76, %dma_wait3A_77] : memref<10000x128xf32, #tpu.memory_space<hbm>> -> memref<10000x128xf32, #tpu.memory_space<hbm>>
        tpu.wait_indirect_dma semaphore(%arg15 : memref<!tpu.dma_semaphore, #tpu.memory_space<semaphore_mem>>) src(%dma_wait3A_78 : memref<10000x128xf32, #tpu.memory_space<hbm>>) dst(%arg13 : memref<80x128xf32, #tpu.memory_space<vmem>>)
        %dma_wait3A_79 = arith.constant 1 : i32
        %dma_wait3A_80 = arith.constant 0 : i32
        %dma_wait3A_81 = tpu.memref_slice %arg10[%dma_wait3A_79, %dma_wait3A_80] : memref<2x80xi32, #tpu.memory_space<vmem>> -> memref<1x80xi32, #tpu.memory_space<vmem>>
        %dma_wait3A_82 = tpu.memref_squeeze %dma_wait3A_81 : memref<1x80xi32, #tpu.memory_space<vmem>> -> memref<80xi32, #tpu.memory_space<vmem>>
        %dma_wait3A_83 = arith.constant 0 : i32
        %dma_wait3A_84 = tpu.memref_slice %arg4[%arg1, %add3A_65, %dma_wait3A_83] : memref<16x128x80xi32, #tpu.memory_space<hbm>> -> memref<1x1x80xi32, #tpu.memory_space<hbm>>
        %dma_wait3A_85 = tpu.memref_squeeze %dma_wait3A_84 : memref<1x1x80xi32, #tpu.memory_space<hbm>> -> memref<80xi32, #tpu.memory_space<hbm>>
        %dma_wait3A_86 = arith.constant 0 : i32
        %dma_wait3A_87 = tpu.memref_slice %arg10[%dma_wait3A_79, %dma_wait3A_86] : memref<2x80xi32, #tpu.memory_space<vmem>> -> memref<1x80xi32, #tpu.memory_space<vmem>>
        %dma_wait3A_88 = tpu.memref_squeeze %dma_wait3A_87 : memref<1x80xi32, #tpu.memory_space<vmem>> -> memref<80xi32, #tpu.memory_space<vmem>>
        %dma_wait3A_89 = arith.constant 0 : i32
        %dma_wait3A_90 = tpu.memref_slice %arg4[%arg1, %add3A_65, %dma_wait3A_89] : memref<16x128x80xi32, #tpu.memory_space<hbm>> -> memref<1x1x80xi32, #tpu.memory_space<hbm>>
        %dma_wait3A_91 = tpu.memref_squeeze %dma_wait3A_90 : memref<1x1x80xi32, #tpu.memory_space<hbm>> -> memref<80xi32, #tpu.memory_space<hbm>>
        tpu.wait_dma2 semaphore(%arg17 : memref<!tpu.dma_semaphore, #tpu.memory_space<semaphore_mem>>) src(%dma_wait3A_91 : memref<80xi32, #tpu.memory_space<hbm>>) dst(%dma_wait3A_88 : memref<80xi32, #tpu.memory_space<vmem>>)
        %run_scoped3A_92 = arith.constant 1 : i32
        "tpu.region"() ({
          %run_scoped3A_93 = tpu.sem_alloc : memref<!tpu.dma_semaphore, #tpu.memory_space<semaphore_mem>>
          %dma_start3A_94 = arith.constant 0 : i32
          %dma_start3A_95 = tpu.memref_slice %arg10[%run_scoped3A_92, %dma_start3A_94] : memref<2x80xi32, #tpu.memory_space<vmem>> -> memref<1x80xi32, #tpu.memory_space<vmem>>
          %dma_start3A_96 = tpu.memref_squeeze %dma_start3A_95 : memref<1x80xi32, #tpu.memory_space<vmem>> -> memref<80xi32, #tpu.memory_space<vmem>>
          %dma_start3A_97 = arith.constant 0 : i32
          %dma_start3A_98 = arith.constant 0 : i32
          %dma_start3A_99 = tpu.memref_slice %arg9[%dma_start3A_97, %dma_start3A_98] : memref<10240x128xf32, #tpu.memory_space<vmem_shared>> -> memref<10240x128xf32, #tpu.memory_space<vmem_shared>>
          tpu.enqueue_indirect_dma source(%arg13 : memref<80x128xf32, #tpu.memory_space<vmem>>) target(%dma_start3A_99 : memref<10240x128xf32, #tpu.memory_space<vmem_shared>>) offsets(%dma_start3A_96 : memref<80xi32, #tpu.memory_space<vmem>>) semaphore(%run_scoped3A_93 : memref<!tpu.dma_semaphore, #tpu.memory_space<semaphore_mem>>) {add = true}
          %dma_wait3A_100 = arith.constant 0 : i32
          %dma_wait3A_101 = tpu.memref_slice %arg10[%run_scoped3A_92, %dma_wait3A_100] : memref<2x80xi32, #tpu.memory_space<vmem>> -> memref<1x80xi32, #tpu.memory_space<vmem>>
          %dma_wait3A_102 = tpu.memref_squeeze %dma_wait3A_101 : memref<1x80xi32, #tpu.memory_space<vmem>> -> memref<80xi32, #tpu.memory_space<vmem>>
          %dma_wait3A_103 = arith.constant 0 : i32
          %dma_wait3A_104 = arith.constant 0 : i32
          %dma_wait3A_105 = tpu.memref_slice %arg9[%dma_wait3A_103, %dma_wait3A_104] : memref<10240x128xf32, #tpu.memory_space<vmem_shared>> -> memref<10240x128xf32, #tpu.memory_space<vmem_shared>>
          tpu.wait_indirect_dma semaphore(%run_scoped3A_93 : memref<!tpu.dma_semaphore, #tpu.memory_space<semaphore_mem>>) src(%arg13 : memref<80x128xf32, #tpu.memory_space<vmem>>) dst(%dma_wait3A_105 : memref<10240x128xf32, #tpu.memory_space<vmem_shared>>)
          tpu.yield
        }) : () -> ()
      }
      %scan3A_32 = arith.constant 64 : i32
      %barrier3A_33 = arith.constant 0 : index
      tpu.barrier barrier_id(%barrier3A_33)
      "tpu.region"() ({
        %run_scoped3A = tpu.sem_alloc : memref<!tpu.dma_semaphore, #tpu.memory_space<semaphore_mem>>
        %dma_start3A_34 = arith.constant 0 : i32
        %dma_start3A_35 = tpu.memref_slice %arg7[%mul3A_0, %dma_start3A_34] : memref<10240x128xf32, #tpu.memory_space<hbm>> -> memref<640x128xf32, #tpu.memory_space<hbm>>
        %dma_start3A_36 = arith.constant 0 : i32
        %dma_start3A_37 = tpu.memref_slice %arg9[%mul3A_0, %dma_start3A_36] : memref<10240x128xf32, #tpu.memory_space<vmem_shared>> -> memref<640x128xf32, #tpu.memory_space<vmem_shared>>
        tpu.enqueue_dma source(%dma_start3A_37 : memref<640x128xf32, #tpu.memory_space<vmem_shared>>) target(%dma_start3A_35 : memref<640x128xf32, #tpu.memory_space<hbm>>) target_semaphore(%run_scoped3A : memref<!tpu.dma_semaphore, #tpu.memory_space<semaphore_mem>>)
        %dma_wait3A = arith.constant 0 : i32
        %dma_wait3A_38 = tpu.memref_slice %arg7[%mul3A_0, %dma_wait3A] : memref<10240x128xf32, #tpu.memory_space<hbm>> -> memref<640x128xf32, #tpu.memory_space<hbm>>
        %dma_wait3A_39 = arith.constant 0 : i32
        %dma_wait3A_40 = tpu.memref_slice %arg9[%mul3A_0, %dma_wait3A_39] : memref<10240x128xf32, #tpu.memory_space<vmem_shared>> -> memref<640x128xf32, #tpu.memory_space<vmem_shared>>
        tpu.wait_dma2 semaphore(%run_scoped3A : memref<!tpu.dma_semaphore, #tpu.memory_space<semaphore_mem>>) src(%dma_wait3A_40 : memref<640x128xf32, #tpu.memory_space<vmem_shared>>) dst(%dma_wait3A_38 : memref<640x128xf32, #tpu.memory_space<hbm>>)
        tpu.yield
      }) : () -> ()
    } else {
    }
    %eq3A_3 = arith.constant 1 : i32
    %eq3A_4 = arith.cmpi eq, %arg0, %eq3A_3 : i32
    %convert_element_type3A_5 = arith.extui %eq3A_4 : i1 to i32
    %cond3A_6 = arith.constant 0 : i32
    %cond3A_7 = arith.cmpi ne, %convert_element_type3A_5, %cond3A_6 : i32
    scf.if %cond3A_7 {
      "tpu.region"() ({
        %run_scoped3A = tpu.sem_alloc : memref<!tpu.dma_semaphore, #tpu.memory_space<semaphore_mem>>
        %dma_start3A_34 = arith.constant 0 : i32
        %dma_start3A_35 = arith.constant 0 : i32
        %dma_start3A_36 = tpu.memref_slice %arg5[%arg1, %dma_start3A_34, %dma_start3A_35] : memref<16x128x80xi32, #tpu.memory_space<hbm>> -> memref<1x128x80xi32, #tpu.memory_space<hbm>>
        %dma_start3A_37 = tpu.memref_squeeze %dma_start3A_36 : memref<1x128x80xi32, #tpu.memory_space<hbm>> -> memref<128x80xi32, #tpu.memory_space<hbm>>
        %dma_start3A_38 = arith.constant 0 : i32
        %dma_start3A_39 = arith.constant 0 : i32
        %dma_start3A_40 = tpu.memref_slice %arg5[%arg1, %dma_start3A_38, %dma_start3A_39] : memref<16x128x80xi32, #tpu.memory_space<hbm>> -> memref<1x128x80xi32, #tpu.memory_space<hbm>>
        %dma_start3A_41 = tpu.memref_squeeze %dma_start3A_40 : memref<1x128x80xi32, #tpu.memory_space<hbm>> -> memref<128x80xi32, #tpu.memory_space<hbm>>
        tpu.enqueue_dma source(%dma_start3A_41 : memref<128x80xi32, #tpu.memory_space<hbm>>) target(%arg11 : memref<128x80xi32, #tpu.memory_space<vmem>>) target_semaphore(%run_scoped3A : memref<!tpu.dma_semaphore, #tpu.memory_space<semaphore_mem>>)
        %dma_wait3A = arith.constant 0 : i32
        %dma_wait3A_42 = arith.constant 0 : i32
        %dma_wait3A_43 = tpu.memref_slice %arg5[%arg1, %dma_wait3A, %dma_wait3A_42] : memref<16x128x80xi32, #tpu.memory_space<hbm>> -> memref<1x128x80xi32, #tpu.memory_space<hbm>>
        %dma_wait3A_44 = tpu.memref_squeeze %dma_wait3A_43 : memref<1x128x80xi32, #tpu.memory_space<hbm>> -> memref<128x80xi32, #tpu.memory_space<hbm>>
        %dma_wait3A_45 = arith.constant 0 : i32
        %dma_wait3A_46 = arith.constant 0 : i32
        %dma_wait3A_47 = tpu.memref_slice %arg5[%arg1, %dma_wait3A_45, %dma_wait3A_46] : memref<16x128x80xi32, #tpu.memory_space<hbm>> -> memref<1x128x80xi32, #tpu.memory_space<hbm>>
        %dma_wait3A_48 = tpu.memref_squeeze %dma_wait3A_47 : memref<1x128x80xi32, #tpu.memory_space<hbm>> -> memref<128x80xi32, #tpu.memory_space<hbm>>
        tpu.wait_dma2 semaphore(%run_scoped3A : memref<!tpu.dma_semaphore, #tpu.memory_space<semaphore_mem>>) src(%dma_wait3A_48 : memref<128x80xi32, #tpu.memory_space<hbm>>) dst(%arg11 : memref<128x80xi32, #tpu.memory_space<vmem>>)
        tpu.yield
      }) : () -> ()
      "tpu.region"() ({
        %run_scoped3A = tpu.sem_alloc : memref<!tpu.dma_semaphore, #tpu.memory_space<semaphore_mem>>
        %dma_start3A_34 = arith.constant 0 : i32
        %dma_start3A_35 = tpu.memref_slice %arg9[%mul3A_0, %dma_start3A_34] : memref<10240x128xf32, #tpu.memory_space<vmem_shared>> -> memref<640x128xf32, #tpu.memory_space<vmem_shared>>
        %dma_start3A_36 = arith.constant 0 : i32
        %dma_start3A_37 = tpu.memref_slice %arg6[%mul3A_0, %dma_start3A_36] : memref<10240x128xf32, #tpu.memory_space<hbm>> -> memref<640x128xf32, #tpu.memory_space<hbm>>
        tpu.enqueue_dma source(%dma_start3A_37 : memref<640x128xf32, #tpu.memory_space<hbm>>) target(%dma_start3A_35 : memref<640x128xf32, #tpu.memory_space<vmem_shared>>) target_semaphore(%run_scoped3A : memref<!tpu.dma_semaphore, #tpu.memory_space<semaphore_mem>>)
        %dma_wait3A = arith.constant 0 : i32
        %dma_wait3A_38 = tpu.memref_slice %arg9[%mul3A_0, %dma_wait3A] : memref<10240x128xf32, #tpu.memory_space<vmem_shared>> -> memref<640x128xf32, #tpu.memory_space<vmem_shared>>
        %dma_wait3A_39 = arith.constant 0 : i32
        %dma_wait3A_40 = tpu.memref_slice %arg6[%mul3A_0, %dma_wait3A_39] : memref<10240x128xf32, #tpu.memory_space<hbm>> -> memref<640x128xf32, #tpu.memory_space<hbm>>
        tpu.wait_dma2 semaphore(%run_scoped3A : memref<!tpu.dma_semaphore, #tpu.memory_space<semaphore_mem>>) src(%dma_wait3A_40 : memref<640x128xf32, #tpu.memory_space<hbm>>) dst(%dma_wait3A_38 : memref<640x128xf32, #tpu.memory_space<vmem_shared>>)
        tpu.yield
      }) : () -> ()
      %barrier3A = arith.constant 0 : index
      tpu.barrier barrier_id(%barrier3A)
      %dma_start3A = arith.constant 0 : i32
      %dma_start3A_8 = arith.constant 0 : i32
      %dma_start3A_9 = tpu.memref_slice %arg11[%dma_start3A, %dma_start3A_8] : memref<128x80xi32, #tpu.memory_space<vmem>> -> memref<1x80xi32, #tpu.memory_space<vmem>>
      %dma_start3A_10 = tpu.memref_squeeze %dma_start3A_9 : memref<1x80xi32, #tpu.memory_space<vmem>> -> memref<80xi32, #tpu.memory_space<vmem>>
      %dma_start3A_11 = arith.constant 0 : i32
      %dma_start3A_12 = arith.constant 0 : i32
      %dma_start3A_13 = tpu.memref_slice %arg3[%dma_start3A_11, %dma_start3A_12] : memref<10000x128xf32, #tpu.memory_space<hbm>> -> memref<10000x128xf32, #tpu.memory_space<hbm>>
      tpu.enqueue_indirect_dma source(%dma_start3A_13 : memref<10000x128xf32, #tpu.memory_space<hbm>>) target(%arg12 : memref<80x128xf32, #tpu.memory_space<vmem>>) offsets(%dma_start3A_10 : memref<80xi32, #tpu.memory_space<vmem>>) semaphore(%arg14 : memref<!tpu.dma_semaphore, #tpu.memory_space<semaphore_mem>>)
      %dma_start3A_14 = arith.constant 0 : i32
      %dma_start3A_15 = arith.constant 0 : i32
      %dma_start3A_16 = arith.constant 0 : i32
      %dma_start3A_17 = tpu.memref_slice %arg10[%dma_start3A_15, %dma_start3A_16] : memref<2x80xi32, #tpu.memory_space<vmem>> -> memref<1x80xi32, #tpu.memory_space<vmem>>
      %dma_start3A_18 = tpu.memref_squeeze %dma_start3A_17 : memref<1x80xi32, #tpu.memory_space<vmem>> -> memref<80xi32, #tpu.memory_space<vmem>>
      %dma_start3A_19 = arith.constant 0 : i32
      %dma_start3A_20 = tpu.memref_slice %arg4[%arg1, %dma_start3A_14, %dma_start3A_19] : memref<16x128x80xi32, #tpu.memory_space<hbm>> -> memref<1x1x80xi32, #tpu.memory_space<hbm>>
      %dma_start3A_21 = tpu.memref_squeeze %dma_start3A_20 : memref<1x1x80xi32, #tpu.memory_space<hbm>> -> memref<80xi32, #tpu.memory_space<hbm>>
      %dma_start3A_22 = arith.constant 0 : i32
      %dma_start3A_23 = tpu.memref_slice %arg10[%dma_start3A_15, %dma_start3A_22] : memref<2x80xi32, #tpu.memory_space<vmem>> -> memref<1x80xi32, #tpu.memory_space<vmem>>
      %dma_start3A_24 = tpu.memref_squeeze %dma_start3A_23 : memref<1x80xi32, #tpu.memory_space<vmem>> -> memref<80xi32, #tpu.memory_space<vmem>>
      %dma_start3A_25 = arith.constant 0 : i32
      %dma_start3A_26 = tpu.memref_slice %arg4[%arg1, %dma_start3A_14, %dma_start3A_25] : memref<16x128x80xi32, #tpu.memory_space<hbm>> -> memref<1x1x80xi32, #tpu.memory_space<hbm>>
      %dma_start3A_27 = tpu.memref_squeeze %dma_start3A_26 : memref<1x1x80xi32, #tpu.memory_space<hbm>> -> memref<80xi32, #tpu.memory_space<hbm>>
      tpu.enqueue_dma source(%dma_start3A_27 : memref<80xi32, #tpu.memory_space<hbm>>) target(%dma_start3A_24 : memref<80xi32, #tpu.memory_space<vmem>>) target_semaphore(%arg16 : memref<!tpu.dma_semaphore, #tpu.memory_space<semaphore_mem>>)
      %scan3A = arith.constant 0 : i32
      %scan3A_28 = arith.constant 0 : i32
      %scan3A_29 = arith.constant 64 : i32
      %scan3A_30 = arith.addi %scan3A_28, %scan3A_29 : i32
      %scan3A_31 = arith.constant 1 : i32
      scf.for %scan3A_34 = %scan3A_28 to %scan3A_30 step %scan3A_31  : i32 {
        %mul3A_35 = arith.constant 2 : i32
        %mul3A_36 = arith.muli %mul3A_35, %scan3A_34 : i32
        %add3A = arith.constant 0 : i32
        %add3A_37 = arith.addi %mul3A_36, %add3A : i32
        %add3A_38 = arith.constant 1 : i32
        %add3A_39 = arith.addi %add3A_37, %add3A_38 : i32
        %lt3A = arith.constant 128 : i32
        %lt3A_40 = arith.cmpi slt, %add3A_39, %lt3A : i32
        %convert_element_type3A_41 = arith.extui %lt3A_40 : i1 to i32
        %cond3A_42 = arith.constant 0 : i32
        %cond3A_43 = arith.cmpi ne, %convert_element_type3A_41, %cond3A_42 : i32
        scf.if %cond3A_43 {
          %add3A_93 = arith.constant 1 : i32
          %add3A_94 = arith.addi %add3A_37, %add3A_93 : i32
          %dma_start3A_95 = arith.constant 0 : i32
          %dma_start3A_96 = tpu.memref_slice %arg11[%add3A_94, %dma_start3A_95] : memref<128x80xi32, #tpu.memory_space<vmem>> -> memref<1x80xi32, #tpu.memory_space<vmem>>
          %dma_start3A_97 = tpu.memref_squeeze %dma_start3A_96 : memref<1x80xi32, #tpu.memory_space<vmem>> -> memref<80xi32, #tpu.memory_space<vmem>>
          %dma_start3A_98 = arith.constant 0 : i32
          %dma_start3A_99 = arith.constant 0 : i32
          %dma_start3A_100 = tpu.memref_slice %arg3[%dma_start3A_98, %dma_start3A_99] : memref<10000x128xf32, #tpu.memory_space<hbm>> -> memref<10000x128xf32, #tpu.memory_space<hbm>>
          tpu.enqueue_indirect_dma source(%dma_start3A_100 : memref<10000x128xf32, #tpu.memory_space<hbm>>) target(%arg13 : memref<80x128xf32, #tpu.memory_space<vmem>>) offsets(%dma_start3A_97 : memref<80xi32, #tpu.memory_space<vmem>>) semaphore(%arg15 : memref<!tpu.dma_semaphore, #tpu.memory_space<semaphore_mem>>)
          %add3A_101 = arith.constant 1 : i32
          %add3A_102 = arith.addi %add3A_37, %add3A_101 : i32
          %dma_start3A_103 = arith.constant 1 : i32
          %dma_start3A_104 = arith.constant 0 : i32
          %dma_start3A_105 = tpu.memref_slice %arg10[%dma_start3A_103, %dma_start3A_104] : memref<2x80xi32, #tpu.memory_space<vmem>> -> memref<1x80xi32, #tpu.memory_space<vmem>>
          %dma_start3A_106 = tpu.memref_squeeze %dma_start3A_105 : memref<1x80xi32, #tpu.memory_space<vmem>> -> memref<80xi32, #tpu.memory_space<vmem>>
          %dma_start3A_107 = arith.constant 0 : i32
          %dma_start3A_108 = tpu.memref_slice %arg4[%arg1, %add3A_102, %dma_start3A_107] : memref<16x128x80xi32, #tpu.memory_space<hbm>> -> memref<1x1x80xi32, #tpu.memory_space<hbm>>
          %dma_start3A_109 = tpu.memref_squeeze %dma_start3A_108 : memref<1x1x80xi32, #tpu.memory_space<hbm>> -> memref<80xi32, #tpu.memory_space<hbm>>
          %dma_start3A_110 = arith.constant 0 : i32
          %dma_start3A_111 = tpu.memref_slice %arg10[%dma_start3A_103, %dma_start3A_110] : memref<2x80xi32, #tpu.memory_space<vmem>> -> memref<1x80xi32, #tpu.memory_space<vmem>>
          %dma_start3A_112 = tpu.memref_squeeze %dma_start3A_111 : memref<1x80xi32, #tpu.memory_space<vmem>> -> memref<80xi32, #tpu.memory_space<vmem>>
          %dma_start3A_113 = arith.constant 0 : i32
          %dma_start3A_114 = tpu.memref_slice %arg4[%arg1, %add3A_102, %dma_start3A_113] : memref<16x128x80xi32, #tpu.memory_space<hbm>> -> memref<1x1x80xi32, #tpu.memory_space<hbm>>
          %dma_start3A_115 = tpu.memref_squeeze %dma_start3A_114 : memref<1x1x80xi32, #tpu.memory_space<hbm>> -> memref<80xi32, #tpu.memory_space<hbm>>
          tpu.enqueue_dma source(%dma_start3A_115 : memref<80xi32, #tpu.memory_space<hbm>>) target(%dma_start3A_112 : memref<80xi32, #tpu.memory_space<vmem>>) target_semaphore(%arg17 : memref<!tpu.dma_semaphore, #tpu.memory_space<semaphore_mem>>)
        } else {
        }
        %dma_wait3A = arith.constant 0 : i32
        %dma_wait3A_44 = tpu.memref_slice %arg11[%add3A_37, %dma_wait3A] : memref<128x80xi32, #tpu.memory_space<vmem>> -> memref<1x80xi32, #tpu.memory_space<vmem>>
        %dma_wait3A_45 = tpu.memref_squeeze %dma_wait3A_44 : memref<1x80xi32, #tpu.memory_space<vmem>> -> memref<80xi32, #tpu.memory_space<vmem>>
        %dma_wait3A_46 = arith.constant 0 : i32
        %dma_wait3A_47 = arith.constant 0 : i32
        %dma_wait3A_48 = tpu.memref_slice %arg3[%dma_wait3A_46, %dma_wait3A_47] : memref<10000x128xf32, #tpu.memory_space<hbm>> -> memref<10000x128xf32, #tpu.memory_space<hbm>>
        tpu.wait_indirect_dma semaphore(%arg14 : memref<!tpu.dma_semaphore, #tpu.memory_space<semaphore_mem>>) src(%dma_wait3A_48 : memref<10000x128xf32, #tpu.memory_space<hbm>>) dst(%arg12 : memref<80x128xf32, #tpu.memory_space<vmem>>)
        %dma_wait3A_49 = arith.constant 0 : i32
        %dma_wait3A_50 = arith.constant 0 : i32
        %dma_wait3A_51 = tpu.memref_slice %arg10[%dma_wait3A_49, %dma_wait3A_50] : memref<2x80xi32, #tpu.memory_space<vmem>> -> memref<1x80xi32, #tpu.memory_space<vmem>>
        %dma_wait3A_52 = tpu.memref_squeeze %dma_wait3A_51 : memref<1x80xi32, #tpu.memory_space<vmem>> -> memref<80xi32, #tpu.memory_space<vmem>>
        %dma_wait3A_53 = arith.constant 0 : i32
        %dma_wait3A_54 = tpu.memref_slice %arg4[%arg1, %add3A_37, %dma_wait3A_53] : memref<16x128x80xi32, #tpu.memory_space<hbm>> -> memref<1x1x80xi32, #tpu.memory_space<hbm>>
        %dma_wait3A_55 = tpu.memref_squeeze %dma_wait3A_54 : memref<1x1x80xi32, #tpu.memory_space<hbm>> -> memref<80xi32, #tpu.memory_space<hbm>>
        %dma_wait3A_56 = arith.constant 0 : i32
        %dma_wait3A_57 = tpu.memref_slice %arg10[%dma_wait3A_49, %dma_wait3A_56] : memref<2x80xi32, #tpu.memory_space<vmem>> -> memref<1x80xi32, #tpu.memory_space<vmem>>
        %dma_wait3A_58 = tpu.memref_squeeze %dma_wait3A_57 : memref<1x80xi32, #tpu.memory_space<vmem>> -> memref<80xi32, #tpu.memory_space<vmem>>
        %dma_wait3A_59 = arith.constant 0 : i32
        %dma_wait3A_60 = tpu.memref_slice %arg4[%arg1, %add3A_37, %dma_wait3A_59] : memref<16x128x80xi32, #tpu.memory_space<hbm>> -> memref<1x1x80xi32, #tpu.memory_space<hbm>>
        %dma_wait3A_61 = tpu.memref_squeeze %dma_wait3A_60 : memref<1x1x80xi32, #tpu.memory_space<hbm>> -> memref<80xi32, #tpu.memory_space<hbm>>
        tpu.wait_dma2 semaphore(%arg16 : memref<!tpu.dma_semaphore, #tpu.memory_space<semaphore_mem>>) src(%dma_wait3A_61 : memref<80xi32, #tpu.memory_space<hbm>>) dst(%dma_wait3A_58 : memref<80xi32, #tpu.memory_space<vmem>>)
        %run_scoped3A = arith.constant 0 : i32
        "tpu.region"() ({
          %run_scoped3A_93 = tpu.sem_alloc : memref<!tpu.dma_semaphore, #tpu.memory_space<semaphore_mem>>
          %dma_start3A_94 = arith.constant 0 : i32
          %dma_start3A_95 = tpu.memref_slice %arg10[%run_scoped3A, %dma_start3A_94] : memref<2x80xi32, #tpu.memory_space<vmem>> -> memref<1x80xi32, #tpu.memory_space<vmem>>
          %dma_start3A_96 = tpu.memref_squeeze %dma_start3A_95 : memref<1x80xi32, #tpu.memory_space<vmem>> -> memref<80xi32, #tpu.memory_space<vmem>>
          %dma_start3A_97 = arith.constant 0 : i32
          %dma_start3A_98 = arith.constant 0 : i32
          %dma_start3A_99 = tpu.memref_slice %arg9[%dma_start3A_97, %dma_start3A_98] : memref<10240x128xf32, #tpu.memory_space<vmem_shared>> -> memref<10240x128xf32, #tpu.memory_space<vmem_shared>>
          tpu.enqueue_indirect_dma source(%arg12 : memref<80x128xf32, #tpu.memory_space<vmem>>) target(%dma_start3A_99 : memref<10240x128xf32, #tpu.memory_space<vmem_shared>>) offsets(%dma_start3A_96 : memref<80xi32, #tpu.memory_space<vmem>>) semaphore(%run_scoped3A_93 : memref<!tpu.dma_semaphore, #tpu.memory_space<semaphore_mem>>) {add = true}
          %dma_wait3A_100 = arith.constant 0 : i32
          %dma_wait3A_101 = tpu.memref_slice %arg10[%run_scoped3A, %dma_wait3A_100] : memref<2x80xi32, #tpu.memory_space<vmem>> -> memref<1x80xi32, #tpu.memory_space<vmem>>
          %dma_wait3A_102 = tpu.memref_squeeze %dma_wait3A_101 : memref<1x80xi32, #tpu.memory_space<vmem>> -> memref<80xi32, #tpu.memory_space<vmem>>
          %dma_wait3A_103 = arith.constant 0 : i32
          %dma_wait3A_104 = arith.constant 0 : i32
          %dma_wait3A_105 = tpu.memref_slice %arg9[%dma_wait3A_103, %dma_wait3A_104] : memref<10240x128xf32, #tpu.memory_space<vmem_shared>> -> memref<10240x128xf32, #tpu.memory_space<vmem_shared>>
          tpu.wait_indirect_dma semaphore(%run_scoped3A_93 : memref<!tpu.dma_semaphore, #tpu.memory_space<semaphore_mem>>) src(%arg12 : memref<80x128xf32, #tpu.memory_space<vmem>>) dst(%dma_wait3A_105 : memref<10240x128xf32, #tpu.memory_space<vmem_shared>>)
          tpu.yield
        }) : () -> ()
        %mul3A_62 = arith.constant 2 : i32
        %mul3A_63 = arith.muli %mul3A_62, %scan3A_34 : i32
        %add3A_64 = arith.constant 1 : i32
        %add3A_65 = arith.addi %mul3A_63, %add3A_64 : i32
        %add3A_66 = arith.constant 1 : i32
        %add3A_67 = arith.addi %add3A_65, %add3A_66 : i32
        %lt3A_68 = arith.constant 128 : i32
        %lt3A_69 = arith.cmpi slt, %add3A_67, %lt3A_68 : i32
        %convert_element_type3A_70 = arith.extui %lt3A_69 : i1 to i32
        %cond3A_71 = arith.constant 0 : i32
        %cond3A_72 = arith.cmpi ne, %convert_element_type3A_70, %cond3A_71 : i32
        scf.if %cond3A_72 {
          %add3A_93 = arith.constant 1 : i32
          %add3A_94 = arith.addi %add3A_65, %add3A_93 : i32
          %dma_start3A_95 = arith.constant 0 : i32
          %dma_start3A_96 = tpu.memref_slice %arg11[%add3A_94, %dma_start3A_95] : memref<128x80xi32, #tpu.memory_space<vmem>> -> memref<1x80xi32, #tpu.memory_space<vmem>>
          %dma_start3A_97 = tpu.memref_squeeze %dma_start3A_96 : memref<1x80xi32, #tpu.memory_space<vmem>> -> memref<80xi32, #tpu.memory_space<vmem>>
          %dma_start3A_98 = arith.constant 0 : i32
          %dma_start3A_99 = arith.constant 0 : i32
          %dma_start3A_100 = tpu.memref_slice %arg3[%dma_start3A_98, %dma_start3A_99] : memref<10000x128xf32, #tpu.memory_space<hbm>> -> memref<10000x128xf32, #tpu.memory_space<hbm>>
          tpu.enqueue_indirect_dma source(%dma_start3A_100 : memref<10000x128xf32, #tpu.memory_space<hbm>>) target(%arg12 : memref<80x128xf32, #tpu.memory_space<vmem>>) offsets(%dma_start3A_97 : memref<80xi32, #tpu.memory_space<vmem>>) semaphore(%arg14 : memref<!tpu.dma_semaphore, #tpu.memory_space<semaphore_mem>>)
          %add3A_101 = arith.constant 1 : i32
          %add3A_102 = arith.addi %add3A_65, %add3A_101 : i32
          %dma_start3A_103 = arith.constant 0 : i32
          %dma_start3A_104 = arith.constant 0 : i32
          %dma_start3A_105 = tpu.memref_slice %arg10[%dma_start3A_103, %dma_start3A_104] : memref<2x80xi32, #tpu.memory_space<vmem>> -> memref<1x80xi32, #tpu.memory_space<vmem>>
          %dma_start3A_106 = tpu.memref_squeeze %dma_start3A_105 : memref<1x80xi32, #tpu.memory_space<vmem>> -> memref<80xi32, #tpu.memory_space<vmem>>
          %dma_start3A_107 = arith.constant 0 : i32
          %dma_start3A_108 = tpu.memref_slice %arg4[%arg1, %add3A_102, %dma_start3A_107] : memref<16x128x80xi32, #tpu.memory_space<hbm>> -> memref<1x1x80xi32, #tpu.memory_space<hbm>>
          %dma_start3A_109 = tpu.memref_squeeze %dma_start3A_108 : memref<1x1x80xi32, #tpu.memory_space<hbm>> -> memref<80xi32, #tpu.memory_space<hbm>>
          %dma_start3A_110 = arith.constant 0 : i32
          %dma_start3A_111 = tpu.memref_slice %arg10[%dma_start3A_103, %dma_start3A_110] : memref<2x80xi32, #tpu.memory_space<vmem>> -> memref<1x80xi32, #tpu.memory_space<vmem>>
          %dma_start3A_112 = tpu.memref_squeeze %dma_start3A_111 : memref<1x80xi32, #tpu.memory_space<vmem>> -> memref<80xi32, #tpu.memory_space<vmem>>
          %dma_start3A_113 = arith.constant 0 : i32
          %dma_start3A_114 = tpu.memref_slice %arg4[%arg1, %add3A_102, %dma_start3A_113] : memref<16x128x80xi32, #tpu.memory_space<hbm>> -> memref<1x1x80xi32, #tpu.memory_space<hbm>>
          %dma_start3A_115 = tpu.memref_squeeze %dma_start3A_114 : memref<1x1x80xi32, #tpu.memory_space<hbm>> -> memref<80xi32, #tpu.memory_space<hbm>>
          tpu.enqueue_dma source(%dma_start3A_115 : memref<80xi32, #tpu.memory_space<hbm>>) target(%dma_start3A_112 : memref<80xi32, #tpu.memory_space<vmem>>) target_semaphore(%arg16 : memref<!tpu.dma_semaphore, #tpu.memory_space<semaphore_mem>>)
        } else {
        }
        %dma_wait3A_73 = arith.constant 0 : i32
        %dma_wait3A_74 = tpu.memref_slice %arg11[%add3A_65, %dma_wait3A_73] : memref<128x80xi32, #tpu.memory_space<vmem>> -> memref<1x80xi32, #tpu.memory_space<vmem>>
        %dma_wait3A_75 = tpu.memref_squeeze %dma_wait3A_74 : memref<1x80xi32, #tpu.memory_space<vmem>> -> memref<80xi32, #tpu.memory_space<vmem>>
        %dma_wait3A_76 = arith.constant 0 : i32
        %dma_wait3A_77 = arith.constant 0 : i32
        %dma_wait3A_78 = tpu.memref_slice %arg3[%dma_wait3A_76, %dma_wait3A_77] : memref<10000x128xf32, #tpu.memory_space<hbm>> -> memref<10000x128xf32, #tpu.memory_space<hbm>>
        tpu.wait_indirect_dma semaphore(%arg15 : memref<!tpu.dma_semaphore, #tpu.memory_space<semaphore_mem>>) src(%dma_wait3A_78 : memref<10000x128xf32, #tpu.memory_space<hbm>>) dst(%arg13 : memref<80x128xf32, #tpu.memory_space<vmem>>)
        %dma_wait3A_79 = arith.constant 1 : i32
        %dma_wait3A_80 = arith.constant 0 : i32
        %dma_wait3A_81 = tpu.memref_slice %arg10[%dma_wait3A_79, %dma_wait3A_80] : memref<2x80xi32, #tpu.memory_space<vmem>> -> memref<1x80xi32, #tpu.memory_space<vmem>>
        %dma_wait3A_82 = tpu.memref_squeeze %dma_wait3A_81 : memref<1x80xi32, #tpu.memory_space<vmem>> -> memref<80xi32, #tpu.memory_space<vmem>>
        %dma_wait3A_83 = arith.constant 0 : i32
        %dma_wait3A_84 = tpu.memref_slice %arg4[%arg1, %add3A_65, %dma_wait3A_83] : memref<16x128x80xi32, #tpu.memory_space<hbm>> -> memref<1x1x80xi32, #tpu.memory_space<hbm>>
        %dma_wait3A_85 = tpu.memref_squeeze %dma_wait3A_84 : memref<1x1x80xi32, #tpu.memory_space<hbm>> -> memref<80xi32, #tpu.memory_space<hbm>>
        %dma_wait3A_86 = arith.constant 0 : i32
        %dma_wait3A_87 = tpu.memref_slice %arg10[%dma_wait3A_79, %dma_wait3A_86] : memref<2x80xi32, #tpu.memory_space<vmem>> -> memref<1x80xi32, #tpu.memory_space<vmem>>
        %dma_wait3A_88 = tpu.memref_squeeze %dma_wait3A_87 : memref<1x80xi32, #tpu.memory_space<vmem>> -> memref<80xi32, #tpu.memory_space<vmem>>
        %dma_wait3A_89 = arith.constant 0 : i32
        %dma_wait3A_90 = tpu.memref_slice %arg4[%arg1, %add3A_65, %dma_wait3A_89] : memref<16x128x80xi32, #tpu.memory_space<hbm>> -> memref<1x1x80xi32, #tpu.memory_space<hbm>>
        %dma_wait3A_91 = tpu.memref_squeeze %dma_wait3A_90 : memref<1x1x80xi32, #tpu.memory_space<hbm>> -> memref<80xi32, #tpu.memory_space<hbm>>
        tpu.wait_dma2 semaphore(%arg17 : memref<!tpu.dma_semaphore, #tpu.memory_space<semaphore_mem>>) src(%dma_wait3A_91 : memref<80xi32, #tpu.memory_space<hbm>>) dst(%dma_wait3A_88 : memref<80xi32, #tpu.memory_space<vmem>>)
        %run_scoped3A_92 = arith.constant 1 : i32
        "tpu.region"() ({
          %run_scoped3A_93 = tpu.sem_alloc : memref<!tpu.dma_semaphore, #tpu.memory_space<semaphore_mem>>
          %dma_start3A_94 = arith.constant 0 : i32
          %dma_start3A_95 = tpu.memref_slice %arg10[%run_scoped3A_92, %dma_start3A_94] : memref<2x80xi32, #tpu.memory_space<vmem>> -> memref<1x80xi32, #tpu.memory_space<vmem>>
          %dma_start3A_96 = tpu.memref_squeeze %dma_start3A_95 : memref<1x80xi32, #tpu.memory_space<vmem>> -> memref<80xi32, #tpu.memory_space<vmem>>
          %dma_start3A_97 = arith.constant 0 : i32
          %dma_start3A_98 = arith.constant 0 : i32
          %dma_start3A_99 = tpu.memref_slice %arg9[%dma_start3A_97, %dma_start3A_98] : memref<10240x128xf32, #tpu.memory_space<vmem_shared>> -> memref<10240x128xf32, #tpu.memory_space<vmem_shared>>
          tpu.enqueue_indirect_dma source(%arg13 : memref<80x128xf32, #tpu.memory_space<vmem>>) target(%dma_start3A_99 : memref<10240x128xf32, #tpu.memory_space<vmem_shared>>) offsets(%dma_start3A_96 : memref<80xi32, #tpu.memory_space<vmem>>) semaphore(%run_scoped3A_93 : memref<!tpu.dma_semaphore, #tpu.memory_space<semaphore_mem>>) {add = true}
          %dma_wait3A_100 = arith.constant 0 : i32
          %dma_wait3A_101 = tpu.memref_slice %arg10[%run_scoped3A_92, %dma_wait3A_100] : memref<2x80xi32, #tpu.memory_space<vmem>> -> memref<1x80xi32, #tpu.memory_space<vmem>>
          %dma_wait3A_102 = tpu.memref_squeeze %dma_wait3A_101 : memref<1x80xi32, #tpu.memory_space<vmem>> -> memref<80xi32, #tpu.memory_space<vmem>>
          %dma_wait3A_103 = arith.constant 0 : i32
          %dma_wait3A_104 = arith.constant 0 : i32
          %dma_wait3A_105 = tpu.memref_slice %arg9[%dma_wait3A_103, %dma_wait3A_104] : memref<10240x128xf32, #tpu.memory_space<vmem_shared>> -> memref<10240x128xf32, #tpu.memory_space<vmem_shared>>
          tpu.wait_indirect_dma semaphore(%run_scoped3A_93 : memref<!tpu.dma_semaphore, #tpu.memory_space<semaphore_mem>>) src(%arg13 : memref<80x128xf32, #tpu.memory_space<vmem>>) dst(%dma_wait3A_105 : memref<10240x128xf32, #tpu.memory_space<vmem_shared>>)
          tpu.yield
        }) : () -> ()
      }
      %scan3A_32 = arith.constant 64 : i32
      %barrier3A_33 = arith.constant 0 : index
      tpu.barrier barrier_id(%barrier3A_33)
      "tpu.region"() ({
        %run_scoped3A = tpu.sem_alloc : memref<!tpu.dma_semaphore, #tpu.memory_space<semaphore_mem>>
        %dma_start3A_34 = arith.constant 0 : i32
        %dma_start3A_35 = tpu.memref_slice %arg8[%mul3A_0, %dma_start3A_34] : memref<10240x128xf32, #tpu.memory_space<hbm>> -> memref<640x128xf32, #tpu.memory_space<hbm>>
        %dma_start3A_36 = arith.constant 0 : i32
        %dma_start3A_37 = tpu.memref_slice %arg9[%mul3A_0, %dma_start3A_36] : memref<10240x128xf32, #tpu.memory_space<vmem_shared>> -> memref<640x128xf32, #tpu.memory_space<vmem_shared>>
        tpu.enqueue_dma source(%dma_start3A_37 : memref<640x128xf32, #tpu.memory_space<vmem_shared>>) target(%dma_start3A_35 : memref<640x128xf32, #tpu.memory_space<hbm>>) target_semaphore(%run_scoped3A : memref<!tpu.dma_semaphore, #tpu.memory_space<semaphore_mem>>)
        %dma_wait3A = arith.constant 0 : i32
        %dma_wait3A_38 = tpu.memref_slice %arg8[%mul3A_0, %dma_wait3A] : memref<10240x128xf32, #tpu.memory_space<hbm>> -> memref<640x128xf32, #tpu.memory_space<hbm>>
        %dma_wait3A_39 = arith.constant 0 : i32
        %dma_wait3A_40 = tpu.memref_slice %arg9[%mul3A_0, %dma_wait3A_39] : memref<10240x128xf32, #tpu.memory_space<vmem_shared>> -> memref<640x128xf32, #tpu.memory_space<vmem_shared>>
        tpu.wait_dma2 semaphore(%run_scoped3A : memref<!tpu.dma_semaphore, #tpu.memory_space<semaphore_mem>>) src(%dma_wait3A_40 : memref<640x128xf32, #tpu.memory_space<vmem_shared>>) dst(%dma_wait3A_38 : memref<640x128xf32, #tpu.memory_space<hbm>>)
        tpu.yield
      }) : () -> ()
    } else {
    }
    return
  }
}

#map = affine_map<(d0, d1) -> (0, 0)>
#map1 = affine_map<(d0, d1) -> (0, 0, 0)>
module attributes {stable_mosaic.version = 14 : i64} {
  func.func @_agg_e_body(%arg0: i32, %arg1: i32, %arg2: memref<163840x128xf32, #tpu.memory_space<hbm>>, %arg3: memref<163840x128xf32, #tpu.memory_space<hbm>>, %arg4: memref<16x128x80xi32, #tpu.memory_space<hbm>>, %arg5: memref<10240x128xf32, #tpu.memory_space<hbm>>, %arg6: memref<10240x128xf32, #tpu.memory_space<hbm>>, %arg7: memref<10240x128xf32, #tpu.memory_space<hbm>>, %arg8: memref<10240x128xf32, #tpu.memory_space<vmem_shared>>, %arg9: memref<2x80xi32, #tpu.memory_space<vmem>>, %arg10: memref<80x128xf32, #tpu.memory_space<vmem>>, %arg11: memref<80x128xf32, #tpu.memory_space<vmem>>, %arg12: memref<!tpu.dma_semaphore, #tpu.memory_space<semaphore_mem>>, %arg13: memref<!tpu.dma_semaphore, #tpu.memory_space<semaphore_mem>>, %arg14: memref<!tpu.dma_semaphore, #tpu.memory_space<semaphore_mem>>, %arg15: memref<!tpu.dma_semaphore, #tpu.memory_space<semaphore_mem>>) attributes {dimension_semantics = [#tpu.dimension_semantics<core_parallel>, #tpu.dimension_semantics<subcore_parallel>], iteration_bounds = array<i64: 2, 16>, scalar_prefetch = 0 : i64, scratch_operands = 8 : i64, tpu.core_type = #tpu.core_type<sc_vector_subcore>, window_params = [{transform_indices = #map}, {transform_indices = #map}, {transform_indices = #map1}, {transform_indices = #map}, {transform_indices = #map}, {transform_indices = #map}]} {
    %mul3A = arith.constant 640 : i32
    %mul3A_0 = arith.muli %arg1, %mul3A : i32
    %mul3A_1 = arith.constant 10240 : i32
    %mul3A_2 = arith.muli %arg1, %mul3A_1 : i32
    %eq3A = arith.constant 0 : i32
    %eq3A_3 = arith.cmpi eq, %arg0, %eq3A : i32
    %convert_element_type3A = arith.extui %eq3A_3 : i1 to i32
    %cond3A = arith.constant 0 : i32
    %cond3A_4 = arith.cmpi ne, %convert_element_type3A, %cond3A : i32
    scf.if %cond3A_4 {
      "tpu.region"() ({
        %run_scoped3A = tpu.sem_alloc : memref<!tpu.dma_semaphore, #tpu.memory_space<semaphore_mem>>
        %dma_start3A_34 = arith.constant 0 : i32
        %dma_start3A_35 = tpu.memref_slice %arg8[%mul3A_0, %dma_start3A_34] : memref<10240x128xf32, #tpu.memory_space<vmem_shared>> -> memref<640x128xf32, #tpu.memory_space<vmem_shared>>
        %dma_start3A_36 = arith.constant 0 : i32
        %dma_start3A_37 = tpu.memref_slice %arg5[%mul3A_0, %dma_start3A_36] : memref<10240x128xf32, #tpu.memory_space<hbm>> -> memref<640x128xf32, #tpu.memory_space<hbm>>
        tpu.enqueue_dma source(%dma_start3A_37 : memref<640x128xf32, #tpu.memory_space<hbm>>) target(%dma_start3A_35 : memref<640x128xf32, #tpu.memory_space<vmem_shared>>) target_semaphore(%run_scoped3A : memref<!tpu.dma_semaphore, #tpu.memory_space<semaphore_mem>>)
        %dma_wait3A = arith.constant 0 : i32
        %dma_wait3A_38 = tpu.memref_slice %arg8[%mul3A_0, %dma_wait3A] : memref<10240x128xf32, #tpu.memory_space<vmem_shared>> -> memref<640x128xf32, #tpu.memory_space<vmem_shared>>
        %dma_wait3A_39 = arith.constant 0 : i32
        %dma_wait3A_40 = tpu.memref_slice %arg5[%mul3A_0, %dma_wait3A_39] : memref<10240x128xf32, #tpu.memory_space<hbm>> -> memref<640x128xf32, #tpu.memory_space<hbm>>
        tpu.wait_dma2 semaphore(%run_scoped3A : memref<!tpu.dma_semaphore, #tpu.memory_space<semaphore_mem>>) src(%dma_wait3A_40 : memref<640x128xf32, #tpu.memory_space<hbm>>) dst(%dma_wait3A_38 : memref<640x128xf32, #tpu.memory_space<vmem_shared>>)
        tpu.yield
      }) : () -> ()
      %barrier3A = arith.constant 0 : index
      tpu.barrier barrier_id(%barrier3A)
      %add3A = arith.constant 0 : i32
      %add3A_10 = arith.addi %mul3A_2, %add3A : i32
      %dma_start3A = arith.constant 0 : i32
      %dma_start3A_11 = tpu.memref_slice %arg2[%add3A_10, %dma_start3A] : memref<163840x128xf32, #tpu.memory_space<hbm>> -> memref<80x128xf32, #tpu.memory_space<hbm>>
      %dma_start3A_12 = arith.constant 0 : i32
      %dma_start3A_13 = tpu.memref_slice %arg2[%add3A_10, %dma_start3A_12] : memref<163840x128xf32, #tpu.memory_space<hbm>> -> memref<80x128xf32, #tpu.memory_space<hbm>>
      tpu.enqueue_dma source(%dma_start3A_13 : memref<80x128xf32, #tpu.memory_space<hbm>>) target(%arg10 : memref<80x128xf32, #tpu.memory_space<vmem>>) target_semaphore(%arg12 : memref<!tpu.dma_semaphore, #tpu.memory_space<semaphore_mem>>)
      %dma_start3A_14 = arith.constant 0 : i32
      %dma_start3A_15 = arith.constant 0 : i32
      %dma_start3A_16 = arith.constant 0 : i32
      %dma_start3A_17 = tpu.memref_slice %arg9[%dma_start3A_15, %dma_start3A_16] : memref<2x80xi32, #tpu.memory_space<vmem>> -> memref<1x80xi32, #tpu.memory_space<vmem>>
      %dma_start3A_18 = tpu.memref_squeeze %dma_start3A_17 : memref<1x80xi32, #tpu.memory_space<vmem>> -> memref<80xi32, #tpu.memory_space<vmem>>
      %dma_start3A_19 = arith.constant 0 : i32
      %dma_start3A_20 = tpu.memref_slice %arg4[%arg1, %dma_start3A_14, %dma_start3A_19] : memref<16x128x80xi32, #tpu.memory_space<hbm>> -> memref<1x1x80xi32, #tpu.memory_space<hbm>>
      %dma_start3A_21 = tpu.memref_squeeze %dma_start3A_20 : memref<1x1x80xi32, #tpu.memory_space<hbm>> -> memref<80xi32, #tpu.memory_space<hbm>>
      %dma_start3A_22 = arith.constant 0 : i32
      %dma_start3A_23 = tpu.memref_slice %arg9[%dma_start3A_15, %dma_start3A_22] : memref<2x80xi32, #tpu.memory_space<vmem>> -> memref<1x80xi32, #tpu.memory_space<vmem>>
      %dma_start3A_24 = tpu.memref_squeeze %dma_start3A_23 : memref<1x80xi32, #tpu.memory_space<vmem>> -> memref<80xi32, #tpu.memory_space<vmem>>
      %dma_start3A_25 = arith.constant 0 : i32
      %dma_start3A_26 = tpu.memref_slice %arg4[%arg1, %dma_start3A_14, %dma_start3A_25] : memref<16x128x80xi32, #tpu.memory_space<hbm>> -> memref<1x1x80xi32, #tpu.memory_space<hbm>>
      %dma_start3A_27 = tpu.memref_squeeze %dma_start3A_26 : memref<1x1x80xi32, #tpu.memory_space<hbm>> -> memref<80xi32, #tpu.memory_space<hbm>>
      tpu.enqueue_dma source(%dma_start3A_27 : memref<80xi32, #tpu.memory_space<hbm>>) target(%dma_start3A_24 : memref<80xi32, #tpu.memory_space<vmem>>) target_semaphore(%arg14 : memref<!tpu.dma_semaphore, #tpu.memory_space<semaphore_mem>>)
      %scan3A = arith.constant 0 : i32
      %scan3A_28 = arith.constant 0 : i32
      %scan3A_29 = arith.constant 64 : i32
      %scan3A_30 = arith.addi %scan3A_28, %scan3A_29 : i32
      %scan3A_31 = arith.constant 1 : i32
      scf.for %scan3A_34 = %scan3A_28 to %scan3A_30 step %scan3A_31  : i32 {
        %mul3A_35 = arith.constant 2 : i32
        %mul3A_36 = arith.muli %mul3A_35, %scan3A_34 : i32
        %add3A_37 = arith.constant 0 : i32
        %add3A_38 = arith.addi %mul3A_36, %add3A_37 : i32
        %add3A_39 = arith.constant 1 : i32
        %add3A_40 = arith.addi %add3A_38, %add3A_39 : i32
        %lt3A = arith.constant 128 : i32
        %lt3A_41 = arith.cmpi slt, %add3A_40, %lt3A : i32
        %convert_element_type3A_42 = arith.extui %lt3A_41 : i1 to i32
        %cond3A_43 = arith.constant 0 : i32
        %cond3A_44 = arith.cmpi ne, %convert_element_type3A_42, %cond3A_43 : i32
        scf.if %cond3A_44 {
          %add3A_96 = arith.constant 1 : i32
          %add3A_97 = arith.addi %add3A_38, %add3A_96 : i32
          %mul3A_98 = arith.constant 80 : i32
          %mul3A_99 = arith.muli %add3A_97, %mul3A_98 : i32
          %add3A_100 = arith.addi %mul3A_2, %mul3A_99 : i32
          %dma_start3A_101 = arith.constant 0 : i32
          %dma_start3A_102 = tpu.memref_slice %arg2[%add3A_100, %dma_start3A_101] : memref<163840x128xf32, #tpu.memory_space<hbm>> -> memref<80x128xf32, #tpu.memory_space<hbm>>
          %dma_start3A_103 = arith.constant 0 : i32
          %dma_start3A_104 = tpu.memref_slice %arg2[%add3A_100, %dma_start3A_103] : memref<163840x128xf32, #tpu.memory_space<hbm>> -> memref<80x128xf32, #tpu.memory_space<hbm>>
          tpu.enqueue_dma source(%dma_start3A_104 : memref<80x128xf32, #tpu.memory_space<hbm>>) target(%arg11 : memref<80x128xf32, #tpu.memory_space<vmem>>) target_semaphore(%arg13 : memref<!tpu.dma_semaphore, #tpu.memory_space<semaphore_mem>>)
          %add3A_105 = arith.constant 1 : i32
          %add3A_106 = arith.addi %add3A_38, %add3A_105 : i32
          %dma_start3A_107 = arith.constant 1 : i32
          %dma_start3A_108 = arith.constant 0 : i32
          %dma_start3A_109 = tpu.memref_slice %arg9[%dma_start3A_107, %dma_start3A_108] : memref<2x80xi32, #tpu.memory_space<vmem>> -> memref<1x80xi32, #tpu.memory_space<vmem>>
          %dma_start3A_110 = tpu.memref_squeeze %dma_start3A_109 : memref<1x80xi32, #tpu.memory_space<vmem>> -> memref<80xi32, #tpu.memory_space<vmem>>
          %dma_start3A_111 = arith.constant 0 : i32
          %dma_start3A_112 = tpu.memref_slice %arg4[%arg1, %add3A_106, %dma_start3A_111] : memref<16x128x80xi32, #tpu.memory_space<hbm>> -> memref<1x1x80xi32, #tpu.memory_space<hbm>>
          %dma_start3A_113 = tpu.memref_squeeze %dma_start3A_112 : memref<1x1x80xi32, #tpu.memory_space<hbm>> -> memref<80xi32, #tpu.memory_space<hbm>>
          %dma_start3A_114 = arith.constant 0 : i32
          %dma_start3A_115 = tpu.memref_slice %arg9[%dma_start3A_107, %dma_start3A_114] : memref<2x80xi32, #tpu.memory_space<vmem>> -> memref<1x80xi32, #tpu.memory_space<vmem>>
          %dma_start3A_116 = tpu.memref_squeeze %dma_start3A_115 : memref<1x80xi32, #tpu.memory_space<vmem>> -> memref<80xi32, #tpu.memory_space<vmem>>
          %dma_start3A_117 = arith.constant 0 : i32
          %dma_start3A_118 = tpu.memref_slice %arg4[%arg1, %add3A_106, %dma_start3A_117] : memref<16x128x80xi32, #tpu.memory_space<hbm>> -> memref<1x1x80xi32, #tpu.memory_space<hbm>>
          %dma_start3A_119 = tpu.memref_squeeze %dma_start3A_118 : memref<1x1x80xi32, #tpu.memory_space<hbm>> -> memref<80xi32, #tpu.memory_space<hbm>>
          tpu.enqueue_dma source(%dma_start3A_119 : memref<80xi32, #tpu.memory_space<hbm>>) target(%dma_start3A_116 : memref<80xi32, #tpu.memory_space<vmem>>) target_semaphore(%arg15 : memref<!tpu.dma_semaphore, #tpu.memory_space<semaphore_mem>>)
        } else {
        }
        %mul3A_45 = arith.constant 80 : i32
        %mul3A_46 = arith.muli %add3A_38, %mul3A_45 : i32
        %add3A_47 = arith.addi %mul3A_2, %mul3A_46 : i32
        %dma_wait3A = arith.constant 0 : i32
        %dma_wait3A_48 = tpu.memref_slice %arg2[%add3A_47, %dma_wait3A] : memref<163840x128xf32, #tpu.memory_space<hbm>> -> memref<80x128xf32, #tpu.memory_space<hbm>>
        %dma_wait3A_49 = arith.constant 0 : i32
        %dma_wait3A_50 = tpu.memref_slice %arg2[%add3A_47, %dma_wait3A_49] : memref<163840x128xf32, #tpu.memory_space<hbm>> -> memref<80x128xf32, #tpu.memory_space<hbm>>
        tpu.wait_dma2 semaphore(%arg12 : memref<!tpu.dma_semaphore, #tpu.memory_space<semaphore_mem>>) src(%dma_wait3A_50 : memref<80x128xf32, #tpu.memory_space<hbm>>) dst(%arg10 : memref<80x128xf32, #tpu.memory_space<vmem>>)
        %dma_wait3A_51 = arith.constant 0 : i32
        %dma_wait3A_52 = arith.constant 0 : i32
        %dma_wait3A_53 = tpu.memref_slice %arg9[%dma_wait3A_51, %dma_wait3A_52] : memref<2x80xi32, #tpu.memory_space<vmem>> -> memref<1x80xi32, #tpu.memory_space<vmem>>
        %dma_wait3A_54 = tpu.memref_squeeze %dma_wait3A_53 : memref<1x80xi32, #tpu.memory_space<vmem>> -> memref<80xi32, #tpu.memory_space<vmem>>
        %dma_wait3A_55 = arith.constant 0 : i32
        %dma_wait3A_56 = tpu.memref_slice %arg4[%arg1, %add3A_38, %dma_wait3A_55] : memref<16x128x80xi32, #tpu.memory_space<hbm>> -> memref<1x1x80xi32, #tpu.memory_space<hbm>>
        %dma_wait3A_57 = tpu.memref_squeeze %dma_wait3A_56 : memref<1x1x80xi32, #tpu.memory_space<hbm>> -> memref<80xi32, #tpu.memory_space<hbm>>
        %dma_wait3A_58 = arith.constant 0 : i32
        %dma_wait3A_59 = tpu.memref_slice %arg9[%dma_wait3A_51, %dma_wait3A_58] : memref<2x80xi32, #tpu.memory_space<vmem>> -> memref<1x80xi32, #tpu.memory_space<vmem>>
        %dma_wait3A_60 = tpu.memref_squeeze %dma_wait3A_59 : memref<1x80xi32, #tpu.memory_space<vmem>> -> memref<80xi32, #tpu.memory_space<vmem>>
        %dma_wait3A_61 = arith.constant 0 : i32
        %dma_wait3A_62 = tpu.memref_slice %arg4[%arg1, %add3A_38, %dma_wait3A_61] : memref<16x128x80xi32, #tpu.memory_space<hbm>> -> memref<1x1x80xi32, #tpu.memory_space<hbm>>
        %dma_wait3A_63 = tpu.memref_squeeze %dma_wait3A_62 : memref<1x1x80xi32, #tpu.memory_space<hbm>> -> memref<80xi32, #tpu.memory_space<hbm>>
        tpu.wait_dma2 semaphore(%arg14 : memref<!tpu.dma_semaphore, #tpu.memory_space<semaphore_mem>>) src(%dma_wait3A_63 : memref<80xi32, #tpu.memory_space<hbm>>) dst(%dma_wait3A_60 : memref<80xi32, #tpu.memory_space<vmem>>)
        %run_scoped3A = arith.constant 0 : i32
        "tpu.region"() ({
          %run_scoped3A_96 = tpu.sem_alloc : memref<!tpu.dma_semaphore, #tpu.memory_space<semaphore_mem>>
          %dma_start3A_97 = arith.constant 0 : i32
          %dma_start3A_98 = tpu.memref_slice %arg9[%run_scoped3A, %dma_start3A_97] : memref<2x80xi32, #tpu.memory_space<vmem>> -> memref<1x80xi32, #tpu.memory_space<vmem>>
          %dma_start3A_99 = tpu.memref_squeeze %dma_start3A_98 : memref<1x80xi32, #tpu.memory_space<vmem>> -> memref<80xi32, #tpu.memory_space<vmem>>
          %dma_start3A_100 = arith.constant 0 : i32
          %dma_start3A_101 = arith.constant 0 : i32
          %dma_start3A_102 = tpu.memref_slice %arg8[%dma_start3A_100, %dma_start3A_101] : memref<10240x128xf32, #tpu.memory_space<vmem_shared>> -> memref<10240x128xf32, #tpu.memory_space<vmem_shared>>
          tpu.enqueue_indirect_dma source(%arg10 : memref<80x128xf32, #tpu.memory_space<vmem>>) target(%dma_start3A_102 : memref<10240x128xf32, #tpu.memory_space<vmem_shared>>) offsets(%dma_start3A_99 : memref<80xi32, #tpu.memory_space<vmem>>) semaphore(%run_scoped3A_96 : memref<!tpu.dma_semaphore, #tpu.memory_space<semaphore_mem>>) {add = true}
          %dma_wait3A_103 = arith.constant 0 : i32
          %dma_wait3A_104 = tpu.memref_slice %arg9[%run_scoped3A, %dma_wait3A_103] : memref<2x80xi32, #tpu.memory_space<vmem>> -> memref<1x80xi32, #tpu.memory_space<vmem>>
          %dma_wait3A_105 = tpu.memref_squeeze %dma_wait3A_104 : memref<1x80xi32, #tpu.memory_space<vmem>> -> memref<80xi32, #tpu.memory_space<vmem>>
          %dma_wait3A_106 = arith.constant 0 : i32
          %dma_wait3A_107 = arith.constant 0 : i32
          %dma_wait3A_108 = tpu.memref_slice %arg8[%dma_wait3A_106, %dma_wait3A_107] : memref<10240x128xf32, #tpu.memory_space<vmem_shared>> -> memref<10240x128xf32, #tpu.memory_space<vmem_shared>>
          tpu.wait_indirect_dma semaphore(%run_scoped3A_96 : memref<!tpu.dma_semaphore, #tpu.memory_space<semaphore_mem>>) src(%arg10 : memref<80x128xf32, #tpu.memory_space<vmem>>) dst(%dma_wait3A_108 : memref<10240x128xf32, #tpu.memory_space<vmem_shared>>)
          tpu.yield
        }) : () -> ()
        %mul3A_64 = arith.constant 2 : i32
        %mul3A_65 = arith.muli %mul3A_64, %scan3A_34 : i32
        %add3A_66 = arith.constant 1 : i32
        %add3A_67 = arith.addi %mul3A_65, %add3A_66 : i32
        %add3A_68 = arith.constant 1 : i32
        %add3A_69 = arith.addi %add3A_67, %add3A_68 : i32
        %lt3A_70 = arith.constant 128 : i32
        %lt3A_71 = arith.cmpi slt, %add3A_69, %lt3A_70 : i32
        %convert_element_type3A_72 = arith.extui %lt3A_71 : i1 to i32
        %cond3A_73 = arith.constant 0 : i32
        %cond3A_74 = arith.cmpi ne, %convert_element_type3A_72, %cond3A_73 : i32
        scf.if %cond3A_74 {
          %add3A_96 = arith.constant 1 : i32
          %add3A_97 = arith.addi %add3A_67, %add3A_96 : i32
          %mul3A_98 = arith.constant 80 : i32
          %mul3A_99 = arith.muli %add3A_97, %mul3A_98 : i32
          %add3A_100 = arith.addi %mul3A_2, %mul3A_99 : i32
          %dma_start3A_101 = arith.constant 0 : i32
          %dma_start3A_102 = tpu.memref_slice %arg2[%add3A_100, %dma_start3A_101] : memref<163840x128xf32, #tpu.memory_space<hbm>> -> memref<80x128xf32, #tpu.memory_space<hbm>>
          %dma_start3A_103 = arith.constant 0 : i32
          %dma_start3A_104 = tpu.memref_slice %arg2[%add3A_100, %dma_start3A_103] : memref<163840x128xf32, #tpu.memory_space<hbm>> -> memref<80x128xf32, #tpu.memory_space<hbm>>
          tpu.enqueue_dma source(%dma_start3A_104 : memref<80x128xf32, #tpu.memory_space<hbm>>) target(%arg10 : memref<80x128xf32, #tpu.memory_space<vmem>>) target_semaphore(%arg12 : memref<!tpu.dma_semaphore, #tpu.memory_space<semaphore_mem>>)
          %add3A_105 = arith.constant 1 : i32
          %add3A_106 = arith.addi %add3A_67, %add3A_105 : i32
          %dma_start3A_107 = arith.constant 0 : i32
          %dma_start3A_108 = arith.constant 0 : i32
          %dma_start3A_109 = tpu.memref_slice %arg9[%dma_start3A_107, %dma_start3A_108] : memref<2x80xi32, #tpu.memory_space<vmem>> -> memref<1x80xi32, #tpu.memory_space<vmem>>
          %dma_start3A_110 = tpu.memref_squeeze %dma_start3A_109 : memref<1x80xi32, #tpu.memory_space<vmem>> -> memref<80xi32, #tpu.memory_space<vmem>>
          %dma_start3A_111 = arith.constant 0 : i32
          %dma_start3A_112 = tpu.memref_slice %arg4[%arg1, %add3A_106, %dma_start3A_111] : memref<16x128x80xi32, #tpu.memory_space<hbm>> -> memref<1x1x80xi32, #tpu.memory_space<hbm>>
          %dma_start3A_113 = tpu.memref_squeeze %dma_start3A_112 : memref<1x1x80xi32, #tpu.memory_space<hbm>> -> memref<80xi32, #tpu.memory_space<hbm>>
          %dma_start3A_114 = arith.constant 0 : i32
          %dma_start3A_115 = tpu.memref_slice %arg9[%dma_start3A_107, %dma_start3A_114] : memref<2x80xi32, #tpu.memory_space<vmem>> -> memref<1x80xi32, #tpu.memory_space<vmem>>
          %dma_start3A_116 = tpu.memref_squeeze %dma_start3A_115 : memref<1x80xi32, #tpu.memory_space<vmem>> -> memref<80xi32, #tpu.memory_space<vmem>>
          %dma_start3A_117 = arith.constant 0 : i32
          %dma_start3A_118 = tpu.memref_slice %arg4[%arg1, %add3A_106, %dma_start3A_117] : memref<16x128x80xi32, #tpu.memory_space<hbm>> -> memref<1x1x80xi32, #tpu.memory_space<hbm>>
          %dma_start3A_119 = tpu.memref_squeeze %dma_start3A_118 : memref<1x1x80xi32, #tpu.memory_space<hbm>> -> memref<80xi32, #tpu.memory_space<hbm>>
          tpu.enqueue_dma source(%dma_start3A_119 : memref<80xi32, #tpu.memory_space<hbm>>) target(%dma_start3A_116 : memref<80xi32, #tpu.memory_space<vmem>>) target_semaphore(%arg14 : memref<!tpu.dma_semaphore, #tpu.memory_space<semaphore_mem>>)
        } else {
        }
        %mul3A_75 = arith.constant 80 : i32
        %mul3A_76 = arith.muli %add3A_67, %mul3A_75 : i32
        %add3A_77 = arith.addi %mul3A_2, %mul3A_76 : i32
        %dma_wait3A_78 = arith.constant 0 : i32
        %dma_wait3A_79 = tpu.memref_slice %arg2[%add3A_77, %dma_wait3A_78] : memref<163840x128xf32, #tpu.memory_space<hbm>> -> memref<80x128xf32, #tpu.memory_space<hbm>>
        %dma_wait3A_80 = arith.constant 0 : i32
        %dma_wait3A_81 = tpu.memref_slice %arg2[%add3A_77, %dma_wait3A_80] : memref<163840x128xf32, #tpu.memory_space<hbm>> -> memref<80x128xf32, #tpu.memory_space<hbm>>
        tpu.wait_dma2 semaphore(%arg13 : memref<!tpu.dma_semaphore, #tpu.memory_space<semaphore_mem>>) src(%dma_wait3A_81 : memref<80x128xf32, #tpu.memory_space<hbm>>) dst(%arg11 : memref<80x128xf32, #tpu.memory_space<vmem>>)
        %dma_wait3A_82 = arith.constant 1 : i32
        %dma_wait3A_83 = arith.constant 0 : i32
        %dma_wait3A_84 = tpu.memref_slice %arg9[%dma_wait3A_82, %dma_wait3A_83] : memref<2x80xi32, #tpu.memory_space<vmem>> -> memref<1x80xi32, #tpu.memory_space<vmem>>
        %dma_wait3A_85 = tpu.memref_squeeze %dma_wait3A_84 : memref<1x80xi32, #tpu.memory_space<vmem>> -> memref<80xi32, #tpu.memory_space<vmem>>
        %dma_wait3A_86 = arith.constant 0 : i32
        %dma_wait3A_87 = tpu.memref_slice %arg4[%arg1, %add3A_67, %dma_wait3A_86] : memref<16x128x80xi32, #tpu.memory_space<hbm>> -> memref<1x1x80xi32, #tpu.memory_space<hbm>>
        %dma_wait3A_88 = tpu.memref_squeeze %dma_wait3A_87 : memref<1x1x80xi32, #tpu.memory_space<hbm>> -> memref<80xi32, #tpu.memory_space<hbm>>
        %dma_wait3A_89 = arith.constant 0 : i32
        %dma_wait3A_90 = tpu.memref_slice %arg9[%dma_wait3A_82, %dma_wait3A_89] : memref<2x80xi32, #tpu.memory_space<vmem>> -> memref<1x80xi32, #tpu.memory_space<vmem>>
        %dma_wait3A_91 = tpu.memref_squeeze %dma_wait3A_90 : memref<1x80xi32, #tpu.memory_space<vmem>> -> memref<80xi32, #tpu.memory_space<vmem>>
        %dma_wait3A_92 = arith.constant 0 : i32
        %dma_wait3A_93 = tpu.memref_slice %arg4[%arg1, %add3A_67, %dma_wait3A_92] : memref<16x128x80xi32, #tpu.memory_space<hbm>> -> memref<1x1x80xi32, #tpu.memory_space<hbm>>
        %dma_wait3A_94 = tpu.memref_squeeze %dma_wait3A_93 : memref<1x1x80xi32, #tpu.memory_space<hbm>> -> memref<80xi32, #tpu.memory_space<hbm>>
        tpu.wait_dma2 semaphore(%arg15 : memref<!tpu.dma_semaphore, #tpu.memory_space<semaphore_mem>>) src(%dma_wait3A_94 : memref<80xi32, #tpu.memory_space<hbm>>) dst(%dma_wait3A_91 : memref<80xi32, #tpu.memory_space<vmem>>)
        %run_scoped3A_95 = arith.constant 1 : i32
        "tpu.region"() ({
          %run_scoped3A_96 = tpu.sem_alloc : memref<!tpu.dma_semaphore, #tpu.memory_space<semaphore_mem>>
          %dma_start3A_97 = arith.constant 0 : i32
          %dma_start3A_98 = tpu.memref_slice %arg9[%run_scoped3A_95, %dma_start3A_97] : memref<2x80xi32, #tpu.memory_space<vmem>> -> memref<1x80xi32, #tpu.memory_space<vmem>>
          %dma_start3A_99 = tpu.memref_squeeze %dma_start3A_98 : memref<1x80xi32, #tpu.memory_space<vmem>> -> memref<80xi32, #tpu.memory_space<vmem>>
          %dma_start3A_100 = arith.constant 0 : i32
          %dma_start3A_101 = arith.constant 0 : i32
          %dma_start3A_102 = tpu.memref_slice %arg8[%dma_start3A_100, %dma_start3A_101] : memref<10240x128xf32, #tpu.memory_space<vmem_shared>> -> memref<10240x128xf32, #tpu.memory_space<vmem_shared>>
          tpu.enqueue_indirect_dma source(%arg11 : memref<80x128xf32, #tpu.memory_space<vmem>>) target(%dma_start3A_102 : memref<10240x128xf32, #tpu.memory_space<vmem_shared>>) offsets(%dma_start3A_99 : memref<80xi32, #tpu.memory_space<vmem>>) semaphore(%run_scoped3A_96 : memref<!tpu.dma_semaphore, #tpu.memory_space<semaphore_mem>>) {add = true}
          %dma_wait3A_103 = arith.constant 0 : i32
          %dma_wait3A_104 = tpu.memref_slice %arg9[%run_scoped3A_95, %dma_wait3A_103] : memref<2x80xi32, #tpu.memory_space<vmem>> -> memref<1x80xi32, #tpu.memory_space<vmem>>
          %dma_wait3A_105 = tpu.memref_squeeze %dma_wait3A_104 : memref<1x80xi32, #tpu.memory_space<vmem>> -> memref<80xi32, #tpu.memory_space<vmem>>
          %dma_wait3A_106 = arith.constant 0 : i32
          %dma_wait3A_107 = arith.constant 0 : i32
          %dma_wait3A_108 = tpu.memref_slice %arg8[%dma_wait3A_106, %dma_wait3A_107] : memref<10240x128xf32, #tpu.memory_space<vmem_shared>> -> memref<10240x128xf32, #tpu.memory_space<vmem_shared>>
          tpu.wait_indirect_dma semaphore(%run_scoped3A_96 : memref<!tpu.dma_semaphore, #tpu.memory_space<semaphore_mem>>) src(%arg11 : memref<80x128xf32, #tpu.memory_space<vmem>>) dst(%dma_wait3A_108 : memref<10240x128xf32, #tpu.memory_space<vmem_shared>>)
          tpu.yield
        }) : () -> ()
      }
      %scan3A_32 = arith.constant 64 : i32
      %barrier3A_33 = arith.constant 0 : index
      tpu.barrier barrier_id(%barrier3A_33)
      "tpu.region"() ({
        %run_scoped3A = tpu.sem_alloc : memref<!tpu.dma_semaphore, #tpu.memory_space<semaphore_mem>>
        %dma_start3A_34 = arith.constant 0 : i32
        %dma_start3A_35 = tpu.memref_slice %arg6[%mul3A_0, %dma_start3A_34] : memref<10240x128xf32, #tpu.memory_space<hbm>> -> memref<640x128xf32, #tpu.memory_space<hbm>>
        %dma_start3A_36 = arith.constant 0 : i32
        %dma_start3A_37 = tpu.memref_slice %arg8[%mul3A_0, %dma_start3A_36] : memref<10240x128xf32, #tpu.memory_space<vmem_shared>> -> memref<640x128xf32, #tpu.memory_space<vmem_shared>>
        tpu.enqueue_dma source(%dma_start3A_37 : memref<640x128xf32, #tpu.memory_space<vmem_shared>>) target(%dma_start3A_35 : memref<640x128xf32, #tpu.memory_space<hbm>>) target_semaphore(%run_scoped3A : memref<!tpu.dma_semaphore, #tpu.memory_space<semaphore_mem>>)
        %dma_wait3A = arith.constant 0 : i32
        %dma_wait3A_38 = tpu.memref_slice %arg6[%mul3A_0, %dma_wait3A] : memref<10240x128xf32, #tpu.memory_space<hbm>> -> memref<640x128xf32, #tpu.memory_space<hbm>>
        %dma_wait3A_39 = arith.constant 0 : i32
        %dma_wait3A_40 = tpu.memref_slice %arg8[%mul3A_0, %dma_wait3A_39] : memref<10240x128xf32, #tpu.memory_space<vmem_shared>> -> memref<640x128xf32, #tpu.memory_space<vmem_shared>>
        tpu.wait_dma2 semaphore(%run_scoped3A : memref<!tpu.dma_semaphore, #tpu.memory_space<semaphore_mem>>) src(%dma_wait3A_40 : memref<640x128xf32, #tpu.memory_space<vmem_shared>>) dst(%dma_wait3A_38 : memref<640x128xf32, #tpu.memory_space<hbm>>)
        tpu.yield
      }) : () -> ()
    } else {
    }
    %eq3A_5 = arith.constant 1 : i32
    %eq3A_6 = arith.cmpi eq, %arg0, %eq3A_5 : i32
    %convert_element_type3A_7 = arith.extui %eq3A_6 : i1 to i32
    %cond3A_8 = arith.constant 0 : i32
    %cond3A_9 = arith.cmpi ne, %convert_element_type3A_7, %cond3A_8 : i32
    scf.if %cond3A_9 {
      "tpu.region"() ({
        %run_scoped3A = tpu.sem_alloc : memref<!tpu.dma_semaphore, #tpu.memory_space<semaphore_mem>>
        %dma_start3A_34 = arith.constant 0 : i32
        %dma_start3A_35 = tpu.memref_slice %arg8[%mul3A_0, %dma_start3A_34] : memref<10240x128xf32, #tpu.memory_space<vmem_shared>> -> memref<640x128xf32, #tpu.memory_space<vmem_shared>>
        %dma_start3A_36 = arith.constant 0 : i32
        %dma_start3A_37 = tpu.memref_slice %arg5[%mul3A_0, %dma_start3A_36] : memref<10240x128xf32, #tpu.memory_space<hbm>> -> memref<640x128xf32, #tpu.memory_space<hbm>>
        tpu.enqueue_dma source(%dma_start3A_37 : memref<640x128xf32, #tpu.memory_space<hbm>>) target(%dma_start3A_35 : memref<640x128xf32, #tpu.memory_space<vmem_shared>>) target_semaphore(%run_scoped3A : memref<!tpu.dma_semaphore, #tpu.memory_space<semaphore_mem>>)
        %dma_wait3A = arith.constant 0 : i32
        %dma_wait3A_38 = tpu.memref_slice %arg8[%mul3A_0, %dma_wait3A] : memref<10240x128xf32, #tpu.memory_space<vmem_shared>> -> memref<640x128xf32, #tpu.memory_space<vmem_shared>>
        %dma_wait3A_39 = arith.constant 0 : i32
        %dma_wait3A_40 = tpu.memref_slice %arg5[%mul3A_0, %dma_wait3A_39] : memref<10240x128xf32, #tpu.memory_space<hbm>> -> memref<640x128xf32, #tpu.memory_space<hbm>>
        tpu.wait_dma2 semaphore(%run_scoped3A : memref<!tpu.dma_semaphore, #tpu.memory_space<semaphore_mem>>) src(%dma_wait3A_40 : memref<640x128xf32, #tpu.memory_space<hbm>>) dst(%dma_wait3A_38 : memref<640x128xf32, #tpu.memory_space<vmem_shared>>)
        tpu.yield
      }) : () -> ()
      %barrier3A = arith.constant 0 : index
      tpu.barrier barrier_id(%barrier3A)
      %add3A = arith.constant 0 : i32
      %add3A_10 = arith.addi %mul3A_2, %add3A : i32
      %dma_start3A = arith.constant 0 : i32
      %dma_start3A_11 = tpu.memref_slice %arg3[%add3A_10, %dma_start3A] : memref<163840x128xf32, #tpu.memory_space<hbm>> -> memref<80x128xf32, #tpu.memory_space<hbm>>
      %dma_start3A_12 = arith.constant 0 : i32
      %dma_start3A_13 = tpu.memref_slice %arg3[%add3A_10, %dma_start3A_12] : memref<163840x128xf32, #tpu.memory_space<hbm>> -> memref<80x128xf32, #tpu.memory_space<hbm>>
      tpu.enqueue_dma source(%dma_start3A_13 : memref<80x128xf32, #tpu.memory_space<hbm>>) target(%arg10 : memref<80x128xf32, #tpu.memory_space<vmem>>) target_semaphore(%arg12 : memref<!tpu.dma_semaphore, #tpu.memory_space<semaphore_mem>>)
      %dma_start3A_14 = arith.constant 0 : i32
      %dma_start3A_15 = arith.constant 0 : i32
      %dma_start3A_16 = arith.constant 0 : i32
      %dma_start3A_17 = tpu.memref_slice %arg9[%dma_start3A_15, %dma_start3A_16] : memref<2x80xi32, #tpu.memory_space<vmem>> -> memref<1x80xi32, #tpu.memory_space<vmem>>
      %dma_start3A_18 = tpu.memref_squeeze %dma_start3A_17 : memref<1x80xi32, #tpu.memory_space<vmem>> -> memref<80xi32, #tpu.memory_space<vmem>>
      %dma_start3A_19 = arith.constant 0 : i32
      %dma_start3A_20 = tpu.memref_slice %arg4[%arg1, %dma_start3A_14, %dma_start3A_19] : memref<16x128x80xi32, #tpu.memory_space<hbm>> -> memref<1x1x80xi32, #tpu.memory_space<hbm>>
      %dma_start3A_21 = tpu.memref_squeeze %dma_start3A_20 : memref<1x1x80xi32, #tpu.memory_space<hbm>> -> memref<80xi32, #tpu.memory_space<hbm>>
      %dma_start3A_22 = arith.constant 0 : i32
      %dma_start3A_23 = tpu.memref_slice %arg9[%dma_start3A_15, %dma_start3A_22] : memref<2x80xi32, #tpu.memory_space<vmem>> -> memref<1x80xi32, #tpu.memory_space<vmem>>
      %dma_start3A_24 = tpu.memref_squeeze %dma_start3A_23 : memref<1x80xi32, #tpu.memory_space<vmem>> -> memref<80xi32, #tpu.memory_space<vmem>>
      %dma_start3A_25 = arith.constant 0 : i32
      %dma_start3A_26 = tpu.memref_slice %arg4[%arg1, %dma_start3A_14, %dma_start3A_25] : memref<16x128x80xi32, #tpu.memory_space<hbm>> -> memref<1x1x80xi32, #tpu.memory_space<hbm>>
      %dma_start3A_27 = tpu.memref_squeeze %dma_start3A_26 : memref<1x1x80xi32, #tpu.memory_space<hbm>> -> memref<80xi32, #tpu.memory_space<hbm>>
      tpu.enqueue_dma source(%dma_start3A_27 : memref<80xi32, #tpu.memory_space<hbm>>) target(%dma_start3A_24 : memref<80xi32, #tpu.memory_space<vmem>>) target_semaphore(%arg14 : memref<!tpu.dma_semaphore, #tpu.memory_space<semaphore_mem>>)
      %scan3A = arith.constant 0 : i32
      %scan3A_28 = arith.constant 0 : i32
      %scan3A_29 = arith.constant 64 : i32
      %scan3A_30 = arith.addi %scan3A_28, %scan3A_29 : i32
      %scan3A_31 = arith.constant 1 : i32
      scf.for %scan3A_34 = %scan3A_28 to %scan3A_30 step %scan3A_31  : i32 {
        %mul3A_35 = arith.constant 2 : i32
        %mul3A_36 = arith.muli %mul3A_35, %scan3A_34 : i32
        %add3A_37 = arith.constant 0 : i32
        %add3A_38 = arith.addi %mul3A_36, %add3A_37 : i32
        %add3A_39 = arith.constant 1 : i32
        %add3A_40 = arith.addi %add3A_38, %add3A_39 : i32
        %lt3A = arith.constant 128 : i32
        %lt3A_41 = arith.cmpi slt, %add3A_40, %lt3A : i32
        %convert_element_type3A_42 = arith.extui %lt3A_41 : i1 to i32
        %cond3A_43 = arith.constant 0 : i32
        %cond3A_44 = arith.cmpi ne, %convert_element_type3A_42, %cond3A_43 : i32
        scf.if %cond3A_44 {
          %add3A_96 = arith.constant 1 : i32
          %add3A_97 = arith.addi %add3A_38, %add3A_96 : i32
          %mul3A_98 = arith.constant 80 : i32
          %mul3A_99 = arith.muli %add3A_97, %mul3A_98 : i32
          %add3A_100 = arith.addi %mul3A_2, %mul3A_99 : i32
          %dma_start3A_101 = arith.constant 0 : i32
          %dma_start3A_102 = tpu.memref_slice %arg3[%add3A_100, %dma_start3A_101] : memref<163840x128xf32, #tpu.memory_space<hbm>> -> memref<80x128xf32, #tpu.memory_space<hbm>>
          %dma_start3A_103 = arith.constant 0 : i32
          %dma_start3A_104 = tpu.memref_slice %arg3[%add3A_100, %dma_start3A_103] : memref<163840x128xf32, #tpu.memory_space<hbm>> -> memref<80x128xf32, #tpu.memory_space<hbm>>
          tpu.enqueue_dma source(%dma_start3A_104 : memref<80x128xf32, #tpu.memory_space<hbm>>) target(%arg11 : memref<80x128xf32, #tpu.memory_space<vmem>>) target_semaphore(%arg13 : memref<!tpu.dma_semaphore, #tpu.memory_space<semaphore_mem>>)
          %add3A_105 = arith.constant 1 : i32
          %add3A_106 = arith.addi %add3A_38, %add3A_105 : i32
          %dma_start3A_107 = arith.constant 1 : i32
          %dma_start3A_108 = arith.constant 0 : i32
          %dma_start3A_109 = tpu.memref_slice %arg9[%dma_start3A_107, %dma_start3A_108] : memref<2x80xi32, #tpu.memory_space<vmem>> -> memref<1x80xi32, #tpu.memory_space<vmem>>
          %dma_start3A_110 = tpu.memref_squeeze %dma_start3A_109 : memref<1x80xi32, #tpu.memory_space<vmem>> -> memref<80xi32, #tpu.memory_space<vmem>>
          %dma_start3A_111 = arith.constant 0 : i32
          %dma_start3A_112 = tpu.memref_slice %arg4[%arg1, %add3A_106, %dma_start3A_111] : memref<16x128x80xi32, #tpu.memory_space<hbm>> -> memref<1x1x80xi32, #tpu.memory_space<hbm>>
          %dma_start3A_113 = tpu.memref_squeeze %dma_start3A_112 : memref<1x1x80xi32, #tpu.memory_space<hbm>> -> memref<80xi32, #tpu.memory_space<hbm>>
          %dma_start3A_114 = arith.constant 0 : i32
          %dma_start3A_115 = tpu.memref_slice %arg9[%dma_start3A_107, %dma_start3A_114] : memref<2x80xi32, #tpu.memory_space<vmem>> -> memref<1x80xi32, #tpu.memory_space<vmem>>
          %dma_start3A_116 = tpu.memref_squeeze %dma_start3A_115 : memref<1x80xi32, #tpu.memory_space<vmem>> -> memref<80xi32, #tpu.memory_space<vmem>>
          %dma_start3A_117 = arith.constant 0 : i32
          %dma_start3A_118 = tpu.memref_slice %arg4[%arg1, %add3A_106, %dma_start3A_117] : memref<16x128x80xi32, #tpu.memory_space<hbm>> -> memref<1x1x80xi32, #tpu.memory_space<hbm>>
          %dma_start3A_119 = tpu.memref_squeeze %dma_start3A_118 : memref<1x1x80xi32, #tpu.memory_space<hbm>> -> memref<80xi32, #tpu.memory_space<hbm>>
          tpu.enqueue_dma source(%dma_start3A_119 : memref<80xi32, #tpu.memory_space<hbm>>) target(%dma_start3A_116 : memref<80xi32, #tpu.memory_space<vmem>>) target_semaphore(%arg15 : memref<!tpu.dma_semaphore, #tpu.memory_space<semaphore_mem>>)
        } else {
        }
        %mul3A_45 = arith.constant 80 : i32
        %mul3A_46 = arith.muli %add3A_38, %mul3A_45 : i32
        %add3A_47 = arith.addi %mul3A_2, %mul3A_46 : i32
        %dma_wait3A = arith.constant 0 : i32
        %dma_wait3A_48 = tpu.memref_slice %arg3[%add3A_47, %dma_wait3A] : memref<163840x128xf32, #tpu.memory_space<hbm>> -> memref<80x128xf32, #tpu.memory_space<hbm>>
        %dma_wait3A_49 = arith.constant 0 : i32
        %dma_wait3A_50 = tpu.memref_slice %arg3[%add3A_47, %dma_wait3A_49] : memref<163840x128xf32, #tpu.memory_space<hbm>> -> memref<80x128xf32, #tpu.memory_space<hbm>>
        tpu.wait_dma2 semaphore(%arg12 : memref<!tpu.dma_semaphore, #tpu.memory_space<semaphore_mem>>) src(%dma_wait3A_50 : memref<80x128xf32, #tpu.memory_space<hbm>>) dst(%arg10 : memref<80x128xf32, #tpu.memory_space<vmem>>)
        %dma_wait3A_51 = arith.constant 0 : i32
        %dma_wait3A_52 = arith.constant 0 : i32
        %dma_wait3A_53 = tpu.memref_slice %arg9[%dma_wait3A_51, %dma_wait3A_52] : memref<2x80xi32, #tpu.memory_space<vmem>> -> memref<1x80xi32, #tpu.memory_space<vmem>>
        %dma_wait3A_54 = tpu.memref_squeeze %dma_wait3A_53 : memref<1x80xi32, #tpu.memory_space<vmem>> -> memref<80xi32, #tpu.memory_space<vmem>>
        %dma_wait3A_55 = arith.constant 0 : i32
        %dma_wait3A_56 = tpu.memref_slice %arg4[%arg1, %add3A_38, %dma_wait3A_55] : memref<16x128x80xi32, #tpu.memory_space<hbm>> -> memref<1x1x80xi32, #tpu.memory_space<hbm>>
        %dma_wait3A_57 = tpu.memref_squeeze %dma_wait3A_56 : memref<1x1x80xi32, #tpu.memory_space<hbm>> -> memref<80xi32, #tpu.memory_space<hbm>>
        %dma_wait3A_58 = arith.constant 0 : i32
        %dma_wait3A_59 = tpu.memref_slice %arg9[%dma_wait3A_51, %dma_wait3A_58] : memref<2x80xi32, #tpu.memory_space<vmem>> -> memref<1x80xi32, #tpu.memory_space<vmem>>
        %dma_wait3A_60 = tpu.memref_squeeze %dma_wait3A_59 : memref<1x80xi32, #tpu.memory_space<vmem>> -> memref<80xi32, #tpu.memory_space<vmem>>
        %dma_wait3A_61 = arith.constant 0 : i32
        %dma_wait3A_62 = tpu.memref_slice %arg4[%arg1, %add3A_38, %dma_wait3A_61] : memref<16x128x80xi32, #tpu.memory_space<hbm>> -> memref<1x1x80xi32, #tpu.memory_space<hbm>>
        %dma_wait3A_63 = tpu.memref_squeeze %dma_wait3A_62 : memref<1x1x80xi32, #tpu.memory_space<hbm>> -> memref<80xi32, #tpu.memory_space<hbm>>
        tpu.wait_dma2 semaphore(%arg14 : memref<!tpu.dma_semaphore, #tpu.memory_space<semaphore_mem>>) src(%dma_wait3A_63 : memref<80xi32, #tpu.memory_space<hbm>>) dst(%dma_wait3A_60 : memref<80xi32, #tpu.memory_space<vmem>>)
        %run_scoped3A = arith.constant 0 : i32
        "tpu.region"() ({
          %run_scoped3A_96 = tpu.sem_alloc : memref<!tpu.dma_semaphore, #tpu.memory_space<semaphore_mem>>
          %dma_start3A_97 = arith.constant 0 : i32
          %dma_start3A_98 = tpu.memref_slice %arg9[%run_scoped3A, %dma_start3A_97] : memref<2x80xi32, #tpu.memory_space<vmem>> -> memref<1x80xi32, #tpu.memory_space<vmem>>
          %dma_start3A_99 = tpu.memref_squeeze %dma_start3A_98 : memref<1x80xi32, #tpu.memory_space<vmem>> -> memref<80xi32, #tpu.memory_space<vmem>>
          %dma_start3A_100 = arith.constant 0 : i32
          %dma_start3A_101 = arith.constant 0 : i32
          %dma_start3A_102 = tpu.memref_slice %arg8[%dma_start3A_100, %dma_start3A_101] : memref<10240x128xf32, #tpu.memory_space<vmem_shared>> -> memref<10240x128xf32, #tpu.memory_space<vmem_shared>>
          tpu.enqueue_indirect_dma source(%arg10 : memref<80x128xf32, #tpu.memory_space<vmem>>) target(%dma_start3A_102 : memref<10240x128xf32, #tpu.memory_space<vmem_shared>>) offsets(%dma_start3A_99 : memref<80xi32, #tpu.memory_space<vmem>>) semaphore(%run_scoped3A_96 : memref<!tpu.dma_semaphore, #tpu.memory_space<semaphore_mem>>) {add = true}
          %dma_wait3A_103 = arith.constant 0 : i32
          %dma_wait3A_104 = tpu.memref_slice %arg9[%run_scoped3A, %dma_wait3A_103] : memref<2x80xi32, #tpu.memory_space<vmem>> -> memref<1x80xi32, #tpu.memory_space<vmem>>
          %dma_wait3A_105 = tpu.memref_squeeze %dma_wait3A_104 : memref<1x80xi32, #tpu.memory_space<vmem>> -> memref<80xi32, #tpu.memory_space<vmem>>
          %dma_wait3A_106 = arith.constant 0 : i32
          %dma_wait3A_107 = arith.constant 0 : i32
          %dma_wait3A_108 = tpu.memref_slice %arg8[%dma_wait3A_106, %dma_wait3A_107] : memref<10240x128xf32, #tpu.memory_space<vmem_shared>> -> memref<10240x128xf32, #tpu.memory_space<vmem_shared>>
          tpu.wait_indirect_dma semaphore(%run_scoped3A_96 : memref<!tpu.dma_semaphore, #tpu.memory_space<semaphore_mem>>) src(%arg10 : memref<80x128xf32, #tpu.memory_space<vmem>>) dst(%dma_wait3A_108 : memref<10240x128xf32, #tpu.memory_space<vmem_shared>>)
          tpu.yield
        }) : () -> ()
        %mul3A_64 = arith.constant 2 : i32
        %mul3A_65 = arith.muli %mul3A_64, %scan3A_34 : i32
        %add3A_66 = arith.constant 1 : i32
        %add3A_67 = arith.addi %mul3A_65, %add3A_66 : i32
        %add3A_68 = arith.constant 1 : i32
        %add3A_69 = arith.addi %add3A_67, %add3A_68 : i32
        %lt3A_70 = arith.constant 128 : i32
        %lt3A_71 = arith.cmpi slt, %add3A_69, %lt3A_70 : i32
        %convert_element_type3A_72 = arith.extui %lt3A_71 : i1 to i32
        %cond3A_73 = arith.constant 0 : i32
        %cond3A_74 = arith.cmpi ne, %convert_element_type3A_72, %cond3A_73 : i32
        scf.if %cond3A_74 {
          %add3A_96 = arith.constant 1 : i32
          %add3A_97 = arith.addi %add3A_67, %add3A_96 : i32
          %mul3A_98 = arith.constant 80 : i32
          %mul3A_99 = arith.muli %add3A_97, %mul3A_98 : i32
          %add3A_100 = arith.addi %mul3A_2, %mul3A_99 : i32
          %dma_start3A_101 = arith.constant 0 : i32
          %dma_start3A_102 = tpu.memref_slice %arg3[%add3A_100, %dma_start3A_101] : memref<163840x128xf32, #tpu.memory_space<hbm>> -> memref<80x128xf32, #tpu.memory_space<hbm>>
          %dma_start3A_103 = arith.constant 0 : i32
          %dma_start3A_104 = tpu.memref_slice %arg3[%add3A_100, %dma_start3A_103] : memref<163840x128xf32, #tpu.memory_space<hbm>> -> memref<80x128xf32, #tpu.memory_space<hbm>>
          tpu.enqueue_dma source(%dma_start3A_104 : memref<80x128xf32, #tpu.memory_space<hbm>>) target(%arg10 : memref<80x128xf32, #tpu.memory_space<vmem>>) target_semaphore(%arg12 : memref<!tpu.dma_semaphore, #tpu.memory_space<semaphore_mem>>)
          %add3A_105 = arith.constant 1 : i32
          %add3A_106 = arith.addi %add3A_67, %add3A_105 : i32
          %dma_start3A_107 = arith.constant 0 : i32
          %dma_start3A_108 = arith.constant 0 : i32
          %dma_start3A_109 = tpu.memref_slice %arg9[%dma_start3A_107, %dma_start3A_108] : memref<2x80xi32, #tpu.memory_space<vmem>> -> memref<1x80xi32, #tpu.memory_space<vmem>>
          %dma_start3A_110 = tpu.memref_squeeze %dma_start3A_109 : memref<1x80xi32, #tpu.memory_space<vmem>> -> memref<80xi32, #tpu.memory_space<vmem>>
          %dma_start3A_111 = arith.constant 0 : i32
          %dma_start3A_112 = tpu.memref_slice %arg4[%arg1, %add3A_106, %dma_start3A_111] : memref<16x128x80xi32, #tpu.memory_space<hbm>> -> memref<1x1x80xi32, #tpu.memory_space<hbm>>
          %dma_start3A_113 = tpu.memref_squeeze %dma_start3A_112 : memref<1x1x80xi32, #tpu.memory_space<hbm>> -> memref<80xi32, #tpu.memory_space<hbm>>
          %dma_start3A_114 = arith.constant 0 : i32
          %dma_start3A_115 = tpu.memref_slice %arg9[%dma_start3A_107, %dma_start3A_114] : memref<2x80xi32, #tpu.memory_space<vmem>> -> memref<1x80xi32, #tpu.memory_space<vmem>>
          %dma_start3A_116 = tpu.memref_squeeze %dma_start3A_115 : memref<1x80xi32, #tpu.memory_space<vmem>> -> memref<80xi32, #tpu.memory_space<vmem>>
          %dma_start3A_117 = arith.constant 0 : i32
          %dma_start3A_118 = tpu.memref_slice %arg4[%arg1, %add3A_106, %dma_start3A_117] : memref<16x128x80xi32, #tpu.memory_space<hbm>> -> memref<1x1x80xi32, #tpu.memory_space<hbm>>
          %dma_start3A_119 = tpu.memref_squeeze %dma_start3A_118 : memref<1x1x80xi32, #tpu.memory_space<hbm>> -> memref<80xi32, #tpu.memory_space<hbm>>
          tpu.enqueue_dma source(%dma_start3A_119 : memref<80xi32, #tpu.memory_space<hbm>>) target(%dma_start3A_116 : memref<80xi32, #tpu.memory_space<vmem>>) target_semaphore(%arg14 : memref<!tpu.dma_semaphore, #tpu.memory_space<semaphore_mem>>)
        } else {
        }
        %mul3A_75 = arith.constant 80 : i32
        %mul3A_76 = arith.muli %add3A_67, %mul3A_75 : i32
        %add3A_77 = arith.addi %mul3A_2, %mul3A_76 : i32
        %dma_wait3A_78 = arith.constant 0 : i32
        %dma_wait3A_79 = tpu.memref_slice %arg3[%add3A_77, %dma_wait3A_78] : memref<163840x128xf32, #tpu.memory_space<hbm>> -> memref<80x128xf32, #tpu.memory_space<hbm>>
        %dma_wait3A_80 = arith.constant 0 : i32
        %dma_wait3A_81 = tpu.memref_slice %arg3[%add3A_77, %dma_wait3A_80] : memref<163840x128xf32, #tpu.memory_space<hbm>> -> memref<80x128xf32, #tpu.memory_space<hbm>>
        tpu.wait_dma2 semaphore(%arg13 : memref<!tpu.dma_semaphore, #tpu.memory_space<semaphore_mem>>) src(%dma_wait3A_81 : memref<80x128xf32, #tpu.memory_space<hbm>>) dst(%arg11 : memref<80x128xf32, #tpu.memory_space<vmem>>)
        %dma_wait3A_82 = arith.constant 1 : i32
        %dma_wait3A_83 = arith.constant 0 : i32
        %dma_wait3A_84 = tpu.memref_slice %arg9[%dma_wait3A_82, %dma_wait3A_83] : memref<2x80xi32, #tpu.memory_space<vmem>> -> memref<1x80xi32, #tpu.memory_space<vmem>>
        %dma_wait3A_85 = tpu.memref_squeeze %dma_wait3A_84 : memref<1x80xi32, #tpu.memory_space<vmem>> -> memref<80xi32, #tpu.memory_space<vmem>>
        %dma_wait3A_86 = arith.constant 0 : i32
        %dma_wait3A_87 = tpu.memref_slice %arg4[%arg1, %add3A_67, %dma_wait3A_86] : memref<16x128x80xi32, #tpu.memory_space<hbm>> -> memref<1x1x80xi32, #tpu.memory_space<hbm>>
        %dma_wait3A_88 = tpu.memref_squeeze %dma_wait3A_87 : memref<1x1x80xi32, #tpu.memory_space<hbm>> -> memref<80xi32, #tpu.memory_space<hbm>>
        %dma_wait3A_89 = arith.constant 0 : i32
        %dma_wait3A_90 = tpu.memref_slice %arg9[%dma_wait3A_82, %dma_wait3A_89] : memref<2x80xi32, #tpu.memory_space<vmem>> -> memref<1x80xi32, #tpu.memory_space<vmem>>
        %dma_wait3A_91 = tpu.memref_squeeze %dma_wait3A_90 : memref<1x80xi32, #tpu.memory_space<vmem>> -> memref<80xi32, #tpu.memory_space<vmem>>
        %dma_wait3A_92 = arith.constant 0 : i32
        %dma_wait3A_93 = tpu.memref_slice %arg4[%arg1, %add3A_67, %dma_wait3A_92] : memref<16x128x80xi32, #tpu.memory_space<hbm>> -> memref<1x1x80xi32, #tpu.memory_space<hbm>>
        %dma_wait3A_94 = tpu.memref_squeeze %dma_wait3A_93 : memref<1x1x80xi32, #tpu.memory_space<hbm>> -> memref<80xi32, #tpu.memory_space<hbm>>
        tpu.wait_dma2 semaphore(%arg15 : memref<!tpu.dma_semaphore, #tpu.memory_space<semaphore_mem>>) src(%dma_wait3A_94 : memref<80xi32, #tpu.memory_space<hbm>>) dst(%dma_wait3A_91 : memref<80xi32, #tpu.memory_space<vmem>>)
        %run_scoped3A_95 = arith.constant 1 : i32
        "tpu.region"() ({
          %run_scoped3A_96 = tpu.sem_alloc : memref<!tpu.dma_semaphore, #tpu.memory_space<semaphore_mem>>
          %dma_start3A_97 = arith.constant 0 : i32
          %dma_start3A_98 = tpu.memref_slice %arg9[%run_scoped3A_95, %dma_start3A_97] : memref<2x80xi32, #tpu.memory_space<vmem>> -> memref<1x80xi32, #tpu.memory_space<vmem>>
          %dma_start3A_99 = tpu.memref_squeeze %dma_start3A_98 : memref<1x80xi32, #tpu.memory_space<vmem>> -> memref<80xi32, #tpu.memory_space<vmem>>
          %dma_start3A_100 = arith.constant 0 : i32
          %dma_start3A_101 = arith.constant 0 : i32
          %dma_start3A_102 = tpu.memref_slice %arg8[%dma_start3A_100, %dma_start3A_101] : memref<10240x128xf32, #tpu.memory_space<vmem_shared>> -> memref<10240x128xf32, #tpu.memory_space<vmem_shared>>
          tpu.enqueue_indirect_dma source(%arg11 : memref<80x128xf32, #tpu.memory_space<vmem>>) target(%dma_start3A_102 : memref<10240x128xf32, #tpu.memory_space<vmem_shared>>) offsets(%dma_start3A_99 : memref<80xi32, #tpu.memory_space<vmem>>) semaphore(%run_scoped3A_96 : memref<!tpu.dma_semaphore, #tpu.memory_space<semaphore_mem>>) {add = true}
          %dma_wait3A_103 = arith.constant 0 : i32
          %dma_wait3A_104 = tpu.memref_slice %arg9[%run_scoped3A_95, %dma_wait3A_103] : memref<2x80xi32, #tpu.memory_space<vmem>> -> memref<1x80xi32, #tpu.memory_space<vmem>>
          %dma_wait3A_105 = tpu.memref_squeeze %dma_wait3A_104 : memref<1x80xi32, #tpu.memory_space<vmem>> -> memref<80xi32, #tpu.memory_space<vmem>>
          %dma_wait3A_106 = arith.constant 0 : i32
          %dma_wait3A_107 = arith.constant 0 : i32
          %dma_wait3A_108 = tpu.memref_slice %arg8[%dma_wait3A_106, %dma_wait3A_107] : memref<10240x128xf32, #tpu.memory_space<vmem_shared>> -> memref<10240x128xf32, #tpu.memory_space<vmem_shared>>
          tpu.wait_indirect_dma semaphore(%run_scoped3A_96 : memref<!tpu.dma_semaphore, #tpu.memory_space<semaphore_mem>>) src(%arg11 : memref<80x128xf32, #tpu.memory_space<vmem>>) dst(%dma_wait3A_108 : memref<10240x128xf32, #tpu.memory_space<vmem_shared>>)
          tpu.yield
        }) : () -> ()
      }
      %scan3A_32 = arith.constant 64 : i32
      %barrier3A_33 = arith.constant 0 : index
      tpu.barrier barrier_id(%barrier3A_33)
      "tpu.region"() ({
        %run_scoped3A = tpu.sem_alloc : memref<!tpu.dma_semaphore, #tpu.memory_space<semaphore_mem>>
        %dma_start3A_34 = arith.constant 0 : i32
        %dma_start3A_35 = tpu.memref_slice %arg7[%mul3A_0, %dma_start3A_34] : memref<10240x128xf32, #tpu.memory_space<hbm>> -> memref<640x128xf32, #tpu.memory_space<hbm>>
        %dma_start3A_36 = arith.constant 0 : i32
        %dma_start3A_37 = tpu.memref_slice %arg8[%mul3A_0, %dma_start3A_36] : memref<10240x128xf32, #tpu.memory_space<vmem_shared>> -> memref<640x128xf32, #tpu.memory_space<vmem_shared>>
        tpu.enqueue_dma source(%dma_start3A_37 : memref<640x128xf32, #tpu.memory_space<vmem_shared>>) target(%dma_start3A_35 : memref<640x128xf32, #tpu.memory_space<hbm>>) target_semaphore(%run_scoped3A : memref<!tpu.dma_semaphore, #tpu.memory_space<semaphore_mem>>)
        %dma_wait3A = arith.constant 0 : i32
        %dma_wait3A_38 = tpu.memref_slice %arg7[%mul3A_0, %dma_wait3A] : memref<10240x128xf32, #tpu.memory_space<hbm>> -> memref<640x128xf32, #tpu.memory_space<hbm>>
        %dma_wait3A_39 = arith.constant 0 : i32
        %dma_wait3A_40 = tpu.memref_slice %arg8[%mul3A_0, %dma_wait3A_39] : memref<10240x128xf32, #tpu.memory_space<vmem_shared>> -> memref<640x128xf32, #tpu.memory_space<vmem_shared>>
        tpu.wait_dma2 semaphore(%run_scoped3A : memref<!tpu.dma_semaphore, #tpu.memory_space<semaphore_mem>>) src(%dma_wait3A_40 : memref<640x128xf32, #tpu.memory_space<vmem_shared>>) dst(%dma_wait3A_38 : memref<640x128xf32, #tpu.memory_space<hbm>>)
        tpu.yield
      }) : () -> ()
    } else {
    }
    return
  }
}

module attributes {stable_mosaic.version = 14 : i64} {
  func.func @_proj_body(%arg0: i32, %arg1: memref<2000x256xf32, #tpu.memory_space<vmem>>, %arg2: memref<2000x256xf32, #tpu.memory_space<vmem>>, %arg3: memref<256x256xf32, #tpu.memory_space<vmem>>, %arg4: memref<256x256xf32, #tpu.memory_space<vmem>>, %arg5: memref<256x256xf32, #tpu.memory_space<vmem>>, %arg6: memref<2000x128xi32, #tpu.memory_space<vmem>>, %arg7: memref<2000x128xi32, #tpu.memory_space<vmem>>, %arg8: memref<2000x128xf32, #tpu.memory_space<vmem>>, %arg9: memref<2000x128xf32, #tpu.memory_space<vmem>>) attributes {dimension_semantics = [#tpu.dimension_semantics<arbitrary>], iteration_bounds = array<i64: 5>, scalar_prefetch = 0 : i64, scratch_operands = 0 : i64, tpu.core_type = #tpu.core_type<tc>, window_params = [{transform_indices = @transform_0, window_bounds = array<i64: 2000, 256>}, {transform_indices = @transform_1, window_bounds = array<i64: 2000, 256>}, {pipeline_mode = #tpu.pipeline_mode<synchronous>, transform_indices = @transform_2, window_bounds = array<i64: 256, 256>}, {pipeline_mode = #tpu.pipeline_mode<synchronous>, transform_indices = @transform_3, window_bounds = array<i64: 256, 256>}, {pipeline_mode = #tpu.pipeline_mode<synchronous>, transform_indices = @transform_4, window_bounds = array<i64: 256, 256>}, {transform_indices = @transform_5, window_bounds = array<i64: 2000, 128>}, {transform_indices = @transform_6, window_bounds = array<i64: 2000, 128>}, {transform_indices = @transform_7, window_bounds = array<i64: 2000, 128>}, {transform_indices = @transform_8, window_bounds = array<i64: 2000, 128>}]} {
    %get3A = arith.constant 0 : index
    %get3A_0 = arith.constant 0 : index
    %get3A_1 = vector.load %arg1[%get3A, %get3A_0] : memref<2000x256xf32, #tpu.memory_space<vmem>>, vector<2000x256xf32>
    %get3A_2 = arith.constant 0 : index
    %get3A_3 = arith.constant 0 : index
    %get3A_4 = vector.load %arg2[%get3A_2, %get3A_3] : memref<2000x256xf32, #tpu.memory_space<vmem>>, vector<2000x256xf32>
    %get3A_5 = arith.constant 0 : index
    %get3A_6 = arith.constant 0 : index
    %get3A_7 = vector.load %arg3[%get3A_5, %get3A_6] : memref<256x256xf32, #tpu.memory_space<vmem>>, vector<256x256xf32>
    %dot_general3A = arith.constant dense<0.000000e+00> : vector<2000x256xf32>
    %dot_general3A_8 = tpu.matmul %get3A_1, %get3A_7, %dot_general3A {dimension_numbers = #tpu.dot_dimension_numbers<[1], [0], [0], [1], [0, 0, 1, 1], [], []>, transpose_lhs_hint = false} : vector<2000x256xf32>, vector<256x256xf32>, vector<2000x256xf32> -> vector<2000x256xf32>
    %convert_element_type3A = arith.truncf %dot_general3A_8 : vector<2000x256xf32> to vector<2000x256xbf16>
    %bitcast_convert_type3A = tpu.bitcast %convert_element_type3A : vector<2000x256xbf16> -> vector<2000x256xi16>
    %slice3A = vector.extract_strided_slice %bitcast_convert_type3A {offsets = [0, 0], sizes = [2000, 128], strides = [1, 1]} : vector<2000x256xi16> to vector<2000x128xi16>
    %convert_element_type3A_9 = arith.extui %slice3A : vector<2000x128xi16> to vector<2000x128xi32>
    %slice3A_10 = vector.extract_strided_slice %bitcast_convert_type3A {offsets = [0, 128], sizes = [2000, 128], strides = [1, 1]} : vector<2000x256xi16> to vector<2000x128xi16>
    %convert_element_type3A_11 = arith.extui %slice3A_10 : vector<2000x128xi16> to vector<2000x128xi32>
    %shift_left3A = arith.constant 16 : i32
    %shift_left3A_12 = vector.broadcast %shift_left3A : i32 to vector<2000x128xi32>
    %shift_left3A_13 = arith.shli %convert_element_type3A_11, %shift_left3A_12 : vector<2000x128xi32>
    %or3A = arith.ori %convert_element_type3A_9, %shift_left3A_13 : vector<2000x128xi32>
    %bitcast_convert_type3A_14 = tpu.bitcast %or3A : vector<2000x128xi32> -> vector<2000x128xi32>
    %swap3A = arith.constant 0 : index
    %swap3A_15 = arith.constant 0 : index
    %swap3A_16 = vector.load %arg6[%swap3A, %swap3A_15] : memref<2000x128xi32, #tpu.memory_space<vmem>>, vector<2000x128xi32>
    tpu.vector_store %arg6[%swap3A, %swap3A_15], %bitcast_convert_type3A_14 {strides = array<i32>} : memref<2000x128xi32, #tpu.memory_space<vmem>>, vector<2000x128xi32>,
    %get3A_17 = arith.constant 0 : index
    %get3A_18 = arith.constant 0 : index
    %get3A_19 = vector.load %arg4[%get3A_17, %get3A_18] : memref<256x256xf32, #tpu.memory_space<vmem>>, vector<256x256xf32>
    %dot_general3A_20 = arith.constant dense<0.000000e+00> : vector<2000x256xf32>
    %dot_general3A_21 = tpu.matmul %get3A_4, %get3A_19, %dot_general3A_20 {dimension_numbers = #tpu.dot_dimension_numbers<[1], [0], [0], [1], [0, 0, 1, 1], [], []>, transpose_lhs_hint = false} : vector<2000x256xf32>, vector<256x256xf32>, vector<2000x256xf32> -> vector<2000x256xf32>
    %convert_element_type3A_22 = arith.truncf %dot_general3A_21 : vector<2000x256xf32> to vector<2000x256xbf16>
    %bitcast_convert_type3A_23 = tpu.bitcast %convert_element_type3A_22 : vector<2000x256xbf16> -> vector<2000x256xi16>
    %slice3A_24 = vector.extract_strided_slice %bitcast_convert_type3A_23 {offsets = [0, 0], sizes = [2000, 128], strides = [1, 1]} : vector<2000x256xi16> to vector<2000x128xi16>
    %convert_element_type3A_25 = arith.extui %slice3A_24 : vector<2000x128xi16> to vector<2000x128xi32>
    %slice3A_26 = vector.extract_strided_slice %bitcast_convert_type3A_23 {offsets = [0, 128], sizes = [2000, 128], strides = [1, 1]} : vector<2000x256xi16> to vector<2000x128xi16>
    %convert_element_type3A_27 = arith.extui %slice3A_26 : vector<2000x128xi16> to vector<2000x128xi32>
    %shift_left3A_28 = arith.constant 16 : i32
    %shift_left3A_29 = vector.broadcast %shift_left3A_28 : i32 to vector<2000x128xi32>
    %shift_left3A_30 = arith.shli %convert_element_type3A_27, %shift_left3A_29 : vector<2000x128xi32>
    %or3A_31 = arith.ori %convert_element_type3A_25, %shift_left3A_30 : vector<2000x128xi32>
    %bitcast_convert_type3A_32 = tpu.bitcast %or3A_31 : vector<2000x128xi32> -> vector<2000x128xi32>
    %swap3A_33 = arith.constant 0 : index
    %swap3A_34 = arith.constant 0 : index
    %swap3A_35 = vector.load %arg7[%swap3A_33, %swap3A_34] : memref<2000x128xi32, #tpu.memory_space<vmem>>, vector<2000x128xi32>
    tpu.vector_store %arg7[%swap3A_33, %swap3A_34], %bitcast_convert_type3A_32 {strides = array<i32>} : memref<2000x128xi32, #tpu.memory_space<vmem>>, vector<2000x128xi32>,
    %get3A_36 = arith.constant 0 : index
    %get3A_37 = arith.constant 0 : index
    %get3A_38 = vector.load %arg5[%get3A_36, %get3A_37] : memref<256x256xf32, #tpu.memory_space<vmem>>, vector<256x256xf32>
    %dot_general3A_39 = arith.constant dense<0.000000e+00> : vector<2000x256xf32>
    %dot_general3A_40 = tpu.matmul %get3A_1, %get3A_38, %dot_general3A_39 {dimension_numbers = #tpu.dot_dimension_numbers<[1], [0], [0], [1], [0, 0, 1, 1], [], []>, transpose_lhs_hint = false} : vector<2000x256xf32>, vector<256x256xf32>, vector<2000x256xf32> -> vector<2000x256xf32>
    %slice3A_41 = vector.extract_strided_slice %dot_general3A_40 {offsets = [0, 0], sizes = [2000, 128], strides = [1, 1]} : vector<2000x256xf32> to vector<2000x128xf32>
    %swap3A_42 = arith.constant 0 : index
    %swap3A_43 = arith.constant 0 : index
    %swap3A_44 = vector.load %arg8[%swap3A_42, %swap3A_43] : memref<2000x128xf32, #tpu.memory_space<vmem>>, vector<2000x128xf32>
    tpu.vector_store %arg8[%swap3A_42, %swap3A_43], %slice3A_41 {strides = array<i32>} : memref<2000x128xf32, #tpu.memory_space<vmem>>, vector<2000x128xf32>,
    %slice3A_45 = vector.extract_strided_slice %dot_general3A_40 {offsets = [0, 128], sizes = [2000, 128], strides = [1, 1]} : vector<2000x256xf32> to vector<2000x128xf32>
    %swap3A_46 = arith.constant 0 : index
    %swap3A_47 = arith.constant 0 : index
    %swap3A_48 = vector.load %arg9[%swap3A_46, %swap3A_47] : memref<2000x128xf32, #tpu.memory_space<vmem>>, vector<2000x128xf32>
    tpu.vector_store %arg9[%swap3A_46, %swap3A_47], %slice3A_45 {strides = array<i32>} : memref<2000x128xf32, #tpu.memory_space<vmem>>, vector<2000x128xf32>,
    return
  }
  func.func @transform_0(%arg0: i32) -> (i32, i32) {
    %c0_i32 = arith.constant 0 : i32
    %c0_i32_0 = arith.constant 0 : i32
    return %arg0, %c0_i32 : i32, i32
  }
  func.func @transform_1(%arg0: i32) -> (i32, i32) {
    %c0_i32 = arith.constant 0 : i32
    %c0_i32_0 = arith.constant 0 : i32
    return %arg0, %c0_i32 : i32, i32
  }
  func.func @transform_2(%arg0: i32) -> (i32, i32) {
    %c0_i32 = arith.constant 0 : i32
    %c0_i32_0 = arith.constant 0 : i32
    %c0_i32_1 = arith.constant 0 : i32
    return %c0_i32, %c0_i32_0 : i32, i32
  }
  func.func @transform_3(%arg0: i32) -> (i32, i32) {
    %c0_i32 = arith.constant 0 : i32
    %c0_i32_0 = arith.constant 0 : i32
    %c0_i32_1 = arith.constant 0 : i32
    return %c0_i32, %c0_i32_0 : i32, i32
  }
  func.func @transform_4(%arg0: i32) -> (i32, i32) {
    %c0_i32 = arith.constant 0 : i32
    %c0_i32_0 = arith.constant 0 : i32
    %c0_i32_1 = arith.constant 0 : i32
    return %c0_i32, %c0_i32_0 : i32, i32
  }
  func.func @transform_5(%arg0: i32) -> (i32, i32) {
    %c0_i32 = arith.constant 0 : i32
    %c0_i32_0 = arith.constant 0 : i32
    return %arg0, %c0_i32 : i32, i32
  }
  func.func @transform_6(%arg0: i32) -> (i32, i32) {
    %c0_i32 = arith.constant 0 : i32
    %c0_i32_0 = arith.constant 0 : i32
    return %arg0, %c0_i32 : i32, i32
  }
  func.func @transform_7(%arg0: i32) -> (i32, i32) {
    %c0_i32 = arith.constant 0 : i32
    %c0_i32_0 = arith.constant 0 : i32
    return %arg0, %c0_i32 : i32, i32
  }
  func.func @transform_8(%arg0: i32) -> (i32, i32) {
    %c0_i32 = arith.constant 0 : i32
    %c0_i32_0 = arith.constant 0 : i32
    return %arg0, %c0_i32 : i32, i32
  }
}

module attributes {stable_mosaic.version = 14 : i64} {
  func.func @_edge_body(%arg0: i32, %arg1: memref<2000x256xf32, #tpu.memory_space<vmem>>, %arg2: memref<2000x128xi32, #tpu.memory_space<vmem>>, %arg3: memref<2000x128xi32, #tpu.memory_space<vmem>>, %arg4: memref<256x256xf32, #tpu.memory_space<vmem>>, %arg5: memref<1x256xf32, #tpu.memory_space<vmem>>, %arg6: memref<256x256xf32, #tpu.memory_space<vmem>>, %arg7: memref<1x256xf32, #tpu.memory_space<vmem>>, %arg8: memref<1x256xf32, #tpu.memory_space<vmem>>, %arg9: memref<1x256xf32, #tpu.memory_space<vmem>>, %arg10: memref<2000x128xf32, #tpu.memory_space<vmem>>, %arg11: memref<2000x128xf32, #tpu.memory_space<vmem>>) attributes {dimension_semantics = [#tpu.dimension_semantics<arbitrary>], iteration_bounds = array<i64: 80>, scalar_prefetch = 0 : i64, scratch_operands = 0 : i64, tpu.core_type = #tpu.core_type<tc>, window_params = [{transform_indices = @transform_0, window_bounds = array<i64: 2000, 256>}, {transform_indices = @transform_1, window_bounds = array<i64: 2000, 128>}, {transform_indices = @transform_2, window_bounds = array<i64: 2000, 128>}, {pipeline_mode = #tpu.pipeline_mode<synchronous>, transform_indices = @transform_3, window_bounds = array<i64: 256, 256>}, {pipeline_mode = #tpu.pipeline_mode<synchronous>, transform_indices = @transform_4, window_bounds = array<i64: 1, 256>}, {pipeline_mode = #tpu.pipeline_mode<synchronous>, transform_indices = @transform_5, window_bounds = array<i64: 256, 256>}, {pipeline_mode = #tpu.pipeline_mode<synchronous>, transform_indices = @transform_6, window_bounds = array<i64: 1, 256>}, {pipeline_mode = #tpu.pipeline_mode<synchronous>, transform_indices = @transform_7, window_bounds = array<i64: 1, 256>}, {pipeline_mode = #tpu.pipeline_mode<synchronous>, transform_indices = @transform_8, window_bounds = array<i64: 1, 256>}, {transform_indices = @transform_9, window_bounds = array<i64: 2000, 128>}, {transform_indices = @transform_10, window_bounds = array<i64: 2000, 128>}]} {
    %get3A = arith.constant 0 : index
    %get3A_0 = arith.constant 0 : index
    %get3A_1 = vector.load %arg1[%get3A, %get3A_0] : memref<2000x256xf32, #tpu.memory_space<vmem>>, vector<2000x256xf32>
    %get3A_2 = arith.constant 0 : index
    %get3A_3 = arith.constant 0 : index
    %get3A_4 = vector.load %arg2[%get3A_2, %get3A_3] : memref<2000x128xi32, #tpu.memory_space<vmem>>, vector<2000x128xi32>
    %bitcast_convert_type3A = tpu.bitcast %get3A_4 : vector<2000x128xi32> -> vector<2000x128xi32>
    %shift_left3A = arith.constant 16 : i32
    %shift_left3A_5 = vector.broadcast %shift_left3A : i32 to vector<2000x128xi32>
    %shift_left3A_6 = arith.shli %bitcast_convert_type3A, %shift_left3A_5 : vector<2000x128xi32>
    %bitcast_convert_type3A_7 = tpu.bitcast %shift_left3A_6 : vector<2000x128xi32> -> vector<2000x128xf32>
    %and3A = arith.constant -65536 : i32
    %and3A_8 = vector.broadcast %and3A : i32 to vector<2000x128xi32>
    %and3A_9 = arith.andi %bitcast_convert_type3A, %and3A_8 : vector<2000x128xi32>
    %bitcast_convert_type3A_10 = tpu.bitcast %and3A_9 : vector<2000x128xi32> -> vector<2000x128xf32>
    %concatenate3A = tpu.concatenate %bitcast_convert_type3A_7, %bitcast_convert_type3A_10 in 1 : vector<2000x128xf32>, vector<2000x128xf32> -> vector<2000x256xf32>
    %get3A_11 = arith.constant 0 : index
    %get3A_12 = arith.constant 0 : index
    %get3A_13 = vector.load %arg3[%get3A_11, %get3A_12] : memref<2000x128xi32, #tpu.memory_space<vmem>>, vector<2000x128xi32>
    %bitcast_convert_type3A_14 = tpu.bitcast %get3A_13 : vector<2000x128xi32> -> vector<2000x128xi32>
    %shift_left3A_15 = arith.constant 16 : i32
    %shift_left3A_16 = vector.broadcast %shift_left3A_15 : i32 to vector<2000x128xi32>
    %shift_left3A_17 = arith.shli %bitcast_convert_type3A_14, %shift_left3A_16 : vector<2000x128xi32>
    %bitcast_convert_type3A_18 = tpu.bitcast %shift_left3A_17 : vector<2000x128xi32> -> vector<2000x128xf32>
    %and3A_19 = arith.constant -65536 : i32
    %and3A_20 = vector.broadcast %and3A_19 : i32 to vector<2000x128xi32>
    %and3A_21 = arith.andi %bitcast_convert_type3A_14, %and3A_20 : vector<2000x128xi32>
    %bitcast_convert_type3A_22 = tpu.bitcast %and3A_21 : vector<2000x128xi32> -> vector<2000x128xf32>
    %concatenate3A_23 = tpu.concatenate %bitcast_convert_type3A_18, %bitcast_convert_type3A_22 in 1 : vector<2000x128xf32>, vector<2000x128xf32> -> vector<2000x256xf32>
    %add3A = arith.addf %concatenate3A, %concatenate3A_23 : vector<2000x256xf32>
    %convert_element_type3A = arith.truncf %get3A_1 : vector<2000x256xf32> to vector<2000x256xbf16>
    %get3A_24 = arith.constant 0 : index
    %get3A_25 = arith.constant 0 : index
    %get3A_26 = vector.load %arg4[%get3A_24, %get3A_25] : memref<256x256xf32, #tpu.memory_space<vmem>>, vector<256x256xf32>
    %convert_element_type3A_27 = arith.truncf %get3A_26 : vector<256x256xf32> to vector<256x256xbf16>
    %dot_general3A = arith.constant dense<0.000000e+00> : vector<2000x256xf32>
    %dot_general3A_28 = tpu.matmul %convert_element_type3A, %convert_element_type3A_27, %dot_general3A {dimension_numbers = #tpu.dot_dimension_numbers<[1], [0], [0], [1], [0, 0, 1, 1], [], []>, transpose_lhs_hint = false} : vector<2000x256xbf16>, vector<256x256xbf16>, vector<2000x256xf32> -> vector<2000x256xf32>
    %add3A_29 = arith.addf %dot_general3A_28, %add3A : vector<2000x256xf32>
    %get3A_30 = arith.constant 0 : index
    %get3A_31 = arith.constant 0 : index
    %get3A_32 = vector.load %arg5[%get3A_30, %get3A_31] : memref<1x256xf32, #tpu.memory_space<vmem>>, vector<1x256xf32>
    %add3A_33 = vector.broadcast %get3A_32 : vector<1x256xf32> to vector<2000x256xf32>
    %add3A_34 = arith.addf %add3A_29, %add3A_33 : vector<2000x256xf32>
    %logistic3A = arith.negf %add3A_34 : vector<2000x256xf32>
    %logistic3A_35 = math.exp %logistic3A : vector<2000x256xf32>
    %logistic3A_36 = arith.constant 1.000000e+00 : f32
    %logistic3A_37 = vector.broadcast %logistic3A_36 : f32 to vector<2000x256xf32>
    %logistic3A_38 = arith.addf %logistic3A_37, %logistic3A_35 : vector<2000x256xf32>
    %logistic3A_39 = arith.divf %logistic3A_37, %logistic3A_38 : vector<2000x256xf32>
    %mul3A = arith.mulf %add3A_34, %logistic3A_39 : vector<2000x256xf32>
    %convert_element_type3A_40 = arith.truncf %mul3A : vector<2000x256xf32> to vector<2000x256xbf16>
    %get3A_41 = arith.constant 0 : index
    %get3A_42 = arith.constant 0 : index
    %get3A_43 = vector.load %arg6[%get3A_41, %get3A_42] : memref<256x256xf32, #tpu.memory_space<vmem>>, vector<256x256xf32>
    %convert_element_type3A_44 = arith.truncf %get3A_43 : vector<256x256xf32> to vector<256x256xbf16>
    %dot_general3A_45 = arith.constant dense<0.000000e+00> : vector<2000x256xf32>
    %dot_general3A_46 = tpu.matmul %convert_element_type3A_40, %convert_element_type3A_44, %dot_general3A_45 {dimension_numbers = #tpu.dot_dimension_numbers<[1], [0], [0], [1], [0, 0, 1, 1], [], []>, transpose_lhs_hint = false} : vector<2000x256xbf16>, vector<256x256xbf16>, vector<2000x256xf32> -> vector<2000x256xf32>
    %get3A_47 = arith.constant 0 : index
    %get3A_48 = arith.constant 0 : index
    %get3A_49 = vector.load %arg7[%get3A_47, %get3A_48] : memref<1x256xf32, #tpu.memory_space<vmem>>, vector<1x256xf32>
    %add3A_50 = vector.broadcast %get3A_49 : vector<1x256xf32> to vector<2000x256xf32>
    %add3A_51 = arith.addf %dot_general3A_46, %add3A_50 : vector<2000x256xf32>
    %reduce_sum3A = arith.constant dense<0.000000e+00> : vector<2000xf32>
    %reduce_sum3A_52 = vector.multi_reduction <add>, %add3A_51, %reduce_sum3A [1] : vector<2000x256xf32> to vector<2000xf32>
    %broadcast_in_dim3A = vector.shape_cast %reduce_sum3A_52 : vector<2000xf32> to vector<2000x1xf32>
    %div3A = arith.constant 2.560000e+02 : f32
    %div3A_53 = vector.broadcast %div3A : f32 to vector<2000x1xf32>
    %div3A_54 = arith.divf %broadcast_in_dim3A, %div3A_53 : vector<2000x1xf32>
    %sub3A = vector.broadcast %div3A_54 : vector<2000x1xf32> to vector<2000x256xf32>
    %sub3A_55 = arith.subf %add3A_51, %sub3A : vector<2000x256xf32>
    %sub3A_56 = vector.broadcast %div3A_54 : vector<2000x1xf32> to vector<2000x256xf32>
    %sub3A_57 = arith.subf %add3A_51, %sub3A_56 : vector<2000x256xf32>
    %mul3A_58 = arith.mulf %sub3A_55, %sub3A_57 : vector<2000x256xf32>
    %reduce_sum3A_59 = arith.constant dense<0.000000e+00> : vector<2000xf32>
    %reduce_sum3A_60 = vector.multi_reduction <add>, %mul3A_58, %reduce_sum3A_59 [1] : vector<2000x256xf32> to vector<2000xf32>
    %broadcast_in_dim3A_61 = vector.shape_cast %reduce_sum3A_60 : vector<2000xf32> to vector<2000x1xf32>
    %div3A_62 = arith.constant 2.560000e+02 : f32
    %div3A_63 = vector.broadcast %div3A_62 : f32 to vector<2000x1xf32>
    %div3A_64 = arith.divf %broadcast_in_dim3A_61, %div3A_63 : vector<2000x1xf32>
    %sub3A_65 = vector.broadcast %div3A_54 : vector<2000x1xf32> to vector<2000x256xf32>
    %sub3A_66 = arith.subf %add3A_51, %sub3A_65 : vector<2000x256xf32>
    %add3A_67 = arith.constant 9.99999974E-6 : f32
    %add3A_68 = vector.broadcast %add3A_67 : f32 to vector<2000x1xf32>
    %add3A_69 = arith.addf %div3A_64, %add3A_68 : vector<2000x1xf32>
    %rsqrt3A = math.rsqrt %add3A_69 : vector<2000x1xf32>
    %mul3A_70 = vector.broadcast %rsqrt3A : vector<2000x1xf32> to vector<2000x256xf32>
    %mul3A_71 = arith.mulf %sub3A_66, %mul3A_70 : vector<2000x256xf32>
    %get3A_72 = arith.constant 0 : index
    %get3A_73 = arith.constant 0 : index
    %get3A_74 = vector.load %arg8[%get3A_72, %get3A_73] : memref<1x256xf32, #tpu.memory_space<vmem>>, vector<1x256xf32>
    %mul3A_75 = vector.broadcast %get3A_74 : vector<1x256xf32> to vector<2000x256xf32>
    %mul3A_76 = arith.mulf %mul3A_71, %mul3A_75 : vector<2000x256xf32>
    %get3A_77 = arith.constant 0 : index
    %get3A_78 = arith.constant 0 : index
    %get3A_79 = vector.load %arg9[%get3A_77, %get3A_78] : memref<1x256xf32, #tpu.memory_space<vmem>>, vector<1x256xf32>
    %add3A_80 = vector.broadcast %get3A_79 : vector<1x256xf32> to vector<2000x256xf32>
    %add3A_81 = arith.addf %mul3A_76, %add3A_80 : vector<2000x256xf32>
    %add3A_82 = arith.addf %add3A_81, %get3A_1 : vector<2000x256xf32>
    %slice3A = vector.extract_strided_slice %add3A_82 {offsets = [0, 0], sizes = [2000, 128], strides = [1, 1]} : vector<2000x256xf32> to vector<2000x128xf32>
    %swap3A = arith.constant 0 : index
    %swap3A_83 = arith.constant 0 : index
    %swap3A_84 = vector.load %arg10[%swap3A, %swap3A_83] : memref<2000x128xf32, #tpu.memory_space<vmem>>, vector<2000x128xf32>
    tpu.vector_store %arg10[%swap3A, %swap3A_83], %slice3A {strides = array<i32>} : memref<2000x128xf32, #tpu.memory_space<vmem>>, vector<2000x128xf32>,
    %slice3A_85 = vector.extract_strided_slice %add3A_82 {offsets = [0, 128], sizes = [2000, 128], strides = [1, 1]} : vector<2000x256xf32> to vector<2000x128xf32>
    %swap3A_86 = arith.constant 0 : index
    %swap3A_87 = arith.constant 0 : index
    %swap3A_88 = vector.load %arg11[%swap3A_86, %swap3A_87] : memref<2000x128xf32, #tpu.memory_space<vmem>>, vector<2000x128xf32>
    tpu.vector_store %arg11[%swap3A_86, %swap3A_87], %slice3A_85 {strides = array<i32>} : memref<2000x128xf32, #tpu.memory_space<vmem>>, vector<2000x128xf32>,
    return
  }
  func.func @transform_0(%arg0: i32) -> (i32, i32) {
    %c0_i32 = arith.constant 0 : i32
    %c0_i32_0 = arith.constant 0 : i32
    return %arg0, %c0_i32 : i32, i32
  }
  func.func @transform_1(%arg0: i32) -> (i32, i32) {
    %c0_i32 = arith.constant 0 : i32
    %c0_i32_0 = arith.constant 0 : i32
    return %arg0, %c0_i32 : i32, i32
  }
  func.func @transform_2(%arg0: i32) -> (i32, i32) {
    %c0_i32 = arith.constant 0 : i32
    %c0_i32_0 = arith.constant 0 : i32
    return %arg0, %c0_i32 : i32, i32
  }
  func.func @transform_3(%arg0: i32) -> (i32, i32) {
    %c0_i32 = arith.constant 0 : i32
    %c0_i32_0 = arith.constant 0 : i32
    %c0_i32_1 = arith.constant 0 : i32
    return %c0_i32, %c0_i32_0 : i32, i32
  }
  func.func @transform_4(%arg0: i32) -> (i32, i32) {
    %c0_i32 = arith.constant 0 : i32
    %c0_i32_0 = arith.constant 0 : i32
    %c0_i32_1 = arith.constant 0 : i32
    return %c0_i32, %c0_i32_0 : i32, i32
  }
  func.func @transform_5(%arg0: i32) -> (i32, i32) {
    %c0_i32 = arith.constant 0 : i32
    %c0_i32_0 = arith.constant 0 : i32
    %c0_i32_1 = arith.constant 0 : i32
    return %c0_i32, %c0_i32_0 : i32, i32
  }
  func.func @transform_6(%arg0: i32) -> (i32, i32) {
    %c0_i32 = arith.constant 0 : i32
    %c0_i32_0 = arith.constant 0 : i32
    %c0_i32_1 = arith.constant 0 : i32
    return %c0_i32, %c0_i32_0 : i32, i32
  }
  func.func @transform_7(%arg0: i32) -> (i32, i32) {
    %c0_i32 = arith.constant 0 : i32
    %c0_i32_0 = arith.constant 0 : i32
    %c0_i32_1 = arith.constant 0 : i32
    return %c0_i32, %c0_i32_0 : i32, i32
  }
  func.func @transform_8(%arg0: i32) -> (i32, i32) {
    %c0_i32 = arith.constant 0 : i32
    %c0_i32_0 = arith.constant 0 : i32
    %c0_i32_1 = arith.constant 0 : i32
    return %c0_i32, %c0_i32_0 : i32, i32
  }
  func.func @transform_9(%arg0: i32) -> (i32, i32) {
    %c0_i32 = arith.constant 0 : i32
    %c0_i32_0 = arith.constant 0 : i32
    return %arg0, %c0_i32 : i32, i32
  }
  func.func @transform_10(%arg0: i32) -> (i32, i32) {
    %c0_i32 = arith.constant 0 : i32
    %c0_i32_0 = arith.constant 0 : i32
    return %arg0, %c0_i32 : i32, i32
  }
}

module attributes {stable_mosaic.version = 14 : i64} {
  func.func @_node_body(%arg0: i32, %arg1: memref<2000x128xf32, #tpu.memory_space<vmem>>, %arg2: memref<2000x128xf32, #tpu.memory_space<vmem>>, %arg3: memref<2000x128xf32, #tpu.memory_space<vmem>>, %arg4: memref<2000x128xf32, #tpu.memory_space<vmem>>, %arg5: memref<2000x256xf32, #tpu.memory_space<vmem>>, %arg6: memref<128x256xf32, #tpu.memory_space<vmem>>, %arg7: memref<128x256xf32, #tpu.memory_space<vmem>>, %arg8: memref<1x256xf32, #tpu.memory_space<vmem>>, %arg9: memref<256x256xf32, #tpu.memory_space<vmem>>, %arg10: memref<1x256xf32, #tpu.memory_space<vmem>>, %arg11: memref<1x256xf32, #tpu.memory_space<vmem>>, %arg12: memref<1x256xf32, #tpu.memory_space<vmem>>, %arg13: memref<2000x256xf32, #tpu.memory_space<vmem>>) attributes {dimension_semantics = [#tpu.dimension_semantics<arbitrary>], iteration_bounds = array<i64: 5>, scalar_prefetch = 0 : i64, scratch_operands = 0 : i64, tpu.core_type = #tpu.core_type<tc>, window_params = [{transform_indices = @transform_0, window_bounds = array<i64: 2000, 128>}, {transform_indices = @transform_1, window_bounds = array<i64: 2000, 128>}, {transform_indices = @transform_2, window_bounds = array<i64: 2000, 128>}, {transform_indices = @transform_3, window_bounds = array<i64: 2000, 128>}, {transform_indices = @transform_4, window_bounds = array<i64: 2000, 256>}, {pipeline_mode = #tpu.pipeline_mode<synchronous>, transform_indices = @transform_5, window_bounds = array<i64: 128, 256>}, {pipeline_mode = #tpu.pipeline_mode<synchronous>, transform_indices = @transform_6, window_bounds = array<i64: 128, 256>}, {pipeline_mode = #tpu.pipeline_mode<synchronous>, transform_indices = @transform_7, window_bounds = array<i64: 1, 256>}, {pipeline_mode = #tpu.pipeline_mode<synchronous>, transform_indices = @transform_8, window_bounds = array<i64: 256, 256>}, {pipeline_mode = #tpu.pipeline_mode<synchronous>, transform_indices = @transform_9, window_bounds = array<i64: 1, 256>}, {pipeline_mode = #tpu.pipeline_mode<synchronous>, transform_indices = @transform_10, window_bounds = array<i64: 1, 256>}, {pipeline_mode = #tpu.pipeline_mode<synchronous>, transform_indices = @transform_11, window_bounds = array<i64: 1, 256>}, {transform_indices = @transform_12, window_bounds = array<i64: 2000, 256>}]} {
    %get3A = arith.constant 0 : index
    %get3A_0 = arith.constant 0 : index
    %get3A_1 = vector.load %arg3[%get3A, %get3A_0] : memref<2000x128xf32, #tpu.memory_space<vmem>>, vector<2000x128xf32>
    %get3A_2 = arith.constant 0 : index
    %get3A_3 = arith.constant 0 : index
    %get3A_4 = vector.load %arg4[%get3A_2, %get3A_3] : memref<2000x128xf32, #tpu.memory_space<vmem>>, vector<2000x128xf32>
    %concatenate3A = tpu.concatenate %get3A_1, %get3A_4 in 1 : vector<2000x128xf32>, vector<2000x128xf32> -> vector<2000x256xf32>
    %get3A_5 = arith.constant 0 : index
    %get3A_6 = arith.constant 0 : index
    %get3A_7 = vector.load %arg1[%get3A_5, %get3A_6] : memref<2000x128xf32, #tpu.memory_space<vmem>>, vector<2000x128xf32>
    %get3A_8 = arith.constant 0 : index
    %get3A_9 = arith.constant 0 : index
    %get3A_10 = vector.load %arg6[%get3A_8, %get3A_9] : memref<128x256xf32, #tpu.memory_space<vmem>>, vector<128x256xf32>
    %dot_general3A = arith.constant dense<0.000000e+00> : vector<2000x256xf32>
    %dot_general3A_11 = tpu.matmul %get3A_7, %get3A_10, %dot_general3A {dimension_numbers = #tpu.dot_dimension_numbers<[1], [0], [0], [1], [0, 0, 1, 1], [], []>, transpose_lhs_hint = false} : vector<2000x128xf32>, vector<128x256xf32>, vector<2000x256xf32> -> vector<2000x256xf32>
    %add3A = arith.addf %concatenate3A, %dot_general3A_11 : vector<2000x256xf32>
    %get3A_12 = arith.constant 0 : index
    %get3A_13 = arith.constant 0 : index
    %get3A_14 = vector.load %arg2[%get3A_12, %get3A_13] : memref<2000x128xf32, #tpu.memory_space<vmem>>, vector<2000x128xf32>
    %get3A_15 = arith.constant 0 : index
    %get3A_16 = arith.constant 0 : index
    %get3A_17 = vector.load %arg7[%get3A_15, %get3A_16] : memref<128x256xf32, #tpu.memory_space<vmem>>, vector<128x256xf32>
    %dot_general3A_18 = arith.constant dense<0.000000e+00> : vector<2000x256xf32>
    %dot_general3A_19 = tpu.matmul %get3A_14, %get3A_17, %dot_general3A_18 {dimension_numbers = #tpu.dot_dimension_numbers<[1], [0], [0], [1], [0, 0, 1, 1], [], []>, transpose_lhs_hint = false} : vector<2000x128xf32>, vector<128x256xf32>, vector<2000x256xf32> -> vector<2000x256xf32>
    %add3A_20 = arith.addf %add3A, %dot_general3A_19 : vector<2000x256xf32>
    %get3A_21 = arith.constant 0 : index
    %get3A_22 = arith.constant 0 : index
    %get3A_23 = vector.load %arg8[%get3A_21, %get3A_22] : memref<1x256xf32, #tpu.memory_space<vmem>>, vector<1x256xf32>
    %add3A_24 = vector.broadcast %get3A_23 : vector<1x256xf32> to vector<2000x256xf32>
    %add3A_25 = arith.addf %add3A_20, %add3A_24 : vector<2000x256xf32>
    %logistic3A = arith.negf %add3A_25 : vector<2000x256xf32>
    %logistic3A_26 = math.exp %logistic3A : vector<2000x256xf32>
    %logistic3A_27 = arith.constant 1.000000e+00 : f32
    %logistic3A_28 = vector.broadcast %logistic3A_27 : f32 to vector<2000x256xf32>
    %logistic3A_29 = arith.addf %logistic3A_28, %logistic3A_26 : vector<2000x256xf32>
    %logistic3A_30 = arith.divf %logistic3A_28, %logistic3A_29 : vector<2000x256xf32>
    %mul3A = arith.mulf %add3A_25, %logistic3A_30 : vector<2000x256xf32>
    %get3A_31 = arith.constant 0 : index
    %get3A_32 = arith.constant 0 : index
    %get3A_33 = vector.load %arg9[%get3A_31, %get3A_32] : memref<256x256xf32, #tpu.memory_space<vmem>>, vector<256x256xf32>
    %dot_general3A_34 = arith.constant dense<0.000000e+00> : vector<2000x256xf32>
    %dot_general3A_35 = tpu.matmul %mul3A, %get3A_33, %dot_general3A_34 {dimension_numbers = #tpu.dot_dimension_numbers<[1], [0], [0], [1], [0, 0, 1, 1], [], []>, transpose_lhs_hint = false} : vector<2000x256xf32>, vector<256x256xf32>, vector<2000x256xf32> -> vector<2000x256xf32>
    %get3A_36 = arith.constant 0 : index
    %get3A_37 = arith.constant 0 : index
    %get3A_38 = vector.load %arg10[%get3A_36, %get3A_37] : memref<1x256xf32, #tpu.memory_space<vmem>>, vector<1x256xf32>
    %add3A_39 = vector.broadcast %get3A_38 : vector<1x256xf32> to vector<2000x256xf32>
    %add3A_40 = arith.addf %dot_general3A_35, %add3A_39 : vector<2000x256xf32>
    %reduce_sum3A = arith.constant dense<0.000000e+00> : vector<2000xf32>
    %reduce_sum3A_41 = vector.multi_reduction <add>, %add3A_40, %reduce_sum3A [1] : vector<2000x256xf32> to vector<2000xf32>
    %broadcast_in_dim3A = vector.shape_cast %reduce_sum3A_41 : vector<2000xf32> to vector<2000x1xf32>
    %div3A = arith.constant 2.560000e+02 : f32
    %div3A_42 = vector.broadcast %div3A : f32 to vector<2000x1xf32>
    %div3A_43 = arith.divf %broadcast_in_dim3A, %div3A_42 : vector<2000x1xf32>
    %sub3A = vector.broadcast %div3A_43 : vector<2000x1xf32> to vector<2000x256xf32>
    %sub3A_44 = arith.subf %add3A_40, %sub3A : vector<2000x256xf32>
    %sub3A_45 = vector.broadcast %div3A_43 : vector<2000x1xf32> to vector<2000x256xf32>
    %sub3A_46 = arith.subf %add3A_40, %sub3A_45 : vector<2000x256xf32>
    %mul3A_47 = arith.mulf %sub3A_44, %sub3A_46 : vector<2000x256xf32>
    %reduce_sum3A_48 = arith.constant dense<0.000000e+00> : vector<2000xf32>
    %reduce_sum3A_49 = vector.multi_reduction <add>, %mul3A_47, %reduce_sum3A_48 [1] : vector<2000x256xf32> to vector<2000xf32>
    %broadcast_in_dim3A_50 = vector.shape_cast %reduce_sum3A_49 : vector<2000xf32> to vector<2000x1xf32>
    %div3A_51 = arith.constant 2.560000e+02 : f32
    %div3A_52 = vector.broadcast %div3A_51 : f32 to vector<2000x1xf32>
    %div3A_53 = arith.divf %broadcast_in_dim3A_50, %div3A_52 : vector<2000x1xf32>
    %sub3A_54 = vector.broadcast %div3A_43 : vector<2000x1xf32> to vector<2000x256xf32>
    %sub3A_55 = arith.subf %add3A_40, %sub3A_54 : vector<2000x256xf32>
    %add3A_56 = arith.constant 9.99999974E-6 : f32
    %add3A_57 = vector.broadcast %add3A_56 : f32 to vector<2000x1xf32>
    %add3A_58 = arith.addf %div3A_53, %add3A_57 : vector<2000x1xf32>
    %rsqrt3A = math.rsqrt %add3A_58 : vector<2000x1xf32>
    %mul3A_59 = vector.broadcast %rsqrt3A : vector<2000x1xf32> to vector<2000x256xf32>
    %mul3A_60 = arith.mulf %sub3A_55, %mul3A_59 : vector<2000x256xf32>
    %get3A_61 = arith.constant 0 : index
    %get3A_62 = arith.constant 0 : index
    %get3A_63 = vector.load %arg11[%get3A_61, %get3A_62] : memref<1x256xf32, #tpu.memory_space<vmem>>, vector<1x256xf32>
    %mul3A_64 = vector.broadcast %get3A_63 : vector<1x256xf32> to vector<2000x256xf32>
    %mul3A_65 = arith.mulf %mul3A_60, %mul3A_64 : vector<2000x256xf32>
    %get3A_66 = arith.constant 0 : index
    %get3A_67 = arith.constant 0 : index
    %get3A_68 = vector.load %arg12[%get3A_66, %get3A_67] : memref<1x256xf32, #tpu.memory_space<vmem>>, vector<1x256xf32>
    %add3A_69 = vector.broadcast %get3A_68 : vector<1x256xf32> to vector<2000x256xf32>
    %add3A_70 = arith.addf %mul3A_65, %add3A_69 : vector<2000x256xf32>
    %get3A_71 = arith.constant 0 : index
    %get3A_72 = arith.constant 0 : index
    %get3A_73 = vector.load %arg5[%get3A_71, %get3A_72] : memref<2000x256xf32, #tpu.memory_space<vmem>>, vector<2000x256xf32>
    %add3A_74 = arith.addf %add3A_70, %get3A_73 : vector<2000x256xf32>
    %swap3A = arith.constant 0 : index
    %swap3A_75 = arith.constant 0 : index
    %swap3A_76 = vector.load %arg13[%swap3A, %swap3A_75] : memref<2000x256xf32, #tpu.memory_space<vmem>>, vector<2000x256xf32>
    tpu.vector_store %arg13[%swap3A, %swap3A_75], %add3A_74 {strides = array<i32>} : memref<2000x256xf32, #tpu.memory_space<vmem>>, vector<2000x256xf32>,
    return
  }
  func.func @transform_0(%arg0: i32) -> (i32, i32) {
    %c0_i32 = arith.constant 0 : i32
    %c0_i32_0 = arith.constant 0 : i32
    return %arg0, %c0_i32 : i32, i32
  }
  func.func @transform_1(%arg0: i32) -> (i32, i32) {
    %c0_i32 = arith.constant 0 : i32
    %c0_i32_0 = arith.constant 0 : i32
    return %arg0, %c0_i32 : i32, i32
  }
  func.func @transform_2(%arg0: i32) -> (i32, i32) {
    %c0_i32 = arith.constant 0 : i32
    %c0_i32_0 = arith.constant 0 : i32
    return %arg0, %c0_i32 : i32, i32
  }
  func.func @transform_3(%arg0: i32) -> (i32, i32) {
    %c0_i32 = arith.constant 0 : i32
    %c0_i32_0 = arith.constant 0 : i32
    return %arg0, %c0_i32 : i32, i32
  }
  func.func @transform_4(%arg0: i32) -> (i32, i32) {
    %c0_i32 = arith.constant 0 : i32
    %c0_i32_0 = arith.constant 0 : i32
    return %arg0, %c0_i32 : i32, i32
  }
  func.func @transform_5(%arg0: i32) -> (i32, i32) {
    %c0_i32 = arith.constant 0 : i32
    %c0_i32_0 = arith.constant 0 : i32
    %c0_i32_1 = arith.constant 0 : i32
    return %c0_i32, %c0_i32_0 : i32, i32
  }
  func.func @transform_6(%arg0: i32) -> (i32, i32) {
    %c0_i32 = arith.constant 0 : i32
    %c0_i32_0 = arith.constant 0 : i32
    %c0_i32_1 = arith.constant 0 : i32
    return %c0_i32, %c0_i32_0 : i32, i32
  }
  func.func @transform_7(%arg0: i32) -> (i32, i32) {
    %c0_i32 = arith.constant 0 : i32
    %c0_i32_0 = arith.constant 0 : i32
    %c0_i32_1 = arith.constant 0 : i32
    return %c0_i32, %c0_i32_0 : i32, i32
  }
  func.func @transform_8(%arg0: i32) -> (i32, i32) {
    %c0_i32 = arith.constant 0 : i32
    %c0_i32_0 = arith.constant 0 : i32
    %c0_i32_1 = arith.constant 0 : i32
    return %c0_i32, %c0_i32_0 : i32, i32
  }
  func.func @transform_9(%arg0: i32) -> (i32, i32) {
    %c0_i32 = arith.constant 0 : i32
    %c0_i32_0 = arith.constant 0 : i32
    %c0_i32_1 = arith.constant 0 : i32
    return %c0_i32, %c0_i32_0 : i32, i32
  }
  func.func @transform_10(%arg0: i32) -> (i32, i32) {
    %c0_i32 = arith.constant 0 : i32
    %c0_i32_0 = arith.constant 0 : i32
    %c0_i32_1 = arith.constant 0 : i32
    return %c0_i32, %c0_i32_0 : i32, i32
  }
  func.func @transform_11(%arg0: i32) -> (i32, i32) {
    %c0_i32 = arith.constant 0 : i32
    %c0_i32_0 = arith.constant 0 : i32
    %c0_i32_1 = arith.constant 0 : i32
    return %c0_i32, %c0_i32_0 : i32, i32
  }
  func.func @transform_12(%arg0: i32) -> (i32, i32) {
    %c0_i32 = arith.constant 0 : i32
    %c0_i32_0 = arith.constant 0 : i32
    return %arg0, %c0_i32 : i32, i32
  }
}

</mosaic_0001>

<sc_bundles>
// kernel: kernel.11.cloned.1.call-start
scs
__scs_entry_jumppad:
0x0: {  	(pc) =	sbr.rel $0x88, $3  }
0x1: {  	(tag) =	ssettag $0x0;
	lr =	simm.s32 $0x1  }
0x2: {  	[smem:$0x3F90] =	sst lr;
	_ =	strace $0xD0000000  }
0x3: {  	_ = 	snop  }
0x4: {  	_ = 	snop  }
0x5: {  	_ = 	snop  }
0x6: {  	_ = 	snop  }
0x7: {  	_ = 	snop  }
__scs_overlays_trampoline_lowered:
0x8: {  	[smem:$0x3F9F] =	sst s0  }
0x9: {  	[smem:$0x3FA0] =	sst s1  }
0xa: {  	[smem:$0x3FA1] =	sst s2  }
0xb: {  	[smem:$0x3FA2] =	sst s3  }
0xc: {  	[smem:$0x3FA3] =	sst s4  }
0xd: {  	[smem:$0x3FA4] =	sst s5  }
0xe: {  	[smem:$0x3FA5] =	sst s6  }
0xf: {  	[smem:$0x3FA6] =	sst s7  }
0x10: {  	[smem:$0x3FA7] =	sst s8  }
0x11: {  	[smem:$0x3FA8] =	sst s9;
	s0 =	simm.s32 @!p0 $0x0  }
0x12: {  	s1 =	sld [smem:$0x3F8E];
	s0 =	simm.s32 @p0 $0x1  }
0x13: {  	[smem:$0x3FA9] =	sst s0;
	s0 =	simm.s32 @!p1 $0x0  }
0x14: {  	s2 =	sld [smem:$0x3F8D];
	s0 =	simm.s32 @p1 $0x1  }
0x15: {  	[smem:$0x3FAA] =	sst s0;
	s0 =	simm.s32 @!p2 $0x0  }
0x16: {  	s3 =	sld [smem:$0x3FDB];
	s0 =	simm.s32 @p2 $0x1  }
0x17: {  	s4 =	simm.s32 $0x1BF5;
	[smem:$0x3FAC] =	sst s0  }
0x18: {  	s0 =	sld [smem:$0x3F8F];
	_ =	swait.ge [sflag:s4], $0x0  }
0x19: {  	s7 =	sld [smem:$0x3F90]  }
0x1a: {  	s8 =	sadd.s32 $0xFFFFE003, lr  }
0x1b: {  	s9 =	sadd.s32 $0xFFFFFEF7, lr;
	s5 =	simm.s32 $0xFFFFFFFF;
	p2 =	slt.u32 s8, $0xFFFFF086  }
0x1c: {  	p1 =	slt.u32 s9, $0xF7A;
	s5 =	simm.s32 @!p2 $0x0  }
0x1d: {  	s5 =	simm.s32 @p1 $0x1;
	p0 =	seq.s32 s7, s2  }
0x1e: {  	s7 =	smul.u32 @!p0 $0xF7A, s2;
	p2 =	seq.s32 @!p0 s5, $0x0  }
0x1f: {  	s9 =	smul.u32 $0xF7A, s1;
	s8 =	simm.s32 @!p0 $0x1BF5;
	p2 =	por !p2, p0  }
0x20: {  	[sflag:s8] =	ssyncset.s32 @!p0 $0xFFFFF086;
	s6 =	sadd.s32 @!p0 s3, s7;
	s7 =	simm.s32 @!p0 $0x108  }
0x21: {  	s3 =	sadd.s32 s3, s9;
	s6 =	sadd.s32 @!p0 $0x88, s6;
	s7 =	simm.s32 @p2 $0x1082  }
0x22: {  	[simem:s7], [sflag:s8] =	dma.local @!p0 [hbm:s6], $0xF7A  }
0x23: {  	s9 =	sor.u32 $0xD0000000, s2;
	s6 =	simm.s32 $0x108;
	_ =	swait.ge @!p0 [sflag:s8], $0x0  }
0x24: {  	s3 =	sadd.s32 $0x88, s3;
	s6 =	simm.s32 @!p1 $0x1082;
	[sflag:s4] =	ssyncset.s32 $0xFFFFF086  }
0x25: {  	[simem:s6], [sflag:s4] =	dma.local [hbm:s3], $0xF7A  }
0x26: {  	[smem:$0x3F90] =	sst s1;
	(tag) =	ssettag s2;
	_ =	strace s9  }
0x27: {  	s1 =	sld [smem:$0x3FA0]  }
0x28: {  	s2 =	sld [smem:$0x3FA1]  }
0x29: {  	s4 =	sld [smem:$0x3FA3]  }
0x2a: {  	p0 =	seq.s32 s5, $0x0;
	s5 =	sld [smem:$0x3FA4]  }
0x2b: {  	s6 =	sld [smem:$0x3FA5]  }
0x2c: {  	s7 =	sld [smem:$0x3FA6]  }
0x2d: {  	s3 =	simm.s32 $0x108;
	s8 =	sld [smem:$0x3FA7]  }
0x2e: {  	s3 =	simm.s32 @!p0 $0x1082;
	s9 =	sld [smem:$0x3FA8]  }
0x2f: {  	lr =	sadd.s32 s0, s3;
	s0 =	sld [smem:$0x3F9F]  }
0x30: {  	s3 =	sld [smem:$0x3FA2]  }
0x31: {  	[smem:$0x3FAB] =	sst s10  }
0x32: {  	s10 =	sld [smem:$0x3FA9];
	_ =	sdelay $0x3  }
0x33: {  	p0 =	seq.s32 s10, $0x1;
	s10 =	sld [smem:$0x3FAB];
	_ =	sdelay $0x3  }
0x34: {  	[smem:$0x3FAB] =	sst s10  }
0x35: {  	s10 =	sld [smem:$0x3FAA];
	_ =	sdelay $0x3  }
0x36: {  	p1 =	seq.s32 s10, $0x1;
	s10 =	sld [smem:$0x3FAB];
	_ =	sdelay $0x3  }
0x37: {  	[smem:$0x3FAB] =	sst s10  }
0x38: {  	s10 =	sld [smem:$0x3FAC]  }
0x39: {  	_ = 	snop;
	(pc) =	sbr.ind lr, $3  }
0x3a: {  	_ = 	snop  }
0x3b: {  	_ = 	snop  }
0x3c: {  	p2 =	seq.s32 s10, $0x1;
	s10 =	sld [smem:$0x3FAB]  }
0x3d: {  	_ =	shalt  }
0x3e: {  	_ =	shalt  }
0x3f: {  	_ =	shalt  }
0x40: {  	_ =	shalt  }
0x41: {  	_ =	shalt  }
0x42: {  	_ =	shalt  }
0x43: {  	_ =	shalt  }
0x44: {  	_ =	shalt  }
0x45: {  	_ =	shalt  }
0x46: {  	_ =	shalt  }
0x47: {  	_ =	shalt  }
0x48: {  	_ =	shalt  }
0x49: {  	_ =	shalt  }
0x4a: {  	_ =	shalt  }
0x4b: {  	_ =	shalt  }
0x4c: {  	_ =	shalt  }
0x4d: {  	_ =	shalt  }
0x4e: {  	_ =	shalt  }
0x4f: {  	_ =	shalt  }
0x50: {  	_ =	shalt  }
0x51: {  	_ =	shalt  }
0x52: {  	_ =	shalt  }
0x53: {  	_ =	shalt  }
0x54: {  	_ =	shalt  }
0x55: {  	_ =	shalt  }
0x56: {  	_ =	shalt  }
0x57: {  	_ =	shalt  }
0x58: {  	_ =	shalt  }
0x59: {  	_ =	shalt  }
0x5a: {  	_ =	shalt  }
0x5b: {  	_ =	shalt  }
0x5c: {  	_ =	shalt  }
0x5d: {  	_ =	shalt  }
0x5e: {  	_ =	shalt  }
0x5f: {  	_ =	shalt  }
0x60: {  	_ =	shalt  }
0x61: {  	_ =	shalt  }
0x62: {  	_ =	shalt  }
0x63: {  	_ =	shalt  }
0x64: {  	_ =	shalt  }
0x65: {  	_ =	shalt  }
0x66: {  	_ =	shalt  }
0x67: {  	_ =	shalt  }
0x68: {  	_ =	shalt  }
0x69: {  	_ =	shalt  }
0x6a: {  	_ =	shalt  }
0x6b: {  	_ =	shalt  }
0x6c: {  	_ =	shalt  }
0x6d: {  	_ =	shalt  }
0x6e: {  	_ =	shalt  }
0x6f: {  	_ =	shalt  }
0x70: {  	_ =	shalt  }
0x71: {  	_ =	shalt  }
0x72: {  	_ =	shalt  }
0x73: {  	_ =	shalt  }
0x74: {  	_ =	shalt  }
0x75: {  	_ =	shalt  }
0x76: {  	_ =	shalt  }
0x77: {  	_ =	shalt  }
0x78: {  	_ =	shalt  }
0x79: {  	_ =	shalt  }
0x7a: {  	_ =	shalt  }
0x7b: {  	_ =	shalt  }
0x7c: {  	_ =	shalt  }
0x7d: {  	_ =	shalt  }
0x7e: {  	_ =	shalt  }
0x7f: {  	_ =	shalt  }
0x80: {  	_ =	shalt  }
0x81: {  	_ =	shalt  }
0x82: {  	_ =	shalt  }
0x83: {  	_ =	shalt  }
0x84: {  	_ =	shalt  }
0x85: {  	_ =	shalt  }
0x86: {  	_ =	shalt  }
0x87: {  	_ =	shalt  }
.Lfunc_end0:
.L_simem_size_0:
called_computation.1_lowered:
.L_overlay_start_0:
0x88: {  	s2 =	sld [smem:$0x3FD9]  }
0x89: {  	s3 =	sld [smem:$0x3FFE];
	_ =	sdelay $0x1  }
0x8a: {  	s1 =	srdreg.scid  }
0x8b: {  	s0 =	sand.u32 $0x1, s1  }
0x8c: {  	s17 =	sshll.u32 s0, $0xA;
	s2 =	sadd.s32 s3, s2  }
0x8d: {  	s2 =	sadd.s32 s2, s17  }
0x8e: {  	[smem:$0x3FB7] =	sst s2  }
0x8f: {  	_ = 	snop  }
0x90: {  	s18 =	sld [smem:$0x3FD0];
	(tm) =	ssettm $0x1  }
0x91: {  	s19 =	sld [smem:$0x3FFB];
	_ =	sdelay $0x3  }
0x92: {  	_ =	strace s19  }
0x93: {  	s2 =	sld [smem:$0x3FFC];
	_ =	sdelay $0x3  }
0x94: {  	_ =	strace s2  }
0x95: {  	s2 =	sld [smem:$0x3FFD];
	_ =	sdelay $0x3  }
0x96: {  	_ =	strace s2  }
0x97: {  	_ =	strace $0x8FFFFFFF  }
0x98: {  	s20 =	sld [smem:$0x3FDB];
	_ =	sdelay $0x1  }
0x99: {  	s4 =	simm.s32 $_scs_section_size  }
0x9a: {  	s5 =	simm.s32 $_size__tile_overlayer_lowered;
	s6 =	simm.s32 $_tile_overlayer_lowered  }
0x9b: {  	s7 =	simm.s32 $0x1BFF;
	s21 =	sshll.u32 s6, $0x1;
	s4 =	sadd.s32 s4, s20  }
0x9c: {  	s22 =	simm.s32 $0x0;
	s5 =	sshll.u32 s5, $0x1;
	s6 =	sadd.s32 s21, s4  }
0x9d: {  	[timem:s22], [sflag:s7] =	dma.local [hbm:s6], s5  }
0x9e: {  	_ =	swait.ge [sflag:s7], s5  }
0x9f: {  	s5 =	ssub.s32 $0x0, s5;
	[sflag:s7] =	ssyncset.done $0x0  }
0xa0: {  	[sflag:s7] =	ssyncadd.s32 s5;
	_ =	sdelay $0x1  }
0xa1: {  	s23 =	simm.s32 $0x1B8B  }
0xa2: {  	_ =	swait.ge [sflag:s23], $0x1  }
0xa3: {  	[sflag:s23] =	ssyncset.done $0x0  }
0xa4: {  	[sflag:s23] =	ssyncadd.s32 $0xFFFFFFFF  }
0xa5: {  	s5 =	sld [smem:$0x0]  }
0xa6: {  	s6 =	sand.u32 $0xFFFFFFFE, s1  }
0xa7: {  	p0 =	sne.s32 s1, s6  }
0xa8: {  	s6 =	sshll.u32 @p0 s6, $0xE  }
0xa9: {  	s6 =	sadd.s32 @p0 $0x11B8D, s6;
	s7 =	sshll.u32 @p0 s5, $0x11  }
0xaa: {  	s6 =	sor.u32 @p0 s7, s6  }
0xab: {  	[sflag:s6] =	ssyncadd.remote.s32 @p0 $0x1;
	_ =	sdelay $0x1  }
0xac: {  	s6 =	simm.s32 @p0 $0x1B8D  }
0xad: {  	_ =	swait.eq @p0 [sflag:s6], $0x1  }
0xae: {  	[sflag:s6] =	ssyncadd.s32 @p0 $0xFFFFFFFF  }
0xaf: {  	s7 =	sshll.u32 @!p0 s1, $0xE  }
0xb0: {  	s7 =	sor.u32 @!p0 $0x4000, s7;
	s6 =	simm.s32 @!p0 $0x1B8D  }
0xb1: {  	s5 =	sshll.u32 @!p0 s5, $0x11;
	s7 =	sadd.s32 @!p0 $0x11B8D, s7;
	_ =	swait.eq @!p0 [sflag:s6], $0x1  }
0xb2: {  	s5 =	sor.u32 @!p0 s5, s7;
	[sflag:s6] =	ssyncadd.s32 @!p0 $0xFFFFFFFF  }
0xb3: {  	s25 =	simm.s32 $0x1B8E;
	s24 =	sld [smem:$0x3FFE];
	[sflag:s5] =	ssyncadd.remote.s32 @!p0 $0x1  }
0xb4: {  	s26 =	simm.s32 $execute0_lowered;
	[smem:$0x3FD2] =	sst s25  }
0xb5: {  	s6 =	sshll.u32 s26, $0x1;
	_ =	strace $0x80000049;
	[dreg:$0x1] =	wrdreg $0xFFFFFFFF  }
0xb6: {  	s28 =	simm.s32 $_size_execute0_lowered;
	s4 =	sadd.s32 s4, s6;
	[dreg:$0x0] =	wrdreg $0x0  }
0xb7: {  	s6 =	sshll.u32 s28, $0x1;
	[dreg:$0x2] =	wrdreg s4  }
0xb8: {  	[dreg:$0x3] =	wrdreg s6  }
0xb9: {  	[dreg:$0x4] =	wrdreg $0xC0  }
0xba: {  	_ =	task [dreg:s22], $0x5FFFF  }
0xbb: {  	[dreg:$0x1] =	wrdreg $0xFFFFFFFF  }
0xbc: {  	[dreg:$0x0] =	wrdreg $0x60  }
0xbd: {  	[dreg:$0x2] =	wrdreg s24  }
0xbe: {  	[dreg:$0x3] =	wrdreg s18  }
0xbf: {  	[dreg:$0x4] =	wrdreg $0x0  }
0xc0: {  	[dreg:$0x5] =	wrdreg $0x9  }
0xc1: {  	_ =	task.clear_ibuf [dreg:s22], $0x6FFFF;
	_ =	strace $0x90000049  }
0xc2: {  	s29 =	simm.s32 $0x9;
	_ =	strace $0x8000004B  }
0xc3: {  	_ =	swait.ge [sflag:s29], $0x1  }
0xc4: {  	[sflag:s29] =	ssyncadd.s32 $0xFFFFFFFF  }
0xc5: {  	_ =	strace $0x9000004B  }
0xc6: {  	_ =	sfence  }
0xc7: {  	s30 =	sld [smem:$0x0];
	_ =	sdelay $0x2  }
0xc8: {  	s31 =	sshll.u32 s1, $0xD;
	s1 =	sshrl.u32 s1, $0x2  }
0xc9: {  	s4 =	sand.u32 $0x4000, s31;
	s1 =	sadd.s32 s1, s30  }
0xca: {  	s0 =	sor.u32 s4, s0;
	s1 =	sshll.u32 s1, $0x11  }
0xcb: {  	s0 =	sor.u32 s1, s0  }
0xcc: {  	s0 =	sadd.s32 $0x8F2B, s0  }
0xcd: {  	[sflag:s0] =	ssyncadd.remote.s32 $0x1  }
0xce: {  	_ =	sfence.sel $0xFFFF  }
0xcf: {  	[dreg:$0x0] =	wrdreg $0xFFFFFFFF;
	(pc) =	sbr.abs _section_cstart, $3  }
0xd0: {  	[dreg:$0x1] =	wrdreg $0xFFFFFFFF  }
0xd1: {  	_ =	task.clear_ibuf [dreg:s22], $0x2FFFF;
	_ =	strace $0x9FFFFFFF  }
0xd2: {  	(tm) =	ssettm $0x7FFFFFFF  }
0xd3: {  	_ =	shalt  }
tec
execute0_lowered:
.L_overlay_start_1:
0x0: {  	(tag) =	ssettag $0x1  }
0x1: {  	s0 =	rddreg [dreg:$0x0]  }
0x2: {  	s3 =	rddreg [dreg:$0x1]  }
0x3: {  	s1 =	rddreg [dreg:$0x2];
	s2 =	simm.s32 $0x0  }
0x4: {  	s16 =	stileid.u32;
	s7 =	srdreg.scid;
	s17 =	simm.s32 $0x5  }
0x5: {  	s20 =	simm.s32 $0x50;
	s21 =	simm.s32 $0x18100;
	s22 =	simm.s32 $0x14000  }
0x6: {  	s28 =	simm.s32 $0x2;
	s29 =	simm.s32 $0x4;
	s31 =	simm.s32 $0x0  }
0x7: {  	[smem:$0x7FF] =	sst s2;
	s4 =	sadd.s32 $0x62C00, s0;
	s5 =	sadd.s32 $0x89E00, s0  }
0x8: {  	s6 =	sadd.s32 $0x5B9000, s0;
	s8 =	sshll.u32 s16, $0xB;
	s7 =	sand.u32 $0x1, s7  }
0x9: {  	s9 =	sadd.s32 $0x5C1000, s0;
	s12 =	smul.u32 $0x50000, s16;
	s10 =	sshll.u32 s16, $0xE  }
0xa: {  	s30 =	sshll.u32 s16, $0x6;
	_ =	strace $0x8000004A;
	s11 =	sadd.s32 s8, s0  }
0xb: {  	[dreg:$0x4] =	wrdreg s9;
	s23 =	ssub.s32 $0x2, s7;
	s0 =	sadd.s32 $0x5E9000, s0  }
0xc: {  	p0 =	seq.s32 s7, $0x1;
	s9 =	smul.u32 $0x2800, s16;
	s13 =	sadd.s32 s6, s8  }
0xd: {  	s16 =	simm.s32 $0x14100;
	s18 =	sor.u32 $0x1C05, s30;
	[dreg:$0x5] =	wrdreg s0  }
.Ltmp0:
0xe: {  	s24 =	sshrl.u32 s23, $0x1;
	s25 =	sadd.s32 $0x5B1000, s11;
	(pc) =	sbr.rel .LBB2_1-.Ltmp0, $4  }
0xf: {  	s26 =	sshrl.u32 s12, $0x2;
	s15 =	sadd.s32 $0x7F0, s13;
	s0 =	ssub.s32 s23, s24  }
0x10: {  	[dreg:$0x6] =	wrdreg s25;
	s7 =	sadd.s32 s26, s1;
	s12 =	sadd.s32 s3, s9  }
0x11: {  	s23 =	simm.s32 $0x1A900;
	s24 =	simm.s32 $0x14080;
	s25 =	simm.s32 $0x1  }
0x12: {  	s26 =	simm.s32 $0x3;
	s14 =	smax.u32 s0, $0x1;
	s19 =	sshrl.u32 s7, $0x3  }
.LBB2_7:
0x13: {  	s7 =	sor.u32 s30, s11;
	[sflag:s17] =	ssyncset.done $0x0  }
0x14: {  	s7 =	sor.u32 s10, s7;
	[sflag:s17] =	ssyncadd.s32 $0xFFFFD800  }
0x15: {  	[tilespmem:s23], [sflag:$0x2] =	stream.indirect.gather [hbm4b:s5+s20], $0x80, s0, s20, $0xb8;
	[tilespmem:$0x1D100] =	vst v63  }
0x16: {  	s7 =	sshrl.u32 s7, $0x3  }
0x17: {  	s7 =	sadd.s32 s6, s7  }
0x18: {  	[tilespmem:s24], [sflag:$0x4] =	stream.linear.gather [hbm4b:s7+s2], $0x80, $0x38;
	[tilespmem:$0x1D100] =	vst v63  }
0x19: {  	_ =	swait.ge [sflag:s25], $0x2800  }
0x1a: {  	[sflag:s25] =	ssyncset.done $0x0  }
0x1b: {  	[sflag:s25] =	ssyncadd.s32 $0xFFFFD800  }
0x1c: {  	_ =	swait.ge [sflag:s26], $0x80  }
0x1d: {  	[sflag:s26] =	ssyncset.done $0x0  }
0x1e: {  	s11 =	sand.u32 $0x7C00, s3;
	[sflag:s26] =	ssyncadd.s32 $0xFFFFFF80  }
0x1f: {  	[spmem:s1] =	stream.indirect.scatter.add.f32 [tilespmem:s21], [sflag:$0x5], $0x80, s22, s20, $0xb8;
	[tilespmem:$0x1D100] =	vst v63  }
0x20: {  	s30 =	sand.u32 $0x300, s3;
	s7 =	sadd.s32 s10, s11;
	_ =	swait.ge [sflag:s17], $0x2800  }
0x21: {  	s3 =	sor.u32 s30, s7;
	[sflag:s17] =	ssyncset.done $0x0  }
0x22: {  	s8 =	sadd.s32 $0x80, s0;
	s3 =	sshrl.u32 s3, $0x3;
	[sflag:s17] =	ssyncadd.s32 $0xFFFFD800  }
0x23: {  	[tilespmem:s21], [sflag:$0x1] =	stream.indirect.gather [hbm4b:s5+s20], $0x80, s8, s20, $0xb8;
	[tilespmem:$0x1D100] =	vst v63  }
0x24: {  	s11 =	sadd.s32 s6, s3  }
0x25: {  	[tilespmem:s22], [sflag:$0x3] =	stream.linear.gather [hbm4b:s11+s2], $0x80, $0x38;
	[tilespmem:$0x1D100] =	vst v63  }
0x26: {  	_ =	swait.ge [sflag:s28], $0x2800  }
0x27: {  	[sflag:s28] =	ssyncset.done $0x0  }
0x28: {  	[sflag:s28] =	ssyncadd.s32 $0xFFFFD800  }
0x29: {  	_ =	swait.ge [sflag:s29], $0x80  }
0x2a: {  	[sflag:s29] =	ssyncset.done $0x0  }
0x2b: {  	[sflag:s29] =	ssyncadd.s32 $0xFFFFFF80  }
0x2c: {  	[spmem:s1] =	stream.indirect.scatter.add.f32 [tilespmem:s23], [sflag:$0x5], $0x80, s24, s20, $0xb8;
	[tilespmem:$0x1D100] =	vst v63  }
0x2d: {  	_ =	swait.ge [sflag:s17], $0x2800  }
0x2e: {  	[sflag:s17] =	ssyncset.done $0x0  }
0x2f: {  	s30 =	simm.s32 $0x18080;
	s0 =	rddreg [dreg:$0x5];
	[sflag:s17] =	ssyncadd.s32 $0xFFFFD800  }
0x30: {  	[tilespmem:s23], [sflag:$0x2] =	stream.indirect.gather [hbm4b:s5+s20], $0x80, s30, s20, $0xb8;
	[tilespmem:$0x1D100] =	vst v63  }
.LBB2_8:
0x31: {  	[tilespmem:s24], [sflag:$0x4] =	stream.linear.gather [hbm4b:s15+s2], $0x80, $0x38;
	[tilespmem:$0x1D100] =	vst v63  }
0x32: {  	_ =	swait.ge [sflag:s25], $0x2800  }
0x33: {  	[sflag:s25] =	ssyncset.done $0x0  }
0x34: {  	[sflag:s25] =	ssyncadd.s32 $0xFFFFD800  }
0x35: {  	_ =	swait.ge [sflag:s26], $0x80  }
0x36: {  	[sflag:s26] =	ssyncset.done $0x0  }
0x37: {  	[sflag:s26] =	ssyncadd.s32 $0xFFFFFF80  }
0x38: {  	[spmem:s1] =	stream.indirect.scatter.add.f32 [tilespmem:s21], [sflag:$0x5], $0x80, s22, s20, $0xb8;
	[tilespmem:$0x1D100] =	vst v63  }
0x39: {  	_ =	swait.ge [sflag:s17], $0x2800  }
0x3a: {  	[sflag:s17] =	ssyncset.done $0x0  }
0x3b: {  	[sflag:s17] =	ssyncadd.s32 $0xFFFFD800  }
0x3c: {  	_ =	swait.ge [sflag:s28], $0x2800  }
0x3d: {  	[sflag:s28] =	ssyncset.done $0x0  }
0x3e: {  	[sflag:s28] =	ssyncadd.s32 $0xFFFFD800  }
0x3f: {  	_ =	swait.ge [sflag:s29], $0x80  }
0x40: {  	[sflag:s29] =	ssyncset.done $0x0  }
0x41: {  	[sflag:s29] =	ssyncadd.s32 $0xFFFFFF80  }
0x42: {  	[spmem:s1] =	stream.indirect.scatter.add.f32 [tilespmem:s23], [sflag:$0x5], $0x80, s24, s20, $0xb8;
	[tilespmem:$0x1D100] =	vst v63  }
0x43: {  	_ =	swait.ge [sflag:s17], $0x2800  }
0x44: {  	s31 =	sadd.s32 $0x1, s31;
	[sflag:s17] =	ssyncset.done $0x0  }
0x45: {  	p1 =	sne.s32 s31, s14;
	[sflag:s17] =	ssyncadd.s32 $0xFFFFD800  }
.Ltmp1:
0x46: {  	s0 =	sadd.s32 s0, s9;
	[bflag:$0x0] =	sbarrier.arrive $0xFFFF;
	(pc) =	sbr.rel @!p1 .LBB2_9-.Ltmp1, $4  }
0x47: {  	[hbm:s0], [sflag:s18] =	dma.local [spmem:s19], $0x2800  }
0x48: {  	_ =	swait.ge [sflag:s17], $0x2800  }
0x49: {  	[sflag:s17] =	ssyncset.done $0x0  }
0x4a: {  	[sflag:s17] =	ssyncadd.s32 $0xFFFFD800  }
.LBB2_1:
0x4b: {  	s0 =	rddreg [dreg:$0x6]  }
0x4c: {  	[tilespmem:s16], [sflag:$0x5] =	stream.linear.gather [hbm4b:s0+s2], $0x4000, $0x38;
	[tilespmem:$0x1D100] =	vst v63  }
0x4d: {  	_ =	swait.ge [sflag:s17], $0x4000  }
0x4e: {  	[sflag:s17] =	ssyncset.done $0x0  }
0x4f: {  	[sflag:s17] =	ssyncadd.s32 $0xFFFFC000  }
0x50: {  	[spmem:s19], [sflag:s18] =	dma.local [hbm:s12], $0x2800  }
.Ltmp2:
0x51: {  	_ =	swait.ge [sflag:s17], $0x2800;
	(pc) =	sbr.rel @!p0 .LBB2_2-.Ltmp2, $3  }
0x52: {  	[sflag:s17] =	ssyncset.done $0x0  }
0x53: {  	[sflag:s17] =	ssyncadd.s32 $0xFFFFD800  }
0x54: {  	[bflag:$0x0] =	sbarrier.arrive $0xFFFF;
	_ =	sdelay $0x1  }
0x55: {  	[tilespmem:s21], [sflag:$0x1] =	stream.indirect.gather [hbm4b:s5+s20], $0x80, s16, s20, $0xb8;
	[tilespmem:$0x1D100] =	vst v63  }
0x56: {  	s0 =	simm.s32 $0x80;
	s3 =	simm.s32 $0x0  }
0x57: {  	s0 =	sand.u32 $0x380, s0;
	s3 =	sand.u32 $0x3C00, s3  }
0x58: {  	[tilespmem:s22], [sflag:$0x3] =	stream.linear.gather [hbm4b:s13+s2], $0x80, $0x38;
	[tilespmem:$0x1D100] =	vst v63  }
0x59: {  	s0 =	sor.u32 s0, s3  }
0x5a: {  	s11 =	simm.s32 $0x14180;
	s0 =	sor.u32 s10, s0  }
0x5b: {  	[tilespmem:s23], [sflag:$0x2] =	stream.indirect.gather [hbm4b:s5+s20], $0x80, s11, s20, $0xb8;
	[tilespmem:$0x1D100] =	vst v63  }
0x5c: {  	s0 =	sshrl.u32 s0, $0x3  }
0x5d: {  	s0 =	sadd.s32 s6, s0  }
0x5e: {  	[tilespmem:s24], [sflag:$0x4] =	stream.linear.gather [hbm4b:s0+s2], $0x80, $0x38;
	[tilespmem:$0x1D100] =	vst v63  }
0x5f: {  	_ =	swait.ge [sflag:s25], $0x2800  }
0x60: {  	[sflag:s25] =	ssyncset.done $0x0  }
0x61: {  	[sflag:s25] =	ssyncadd.s32 $0xFFFFD800  }
0x62: {  	_ =	swait.ge [sflag:s26], $0x80  }
0x63: {  	s7 =	simm.s32 $0x100;
	[sflag:s26] =	ssyncset.done $0x0  }
0x64: {  	s8 =	sand.u32 $0x7C00, s7;
	[sflag:s26] =	ssyncadd.s32 $0xFFFFFF80  }
0x65: {  	[spmem:s1] =	stream.indirect.scatter.add.f32 [tilespmem:s21], [sflag:$0x5], $0x80, s22, s20, $0xb8;
	[tilespmem:$0x1D100] =	vst v63  }
0x66: {  	s3 =	sadd.s32 s10, s8;
	s0 =	sand.u32 $0x300, s7;
	_ =	swait.ge [sflag:s17], $0x2800  }
0x67: {  	s0 =	sor.u32 s0, s3;
	[sflag:s17] =	ssyncset.done $0x0  }
0x68: {  	s11 =	simm.s32 $0x14200;
	s0 =	sshrl.u32 s0, $0x3;
	[sflag:s17] =	ssyncadd.s32 $0xFFFFD800  }
0x69: {  	[tilespmem:s21], [sflag:$0x1] =	stream.indirect.gather [hbm4b:s5+s20], $0x80, s11, s20, $0xb8;
	[tilespmem:$0x1D100] =	vst v63  }
0x6a: {  	s0 =	sadd.s32 s6, s0  }
0x6b: {  	[tilespmem:s22], [sflag:$0x3] =	stream.linear.gather [hbm4b:s0+s2], $0x80, $0x38;
	[tilespmem:$0x1D100] =	vst v63  }
0x6c: {  	_ =	swait.ge [sflag:s28], $0x2800  }
0x6d: {  	[sflag:s28] =	ssyncset.done $0x0  }
0x6e: {  	[sflag:s28] =	ssyncadd.s32 $0xFFFFD800  }
0x6f: {  	s8 =	simm.s32 $0x300;
	_ =	swait.ge [sflag:s29], $0x80  }
0x70: {  	s7 =	simm.s32 $0x180;
	s3 =	simm.s32 $0x200;
	[sflag:s29] =	ssyncset.done $0x0  }
0x71: {  	s30 =	sand.u32 $0x380, s7;
	s11 =	simm.s32 $0x100;
	[sflag:s29] =	ssyncadd.s32 $0xFFFFFF80  }
0x72: {  	[spmem:s1] =	stream.indirect.scatter.add.f32 [tilespmem:s23], [sflag:$0x5], $0x80, s24, s20, $0xb8;
	[tilespmem:$0x1D100] =	vst v63  }
0x73: {  	s11 =	sand.u32 $0x3C00, s11;
	s0 =	simm.s32 $0x14280;
	_ =	swait.ge [sflag:s17], $0x2800  }
.LBB2_6:
0x74: {  	s11 =	sor.u32 s30, s11  }
0x75: {  	[sflag:s17] =	ssyncset.done $0x0;
	s30 =	smov.u32 s8;
	s7 =	sadd.s32 $0x100, s8  }
0x76: {  	p1 =	sne.s32 s8, $0x3F00;
	s8 =	sor.u32 s10, s11;
	[sflag:s17] =	ssyncadd.s32 $0xFFFFD800  }
0x77: {  	[tilespmem:s23], [sflag:$0x2] =	stream.indirect.gather [hbm4b:s5+s20], $0x80, s0, s20, $0xb8;
	[tilespmem:$0x1D100] =	vst v63  }
0x78: {  	s8 =	sshrl.u32 s8, $0x3  }
0x79: {  	s8 =	sadd.s32 s6, s8  }
0x7a: {  	[tilespmem:s24], [sflag:$0x4] =	stream.linear.gather [hbm4b:s8+s2], $0x80, $0x38;
	[tilespmem:$0x1D100] =	vst v63  }
0x7b: {  	_ =	swait.ge [sflag:s25], $0x2800  }
0x7c: {  	[sflag:s25] =	ssyncset.done $0x0  }
0x7d: {  	[sflag:s25] =	ssyncadd.s32 $0xFFFFD800  }
0x7e: {  	_ =	swait.ge [sflag:s26], $0x80  }
0x7f: {  	[sflag:s26] =	ssyncset.done $0x0  }
0x80: {  	s8 =	sand.u32 $0x7C00, s3;
	[sflag:s26] =	ssyncadd.s32 $0xFFFFFF80  }
0x81: {  	[spmem:s1] =	stream.indirect.scatter.add.f32 [tilespmem:s21], [sflag:$0x5], $0x80, s22, s20, $0xb8;
	[tilespmem:$0x1D100] =	vst v63  }
0x82: {  	s3 =	sand.u32 $0x300, s3;
	s8 =	sadd.s32 s10, s8;
	_ =	swait.ge [sflag:s17], $0x2800  }
0x83: {  	s8 =	sor.u32 s3, s8;
	s3 =	smov.u32 s30;
	[sflag:s17] =	ssyncset.done $0x0  }
0x84: {  	s11 =	sadd.s32 $0x80, s0;
	s8 =	sshrl.u32 s8, $0x3;
	[sflag:s17] =	ssyncadd.s32 $0xFFFFD800  }
0x85: {  	[tilespmem:s21], [sflag:$0x1] =	stream.indirect.gather [hbm4b:s5+s20], $0x80, s11, s20, $0xb8;
	[tilespmem:$0x1D100] =	vst v63  }
0x86: {  	s8 =	sadd.s32 s6, s8  }
0x87: {  	[tilespmem:s22], [sflag:$0x3] =	stream.linear.gather [hbm4b:s8+s2], $0x80, $0x38;
	[tilespmem:$0x1D100] =	vst v63  }
0x88: {  	_ =	swait.ge [sflag:s28], $0x2800  }
0x89: {  	[sflag:s28] =	ssyncset.done $0x0  }
0x8a: {  	[sflag:s28] =	ssyncadd.s32 $0xFFFFD800  }
.Ltmp3:
0x8b: {  	_ =	swait.ge [sflag:s29], $0x80;
	(pc) =	sbr.rel @p1 .LBB2_6-.Ltmp3, $4  }
0x8c: {  	s0 =	sadd.s32 $0x100, s0;
	s11 =	sadd.s32 $0xFFFFFF00, s3;
	[sflag:s29] =	ssyncset.done $0x0  }
0x8d: {  	s11 =	sand.u32 $0x3C00, s11;
	s8 =	sadd.s32 $0xFFFFFF80, s3;
	[sflag:s29] =	ssyncadd.s32 $0xFFFFFF80  }
0x8e: {  	[spmem:s1] =	stream.indirect.scatter.add.f32 [tilespmem:s23], [sflag:$0x5], $0x80, s24, s20, $0xb8;
	[tilespmem:$0x1D100] =	vst v63  }
0x8f: {  	s30 =	sand.u32 $0x380, s8;
	s8 =	smov.u32 s7;
	_ =	swait.ge [sflag:s17], $0x2800  }
.Ltmp4:
0x90: {  	_ = 	snop;
	(pc) =	sbr.rel .LBB2_7-.Ltmp4, $1  }
0x91: {  	_ =	sdelay $0x3  }
.LBB2_2:
0x92: {  	[tilespmem:s21], [sflag:$0x1] =	stream.indirect.gather [hbm4b:s4+s20], $0x80, s16, s20, $0xb8;
	[tilespmem:$0x1D100] =	vst v63  }
0x93: {  	s0 =	simm.s32 $0x80;
	s3 =	simm.s32 $0x0  }
0x94: {  	s0 =	sand.u32 $0x380, s0;
	s3 =	sand.u32 $0x3C00, s3  }
0x95: {  	[tilespmem:s22], [sflag:$0x3] =	stream.linear.gather [hbm4b:s13+s2], $0x80, $0x38;
	[tilespmem:$0x1D100] =	vst v63  }
0x96: {  	s0 =	sor.u32 s0, s3  }
0x97: {  	s11 =	simm.s32 $0x14180;
	s0 =	sor.u32 s10, s0  }
0x98: {  	[tilespmem:s23], [sflag:$0x2] =	stream.indirect.gather [hbm4b:s4+s20], $0x80, s11, s20, $0xb8;
	[tilespmem:$0x1D100] =	vst v63  }
0x99: {  	s0 =	sshrl.u32 s0, $0x3  }
0x9a: {  	s0 =	sadd.s32 s6, s0  }
0x9b: {  	[tilespmem:s24], [sflag:$0x4] =	stream.linear.gather [hbm4b:s0+s2], $0x80, $0x38;
	[tilespmem:$0x1D100] =	vst v63  }
0x9c: {  	_ =	swait.ge [sflag:s25], $0x2800  }
0x9d: {  	[sflag:s25] =	ssyncset.done $0x0  }
0x9e: {  	[sflag:s25] =	ssyncadd.s32 $0xFFFFD800  }
0x9f: {  	_ =	swait.ge [sflag:s26], $0x80  }
0xa0: {  	s7 =	simm.s32 $0x100;
	[sflag:s26] =	ssyncset.done $0x0  }
0xa1: {  	s8 =	sand.u32 $0x7C00, s7;
	[sflag:s26] =	ssyncadd.s32 $0xFFFFFF80  }
0xa2: {  	[spmem:s1] =	stream.indirect.scatter.add.f32 [tilespmem:s21], [sflag:$0x5], $0x80, s22, s20, $0xb8;
	[tilespmem:$0x1D100] =	vst v63  }
0xa3: {  	s3 =	sadd.s32 s10, s8;
	s0 =	sand.u32 $0x300, s7;
	_ =	swait.ge [sflag:s17], $0x2800  }
0xa4: {  	s0 =	sor.u32 s0, s3;
	[sflag:s17] =	ssyncset.done $0x0  }
0xa5: {  	s11 =	simm.s32 $0x14200;
	s0 =	sshrl.u32 s0, $0x3;
	[sflag:s17] =	ssyncadd.s32 $0xFFFFD800  }
0xa6: {  	[tilespmem:s21], [sflag:$0x1] =	stream.indirect.gather [hbm4b:s4+s20], $0x80, s11, s20, $0xb8;
	[tilespmem:$0x1D100] =	vst v63  }
0xa7: {  	s0 =	sadd.s32 s6, s0  }
0xa8: {  	[tilespmem:s22], [sflag:$0x3] =	stream.linear.gather [hbm4b:s0+s2], $0x80, $0x38;
	[tilespmem:$0x1D100] =	vst v63  }
0xa9: {  	_ =	swait.ge [sflag:s28], $0x2800  }
0xaa: {  	[sflag:s28] =	ssyncset.done $0x0  }
0xab: {  	[sflag:s28] =	ssyncadd.s32 $0xFFFFD800  }
0xac: {  	s8 =	simm.s32 $0x180;
	_ =	swait.ge [sflag:s29], $0x80  }
0xad: {  	s30 =	sand.u32 $0x380, s8;
	s7 =	simm.s32 $0x300;
	[sflag:s29] =	ssyncset.done $0x0  }
0xae: {  	s3 =	simm.s32 $0x200;
	s11 =	simm.s32 $0x100;
	[sflag:s29] =	ssyncadd.s32 $0xFFFFFF80  }
0xaf: {  	[spmem:s1] =	stream.indirect.scatter.add.f32 [tilespmem:s23], [sflag:$0x5], $0x80, s24, s20, $0xb8;
	[tilespmem:$0x1D100] =	vst v63  }
0xb0: {  	s11 =	sand.u32 $0x3C00, s11;
	s0 =	simm.s32 $0x14280;
	_ =	swait.ge [sflag:s17], $0x2800  }
.LBB2_3:
0xb1: {  	s11 =	sor.u32 s30, s11  }
0xb2: {  	[sflag:s17] =	ssyncset.done $0x0;
	s30 =	smov.u32 s7;
	s8 =	sadd.s32 $0x100, s7  }
0xb3: {  	p1 =	sne.s32 s7, $0x3F00;
	s7 =	sor.u32 s10, s11;
	[sflag:s17] =	ssyncadd.s32 $0xFFFFD800  }
0xb4: {  	[tilespmem:s23], [sflag:$0x2] =	stream.indirect.gather [hbm4b:s4+s20], $0x80, s0, s20, $0xb8;
	[tilespmem:$0x1D100] =	vst v63  }
0xb5: {  	s7 =	sshrl.u32 s7, $0x3  }
0xb6: {  	s7 =	sadd.s32 s6, s7  }
0xb7: {  	[tilespmem:s24], [sflag:$0x4] =	stream.linear.gather [hbm4b:s7+s2], $0x80, $0x38;
	[tilespmem:$0x1D100] =	vst v63  }
0xb8: {  	_ =	swait.ge [sflag:s25], $0x2800  }
0xb9: {  	[sflag:s25] =	ssyncset.done $0x0  }
0xba: {  	[sflag:s25] =	ssyncadd.s32 $0xFFFFD800  }
0xbb: {  	_ =	swait.ge [sflag:s26], $0x80  }
0xbc: {  	[sflag:s26] =	ssyncset.done $0x0  }
0xbd: {  	s7 =	sand.u32 $0x7C00, s3;
	[sflag:s26] =	ssyncadd.s32 $0xFFFFFF80  }
0xbe: {  	[spmem:s1] =	stream.indirect.scatter.add.f32 [tilespmem:s21], [sflag:$0x5], $0x80, s22, s20, $0xb8;
	[tilespmem:$0x1D100] =	vst v63  }
0xbf: {  	s3 =	sand.u32 $0x300, s3;
	s7 =	sadd.s32 s10, s7;
	_ =	swait.ge [sflag:s17], $0x2800  }
0xc0: {  	s7 =	sor.u32 s3, s7;
	s3 =	smov.u32 s30;
	[sflag:s17] =	ssyncset.done $0x0  }
0xc1: {  	s11 =	sadd.s32 $0x80, s0;
	s7 =	sshrl.u32 s7, $0x3;
	[sflag:s17] =	ssyncadd.s32 $0xFFFFD800  }
0xc2: {  	[tilespmem:s21], [sflag:$0x1] =	stream.indirect.gather [hbm4b:s4+s20], $0x80, s11, s20, $0xb8;
	[tilespmem:$0x1D100] =	vst v63  }
0xc3: {  	s7 =	sadd.s32 s6, s7  }
0xc4: {  	[tilespmem:s22], [sflag:$0x3] =	stream.linear.gather [hbm4b:s7+s2], $0x80, $0x38;
	[tilespmem:$0x1D100] =	vst v63  }
0xc5: {  	_ =	swait.ge [sflag:s28], $0x2800  }
0xc6: {  	[sflag:s28] =	ssyncset.done $0x0  }
0xc7: {  	[sflag:s28] =	ssyncadd.s32 $0xFFFFD800  }
.Ltmp5:
0xc8: {  	_ =	swait.ge [sflag:s29], $0x80;
	(pc) =	sbr.rel @p1 .LBB2_3-.Ltmp5, $4  }
0xc9: {  	s0 =	sadd.s32 $0x100, s0;
	s11 =	sadd.s32 $0xFFFFFF00, s3;
	[sflag:s29] =	ssyncset.done $0x0  }
0xca: {  	s11 =	sand.u32 $0x3C00, s11;
	s7 =	sadd.s32 $0xFFFFFF80, s3;
	[sflag:s29] =	ssyncadd.s32 $0xFFFFFF80  }
0xcb: {  	[spmem:s1] =	stream.indirect.scatter.add.f32 [tilespmem:s23], [sflag:$0x5], $0x80, s24, s20, $0xb8;
	[tilespmem:$0x1D100] =	vst v63  }
0xcc: {  	s30 =	sand.u32 $0x380, s7;
	s7 =	smov.u32 s8;
	_ =	swait.ge [sflag:s17], $0x2800  }
0xcd: {  	s7 =	sor.u32 s30, s11;
	[sflag:s17] =	ssyncset.done $0x0  }
0xce: {  	s7 =	sor.u32 s10, s7;
	[sflag:s17] =	ssyncadd.s32 $0xFFFFD800  }
0xcf: {  	[tilespmem:s23], [sflag:$0x2] =	stream.indirect.gather [hbm4b:s4+s20], $0x80, s0, s20, $0xb8;
	[tilespmem:$0x1D100] =	vst v63  }
0xd0: {  	s7 =	sshrl.u32 s7, $0x3  }
0xd1: {  	s7 =	sadd.s32 s6, s7  }
0xd2: {  	[tilespmem:s24], [sflag:$0x4] =	stream.linear.gather [hbm4b:s7+s2], $0x80, $0x38;
	[tilespmem:$0x1D100] =	vst v63  }
0xd3: {  	_ =	swait.ge [sflag:s25], $0x2800  }
0xd4: {  	[sflag:s25] =	ssyncset.done $0x0  }
0xd5: {  	[sflag:s25] =	ssyncadd.s32 $0xFFFFD800  }
0xd6: {  	_ =	swait.ge [sflag:s26], $0x80  }
0xd7: {  	[sflag:s26] =	ssyncset.done $0x0  }
0xd8: {  	s11 =	sand.u32 $0x7C00, s3;
	[sflag:s26] =	ssyncadd.s32 $0xFFFFFF80  }
0xd9: {  	[spmem:s1] =	stream.indirect.scatter.add.f32 [tilespmem:s21], [sflag:$0x5], $0x80, s22, s20, $0xb8;
	[tilespmem:$0x1D100] =	vst v63  }
0xda: {  	s30 =	sand.u32 $0x300, s3;
	s7 =	sadd.s32 s10, s11;
	_ =	swait.ge [sflag:s17], $0x2800  }
0xdb: {  	s3 =	sor.u32 s30, s7;
	[sflag:s17] =	ssyncset.done $0x0  }
0xdc: {  	s8 =	sadd.s32 $0x80, s0;
	s3 =	sshrl.u32 s3, $0x3;
	[sflag:s17] =	ssyncadd.s32 $0xFFFFD800  }
0xdd: {  	[tilespmem:s21], [sflag:$0x1] =	stream.indirect.gather [hbm4b:s4+s20], $0x80, s8, s20, $0xb8;
	[tilespmem:$0x1D100] =	vst v63  }
0xde: {  	s11 =	sadd.s32 s6, s3  }
0xdf: {  	[tilespmem:s22], [sflag:$0x3] =	stream.linear.gather [hbm4b:s11+s2], $0x80, $0x38;
	[tilespmem:$0x1D100] =	vst v63  }
0xe0: {  	_ =	swait.ge [sflag:s28], $0x2800  }
0xe1: {  	[sflag:s28] =	ssyncset.done $0x0  }
0xe2: {  	[sflag:s28] =	ssyncadd.s32 $0xFFFFD800  }
0xe3: {  	_ =	swait.ge [sflag:s29], $0x80  }
0xe4: {  	[sflag:s29] =	ssyncset.done $0x0  }
0xe5: {  	[sflag:s29] =	ssyncadd.s32 $0xFFFFFF80  }
0xe6: {  	[spmem:s1] =	stream.indirect.scatter.add.f32 [tilespmem:s23], [sflag:$0x5], $0x80, s24, s20, $0xb8;
	[tilespmem:$0x1D100] =	vst v63  }
.Ltmp6:
0xe7: {  	_ = 	snop;
	(pc) =	sbr.rel .LBB2_8-.Ltmp6, $4  }
0xe8: {  	_ =	swait.ge [sflag:s17], $0x2800  }
0xe9: {  	[sflag:s17] =	ssyncset.done $0x0  }
0xea: {  	s30 =	simm.s32 $0x18080;
	s0 =	rddreg [dreg:$0x4];
	[sflag:s17] =	ssyncadd.s32 $0xFFFFD800  }
0xeb: {  	[tilespmem:s23], [sflag:$0x2] =	stream.indirect.gather [hbm4b:s4+s20], $0x80, s30, s20, $0xb8;
	[tilespmem:$0x1D100] =	vst v63  }
.LBB2_9:
0xec: {  	_ =	sfence.sel $0x180000  }
0xed: {  	[bflag:$0x0] =	sbarrier.arrive $0xFFFF  }
0xee: {  	_ =	strace $0x9000004A  }
0xef: {  	s0 =	stileid.u32;
	[bflag:$0x2] =	sbarrier.arrive $0xFFFF  }
0xf0: {  	p0 =	sne.s32 s0, $0x0;
	s0 =	rddreg [dreg:$0x3]  }
0xf1: {  	s0 =	sadd.s32 @!p0 $0x100000, s0  }
0xf2: {  	[sflag:s0] =	ssyncadd.tile.s32 @!p0 $0x1;
	_ =	shalt  }
.Lfunc_end2:
_tile_overlayer_lowered:
.L_overlay_start_2:
0xf3: {  	(tag) =	ssettag $0x2  }
0xf4: {  	s0 =	rddreg [dreg:$0x0];
	s2 =	stileid.u32  }
0xf5: {  	s1 =	rddreg [dreg:$0x1];
	p0 =	sne.s32 s2, $0x0  }
0xf6: {  	s3 =	rddreg [dreg:$0x2];
	[bflag:$0x3] =	sbarrier.arrive $0xFFFF;
	s2 =	simm.s32 @!p0 $0x1C05  }
0xf7: {  	[timem:s3], [sflag:s2] =	dma.local @!p0 [hbm:s0], s1  }
0xf8: {  	s0 =	simm.s32 @!p0 $0x5  }
0xf9: {  	_ =	swait.ge @!p0 [sflag:s0], s1  }
0xfa: {  	s1 =	ssub.s32 @!p0 $0x0, s1;
	[sflag:s0] =	ssyncset.done @!p0 $0x0  }
0xfb: {  	[sflag:s0] =	ssyncadd.s32 @!p0 s1  }
0xfc: {  	[bflag:$0x3] =	sbarrier.arrive $0xFFFF  }
0xfd: {  	_ =	shalt  }

// kernel: kernel.14.cloned.1.call-start
scs
__scs_entry_jumppad:
0x0: {  	(pc) =	sbr.rel $0x88, $3  }
0x1: {  	(tag) =	ssettag $0x0;
	lr =	simm.s32 $0x1  }
0x2: {  	[smem:$0x3F90] =	sst lr;
	_ =	strace $0xD0000000  }
0x3: {  	_ = 	snop  }
0x4: {  	_ = 	snop  }
0x5: {  	_ = 	snop  }
0x6: {  	_ = 	snop  }
0x7: {  	_ = 	snop  }
__scs_overlays_trampoline_lowered:
0x8: {  	[smem:$0x3F9F] =	sst s0  }
0x9: {  	[smem:$0x3FA0] =	sst s1  }
0xa: {  	[smem:$0x3FA1] =	sst s2  }
0xb: {  	[smem:$0x3FA2] =	sst s3  }
0xc: {  	[smem:$0x3FA3] =	sst s4  }
0xd: {  	[smem:$0x3FA4] =	sst s5  }
0xe: {  	[smem:$0x3FA5] =	sst s6  }
0xf: {  	[smem:$0x3FA6] =	sst s7  }
0x10: {  	[smem:$0x3FA7] =	sst s8  }
0x11: {  	[smem:$0x3FA8] =	sst s9;
	s0 =	simm.s32 @!p0 $0x0  }
0x12: {  	s1 =	sld [smem:$0x3F8E];
	s0 =	simm.s32 @p0 $0x1  }
0x13: {  	[smem:$0x3FA9] =	sst s0;
	s0 =	simm.s32 @!p1 $0x0  }
0x14: {  	s2 =	sld [smem:$0x3F8D];
	s0 =	simm.s32 @p1 $0x1  }
0x15: {  	[smem:$0x3FAA] =	sst s0;
	s0 =	simm.s32 @!p2 $0x0  }
0x16: {  	s3 =	sld [smem:$0x3FDB];
	s0 =	simm.s32 @p2 $0x1  }
0x17: {  	s4 =	simm.s32 $0x1BF5;
	[smem:$0x3FAC] =	sst s0  }
0x18: {  	s0 =	sld [smem:$0x3F8F];
	_ =	swait.ge [sflag:s4], $0x0  }
0x19: {  	s7 =	sld [smem:$0x3F90]  }
0x1a: {  	s8 =	sadd.s32 $0xFFFFE003, lr  }
0x1b: {  	s9 =	sadd.s32 $0xFFFFFEF7, lr;
	s5 =	simm.s32 $0xFFFFFFFF;
	p2 =	slt.u32 s8, $0xFFFFF086  }
0x1c: {  	p1 =	slt.u32 s9, $0xF7A;
	s5 =	simm.s32 @!p2 $0x0  }
0x1d: {  	s5 =	simm.s32 @p1 $0x1;
	p0 =	seq.s32 s7, s2  }
0x1e: {  	s7 =	smul.u32 @!p0 $0xF7A, s2;
	p2 =	seq.s32 @!p0 s5, $0x0  }
0x1f: {  	s9 =	smul.u32 $0xF7A, s1;
	s8 =	simm.s32 @!p0 $0x1BF5;
	p2 =	por !p2, p0  }
0x20: {  	[sflag:s8] =	ssyncset.s32 @!p0 $0xFFFFF086;
	s6 =	sadd.s32 @!p0 s3, s7;
	s7 =	simm.s32 @!p0 $0x108  }
0x21: {  	s3 =	sadd.s32 s3, s9;
	s6 =	sadd.s32 @!p0 $0x88, s6;
	s7 =	simm.s32 @p2 $0x1082  }
0x22: {  	[simem:s7], [sflag:s8] =	dma.local @!p0 [hbm:s6], $0xF7A  }
0x23: {  	s9 =	sor.u32 $0xD0000000, s2;
	s6 =	simm.s32 $0x108;
	_ =	swait.ge @!p0 [sflag:s8], $0x0  }
0x24: {  	s3 =	sadd.s32 $0x88, s3;
	s6 =	simm.s32 @!p1 $0x1082;
	[sflag:s4] =	ssyncset.s32 $0xFFFFF086  }
0x25: {  	[simem:s6], [sflag:s4] =	dma.local [hbm:s3], $0xF7A  }
0x26: {  	[smem:$0x3F90] =	sst s1;
	(tag) =	ssettag s2;
	_ =	strace s9  }
0x27: {  	s1 =	sld [smem:$0x3FA0]  }
0x28: {  	s2 =	sld [smem:$0x3FA1]  }
0x29: {  	s4 =	sld [smem:$0x3FA3]  }
0x2a: {  	p0 =	seq.s32 s5, $0x0;
	s5 =	sld [smem:$0x3FA4]  }
0x2b: {  	s6 =	sld [smem:$0x3FA5]  }
0x2c: {  	s7 =	sld [smem:$0x3FA6]  }
0x2d: {  	s3 =	simm.s32 $0x108;
	s8 =	sld [smem:$0x3FA7]  }
0x2e: {  	s3 =	simm.s32 @!p0 $0x1082;
	s9 =	sld [smem:$0x3FA8]  }
0x2f: {  	lr =	sadd.s32 s0, s3;
	s0 =	sld [smem:$0x3F9F]  }
0x30: {  	s3 =	sld [smem:$0x3FA2]  }
0x31: {  	[smem:$0x3FAB] =	sst s10  }
0x32: {  	s10 =	sld [smem:$0x3FA9];
	_ =	sdelay $0x3  }
0x33: {  	p0 =	seq.s32 s10, $0x1;
	s10 =	sld [smem:$0x3FAB];
	_ =	sdelay $0x3  }
0x34: {  	[smem:$0x3FAB] =	sst s10  }
0x35: {  	s10 =	sld [smem:$0x3FAA];
	_ =	sdelay $0x3  }
0x36: {  	p1 =	seq.s32 s10, $0x1;
	s10 =	sld [smem:$0x3FAB];
	_ =	sdelay $0x3  }
0x37: {  	[smem:$0x3FAB] =	sst s10  }
0x38: {  	s10 =	sld [smem:$0x3FAC]  }
0x39: {  	_ = 	snop;
	(pc) =	sbr.ind lr, $3  }
0x3a: {  	_ = 	snop  }
0x3b: {  	_ = 	snop  }
0x3c: {  	p2 =	seq.s32 s10, $0x1;
	s10 =	sld [smem:$0x3FAB]  }
0x3d: {  	_ =	shalt  }
0x3e: {  	_ =	shalt  }
0x3f: {  	_ =	shalt  }
0x40: {  	_ =	shalt  }
0x41: {  	_ =	shalt  }
0x42: {  	_ =	shalt  }
0x43: {  	_ =	shalt  }
0x44: {  	_ =	shalt  }
0x45: {  	_ =	shalt  }
0x46: {  	_ =	shalt  }
0x47: {  	_ =	shalt  }
0x48: {  	_ =	shalt  }
0x49: {  	_ =	shalt  }
0x4a: {  	_ =	shalt  }
0x4b: {  	_ =	shalt  }
0x4c: {  	_ =	shalt  }
0x4d: {  	_ =	shalt  }
0x4e: {  	_ =	shalt  }
0x4f: {  	_ =	shalt  }
0x50: {  	_ =	shalt  }
0x51: {  	_ =	shalt  }
0x52: {  	_ =	shalt  }
0x53: {  	_ =	shalt  }
0x54: {  	_ =	shalt  }
0x55: {  	_ =	shalt  }
0x56: {  	_ =	shalt  }
0x57: {  	_ =	shalt  }
0x58: {  	_ =	shalt  }
0x59: {  	_ =	shalt  }
0x5a: {  	_ =	shalt  }
0x5b: {  	_ =	shalt  }
0x5c: {  	_ =	shalt  }
0x5d: {  	_ =	shalt  }
0x5e: {  	_ =	shalt  }
0x5f: {  	_ =	shalt  }
0x60: {  	_ =	shalt  }
0x61: {  	_ =	shalt  }
0x62: {  	_ =	shalt  }
0x63: {  	_ =	shalt  }
0x64: {  	_ =	shalt  }
0x65: {  	_ =	shalt  }
0x66: {  	_ =	shalt  }
0x67: {  	_ =	shalt  }
0x68: {  	_ =	shalt  }
0x69: {  	_ =	shalt  }
0x6a: {  	_ =	shalt  }
0x6b: {  	_ =	shalt  }
0x6c: {  	_ =	shalt  }
0x6d: {  	_ =	shalt  }
0x6e: {  	_ =	shalt  }
0x6f: {  	_ =	shalt  }
0x70: {  	_ =	shalt  }
0x71: {  	_ =	shalt  }
0x72: {  	_ =	shalt  }
0x73: {  	_ =	shalt  }
0x74: {  	_ =	shalt  }
0x75: {  	_ =	shalt  }
0x76: {  	_ =	shalt  }
0x77: {  	_ =	shalt  }
0x78: {  	_ =	shalt  }
0x79: {  	_ =	shalt  }
0x7a: {  	_ =	shalt  }
0x7b: {  	_ =	shalt  }
0x7c: {  	_ =	shalt  }
0x7d: {  	_ =	shalt  }
0x7e: {  	_ =	shalt  }
0x7f: {  	_ =	shalt  }
0x80: {  	_ =	shalt  }
0x81: {  	_ =	shalt  }
0x82: {  	_ =	shalt  }
0x83: {  	_ =	shalt  }
0x84: {  	_ =	shalt  }
0x85: {  	_ =	shalt  }
0x86: {  	_ =	shalt  }
0x87: {  	_ =	shalt  }
.Lfunc_end0:
.L_simem_size_0:
called_computation.2_lowered:
.L_overlay_start_0:
0x88: {  	s2 =	sld [smem:$0x3FD9]  }
0x89: {  	s3 =	sld [smem:$0x3FFE];
	_ =	sdelay $0x1  }
0x8a: {  	s1 =	srdreg.scid  }
0x8b: {  	s0 =	sand.u32 $0x1, s1  }
0x8c: {  	s17 =	sshll.u32 s0, $0xA;
	s2 =	sadd.s32 s3, s2  }
0x8d: {  	s2 =	sadd.s32 s2, s17  }
0x8e: {  	[smem:$0x3FB7] =	sst s2  }
0x8f: {  	_ = 	snop  }
0x90: {  	s18 =	sld [smem:$0x3FD0];
	(tm) =	ssettm $0x1  }
0x91: {  	s19 =	sld [smem:$0x3FFB];
	_ =	sdelay $0x3  }
0x92: {  	_ =	strace s19  }
0x93: {  	s2 =	sld [smem:$0x3FFC];
	_ =	sdelay $0x3  }
0x94: {  	_ =	strace s2  }
0x95: {  	s2 =	sld [smem:$0x3FFD];
	_ =	sdelay $0x3  }
0x96: {  	_ =	strace s2  }
0x97: {  	_ =	strace $0x8FFFFFFF  }
0x98: {  	s20 =	sld [smem:$0x3FDB];
	_ =	sdelay $0x1  }
0x99: {  	s4 =	simm.s32 $_scs_section_size  }
0x9a: {  	s5 =	simm.s32 $_size__tile_overlayer_lowered;
	s6 =	simm.s32 $_tile_overlayer_lowered  }
0x9b: {  	s7 =	simm.s32 $0x1BFF;
	s21 =	sshll.u32 s6, $0x1;
	s4 =	sadd.s32 s4, s20  }
0x9c: {  	s22 =	simm.s32 $0x0;
	s5 =	sshll.u32 s5, $0x1;
	s6 =	sadd.s32 s21, s4  }
0x9d: {  	[timem:s22], [sflag:s7] =	dma.local [hbm:s6], s5  }
0x9e: {  	_ =	swait.ge [sflag:s7], s5  }
0x9f: {  	s5 =	ssub.s32 $0x0, s5;
	[sflag:s7] =	ssyncset.done $0x0  }
0xa0: {  	[sflag:s7] =	ssyncadd.s32 s5;
	_ =	sdelay $0x1  }
0xa1: {  	s23 =	simm.s32 $0x1B8B  }
0xa2: {  	_ =	swait.ge [sflag:s23], $0x1  }
0xa3: {  	[sflag:s23] =	ssyncset.done $0x0  }
0xa4: {  	[sflag:s23] =	ssyncadd.s32 $0xFFFFFFFF  }
0xa5: {  	s5 =	sld [smem:$0x0]  }
0xa6: {  	s6 =	sand.u32 $0xFFFFFFFE, s1  }
0xa7: {  	p0 =	sne.s32 s1, s6  }
0xa8: {  	s6 =	sshll.u32 @p0 s6, $0xE  }
0xa9: {  	s6 =	sadd.s32 @p0 $0x11B8D, s6;
	s7 =	sshll.u32 @p0 s5, $0x11  }
0xaa: {  	s6 =	sor.u32 @p0 s7, s6  }
0xab: {  	[sflag:s6] =	ssyncadd.remote.s32 @p0 $0x1;
	_ =	sdelay $0x1  }
0xac: {  	s6 =	simm.s32 @p0 $0x1B8D  }
0xad: {  	_ =	swait.eq @p0 [sflag:s6], $0x1  }
0xae: {  	[sflag:s6] =	ssyncadd.s32 @p0 $0xFFFFFFFF  }
0xaf: {  	s7 =	sshll.u32 @!p0 s1, $0xE  }
0xb0: {  	s7 =	sor.u32 @!p0 $0x4000, s7;
	s6 =	simm.s32 @!p0 $0x1B8D  }
0xb1: {  	s5 =	sshll.u32 @!p0 s5, $0x11;
	s7 =	sadd.s32 @!p0 $0x11B8D, s7;
	_ =	swait.eq @!p0 [sflag:s6], $0x1  }
0xb2: {  	s5 =	sor.u32 @!p0 s5, s7;
	[sflag:s6] =	ssyncadd.s32 @!p0 $0xFFFFFFFF  }
0xb3: {  	s25 =	simm.s32 $0x1B8E;
	s24 =	sld [smem:$0x3FFE];
	[sflag:s5] =	ssyncadd.remote.s32 @!p0 $0x1  }
0xb4: {  	s26 =	simm.s32 $execute0_lowered;
	[smem:$0x3FD2] =	sst s25  }
0xb5: {  	s6 =	sshll.u32 s26, $0x1;
	_ =	strace $0x8000004C;
	[dreg:$0x1] =	wrdreg $0xFFFFFFFF  }
0xb6: {  	s28 =	simm.s32 $_size_execute0_lowered;
	s4 =	sadd.s32 s4, s6;
	[dreg:$0x0] =	wrdreg $0x0  }
0xb7: {  	s6 =	sshll.u32 s28, $0x1;
	[dreg:$0x2] =	wrdreg s4  }
0xb8: {  	[dreg:$0x3] =	wrdreg s6  }
0xb9: {  	[dreg:$0x4] =	wrdreg $0xC0  }
0xba: {  	_ =	task [dreg:s22], $0x5FFFF  }
0xbb: {  	[dreg:$0x1] =	wrdreg $0xFFFFFFFF  }
0xbc: {  	[dreg:$0x0] =	wrdreg $0x60  }
0xbd: {  	[dreg:$0x2] =	wrdreg s24  }
0xbe: {  	[dreg:$0x3] =	wrdreg s18  }
0xbf: {  	[dreg:$0x4] =	wrdreg $0x0  }
0xc0: {  	[dreg:$0x5] =	wrdreg $0xA  }
0xc1: {  	_ =	task.clear_ibuf [dreg:s22], $0x6FFFF;
	_ =	strace $0x9000004C  }
0xc2: {  	s29 =	simm.s32 $0xA;
	_ =	strace $0x8000004E  }
0xc3: {  	_ =	swait.ge [sflag:s29], $0x1  }
0xc4: {  	[sflag:s29] =	ssyncadd.s32 $0xFFFFFFFF  }
0xc5: {  	_ =	strace $0x9000004E  }
0xc6: {  	_ =	sfence  }
0xc7: {  	s30 =	sld [smem:$0x0];
	_ =	sdelay $0x2  }
0xc8: {  	s31 =	sshll.u32 s1, $0xD;
	s1 =	sshrl.u32 s1, $0x2  }
0xc9: {  	s4 =	sand.u32 $0x4000, s31;
	s1 =	sadd.s32 s1, s30  }
0xca: {  	s0 =	sor.u32 s4, s0;
	s1 =	sshll.u32 s1, $0x11  }
0xcb: {  	s0 =	sor.u32 s1, s0  }
0xcc: {  	s0 =	sadd.s32 $0x8F2B, s0  }
0xcd: {  	[sflag:s0] =	ssyncadd.remote.s32 $0x1  }
0xce: {  	_ =	sfence.sel $0xFFFF  }
0xcf: {  	[dreg:$0x0] =	wrdreg $0xFFFFFFFF;
	(pc) =	sbr.abs _section_cstart, $3  }
0xd0: {  	[dreg:$0x1] =	wrdreg $0xFFFFFFFF  }
0xd1: {  	_ =	task.clear_ibuf [dreg:s22], $0x2FFFF;
	_ =	strace $0x9FFFFFFF  }
0xd2: {  	(tm) =	ssettm $0x7FFFFFFF  }
0xd3: {  	_ =	shalt  }
tec
execute0_lowered:
.L_overlay_start_1:
0x0: {  	(tag) =	ssettag $0x1  }
0x1: {  	s0 =	rddreg [dreg:$0x0]  }
0x2: {  	s3 =	rddreg [dreg:$0x1]  }
0x3: {  	s1 =	rddreg [dreg:$0x2];
	s2 =	simm.s32 $0x0  }
0x4: {  	s4 =	srdreg.scid;
	s8 =	stileid.u32;
	s28 =	simm.s32 $0x1  }
0x5: {  	s29 =	simm.s32 $0x3;
	s30 =	simm.s32 $0x50;
	s31 =	simm.s32 $0x2  }
0x6: {  	[smem:$0x7FF] =	sst s2;
	s11 =	sadd.s32 $0x611000, s0;
	s14 =	sadd.s32 $0x891000, s0  }
0x7: {  	s6 =	sadd.s32 $0x5B9000, s0;
	s4 =	sand.u32 $0x1, s4;
	s7 =	smul.u32 $0x50000, s8  }
0x8: {  	s5 =	sadd.s32 $0x4800, s0;
	s0 =	sadd.s32 $0x2C800, s0;
	s9 =	smul.u32 $0x2800, s8  }
0x9: {  	s21 =	smul.u32 $0x28000, s8;
	_ =	strace $0x8000004D;
	[dreg:$0x6] =	wrdreg s5  }
0xa: {  	s12 =	sshll.u32 s8, $0xE;
	s24 =	sshll.u32 s8, $0xB;
	[dreg:$0x7] =	wrdreg s0  }
0xb: {  	s26 =	sshll.u32 s8, $0x6;
	s18 =	ssub.s32 $0x2, s4;
	[dreg:$0x4] =	wrdreg s11  }
0xc: {  	p0 =	seq.s32 s4, $0x1;
	s13 =	sadd.s32 s6, s24;
	[dreg:$0x5] =	wrdreg s14  }
0xd: {  	s17 =	sor.u32 $0x1C05, s26;
	s24 =	simm.s32 $0x14000;
	s26 =	simm.s32 $0x14080  }
0xe: {  	s19 =	sshrl.u32 s18, $0x1;
	s20 =	sshrl.u32 s7, $0x2;
	s10 =	sadd.s32 s3, s9  }
0xf: {  	s23 =	sadd.s32 s11, s21;
	s25 =	sadd.s32 s14, s21;
	s16 =	sadd.s32 $0x27B00, s21  }
.Ltmp0:
0x10: {  	s3 =	simm.s32 $0x0;
	s0 =	ssub.s32 s18, s19;
	(pc) =	sbr.rel .LBB2_1-.Ltmp0, $4  }
0x11: {  	s22 =	sadd.s32 s20, s1;
	s18 =	sadd.s32 $0x7F0, s13;
	[dreg:$0x8] =	wrdreg s23  }
0x12: {  	s19 =	sadd.s32 $0x500, s23;
	[dreg:$0x9] =	wrdreg s25;
	s20 =	sadd.s32 $0x500, s25  }
0x13: {  	s23 =	simm.s32 $0x14100;
	s25 =	simm.s32 $0x16900;
	s15 =	smax.u32 s0, $0x1  }
0x14: {  	s21 =	sshrl.u32 s22, $0x3;
	s22 =	simm.s32 $0x5;
	s0 =	simm.s32 $0x4  }
.LBB2_7:
0x15: {  	s4 =	sor.u32 s11, s14;
	[sflag:s22] =	ssyncset.done $0x0  }
0x16: {  	s4 =	sor.u32 s12, s4;
	[sflag:s22] =	ssyncadd.s32 $0xFFFFD800  }
0x17: {  	[tilespmem:s25], [sflag:$0x2] =	stream.linear.gather [hbm4b:s7+s2], $0x2800, $0x38;
	[tilespmem:$0x19100] =	vst v63  }
0x18: {  	s4 =	sshrl.u32 s4, $0x3  }
0x19: {  	s4 =	sadd.s32 s6, s4  }
0x1a: {  	[tilespmem:s26], [sflag:$0x4] =	stream.linear.gather [hbm4b:s4+s2], $0x80, $0x38;
	[tilespmem:$0x19100] =	vst v63  }
0x1b: {  	_ =	swait.ge [sflag:s28], $0x2800  }
0x1c: {  	[sflag:s28] =	ssyncset.done $0x0  }
0x1d: {  	[sflag:s28] =	ssyncadd.s32 $0xFFFFD800  }
0x1e: {  	_ =	swait.ge [sflag:s29], $0x80  }
0x1f: {  	[sflag:s29] =	ssyncset.done $0x0  }
0x20: {  	s11 =	sand.u32 $0x7C00, s8;
	[sflag:s29] =	ssyncadd.s32 $0xFFFFFF80  }
0x21: {  	[spmem:s1] =	stream.indirect.scatter.add.f32 [tilespmem:s23], [sflag:$0x5], $0x80, s24, s30, $0xb8;
	[tilespmem:$0x19100] =	vst v63  }
0x22: {  	s5 =	sand.u32 $0x300, s8;
	s4 =	sadd.s32 s12, s11;
	_ =	swait.ge [sflag:s22], $0x2800  }
0x23: {  	s4 =	sor.u32 s5, s4;
	[sflag:s22] =	ssyncset.done $0x0  }
0x24: {  	s14 =	sadd.s32 $0x500, s7;
	s4 =	sshrl.u32 s4, $0x3;
	[sflag:s22] =	ssyncadd.s32 $0xFFFFD800  }
0x25: {  	[tilespmem:s23], [sflag:$0x1] =	stream.linear.gather [hbm4b:s14+s2], $0x2800, $0x38;
	[tilespmem:$0x19100] =	vst v63  }
0x26: {  	s4 =	sadd.s32 s6, s4  }
0x27: {  	[tilespmem:s24], [sflag:$0x3] =	stream.linear.gather [hbm4b:s4+s2], $0x80, $0x38;
	[tilespmem:$0x19100] =	vst v63  }
0x28: {  	_ =	swait.ge [sflag:s31], $0x2800  }
0x29: {  	[sflag:s31] =	ssyncset.done $0x0  }
0x2a: {  	[sflag:s31] =	ssyncadd.s32 $0xFFFFD800  }
0x2b: {  	_ =	swait.ge [sflag:s0], $0x80  }
0x2c: {  	[sflag:s0] =	ssyncset.done $0x0  }
0x2d: {  	[sflag:s0] =	ssyncadd.s32 $0xFFFFFF80  }
0x2e: {  	[spmem:s1] =	stream.indirect.scatter.add.f32 [tilespmem:s25], [sflag:$0x5], $0x80, s26, s30, $0xb8;
	[tilespmem:$0x19100] =	vst v63  }
0x2f: {  	_ =	swait.ge [sflag:s22], $0x2800  }
0x30: {  	[sflag:s22] =	ssyncset.done $0x0;
	s5 =	rddreg [dreg:$0x5]  }
0x31: {  	s4 =	rddreg [dreg:$0x7];
	[sflag:s22] =	ssyncadd.s32 $0xFFFFD800  }
.LBB2_8:
0x32: {  	s5 =	sadd.s32 s5, s16  }
0x33: {  	[tilespmem:s25], [sflag:$0x2] =	stream.linear.gather [hbm4b:s5+s2], $0x2800, $0x38;
	[tilespmem:$0x19100] =	vst v63  }
0x34: {  	_ = 	snop  }
0x35: {  	[tilespmem:s26], [sflag:$0x4] =	stream.linear.gather [hbm4b:s18+s2], $0x80, $0x38;
	[tilespmem:$0x19100] =	vst v63  }
0x36: {  	_ =	swait.ge [sflag:s28], $0x2800  }
0x37: {  	[sflag:s28] =	ssyncset.done $0x0  }
0x38: {  	[sflag:s28] =	ssyncadd.s32 $0xFFFFD800  }
0x39: {  	_ =	swait.ge [sflag:s29], $0x80  }
0x3a: {  	[sflag:s29] =	ssyncset.done $0x0  }
0x3b: {  	[sflag:s29] =	ssyncadd.s32 $0xFFFFFF80  }
0x3c: {  	[spmem:s1] =	stream.indirect.scatter.add.f32 [tilespmem:s23], [sflag:$0x5], $0x80, s24, s30, $0xb8;
	[tilespmem:$0x19100] =	vst v63  }
0x3d: {  	_ =	swait.ge [sflag:s22], $0x2800  }
0x3e: {  	[sflag:s22] =	ssyncset.done $0x0  }
0x3f: {  	[sflag:s22] =	ssyncadd.s32 $0xFFFFD800  }
0x40: {  	_ =	swait.ge [sflag:s31], $0x2800  }
0x41: {  	[sflag:s31] =	ssyncset.done $0x0  }
0x42: {  	[sflag:s31] =	ssyncadd.s32 $0xFFFFD800  }
0x43: {  	_ =	swait.ge [sflag:s0], $0x80  }
0x44: {  	[sflag:s0] =	ssyncset.done $0x0  }
0x45: {  	[sflag:s0] =	ssyncadd.s32 $0xFFFFFF80  }
0x46: {  	[spmem:s1] =	stream.indirect.scatter.add.f32 [tilespmem:s25], [sflag:$0x5], $0x80, s26, s30, $0xb8;
	[tilespmem:$0x19100] =	vst v63  }
0x47: {  	_ =	swait.ge [sflag:s22], $0x2800  }
0x48: {  	s3 =	sadd.s32 $0x1, s3;
	[sflag:s22] =	ssyncset.done $0x0  }
0x49: {  	p1 =	sne.s32 s3, s15;
	[sflag:s22] =	ssyncadd.s32 $0xFFFFD800  }
.Ltmp1:
0x4a: {  	s4 =	sadd.s32 s4, s9;
	[bflag:$0x0] =	sbarrier.arrive $0xFFFF;
	(pc) =	sbr.rel @!p1 .LBB2_9-.Ltmp1, $4  }
0x4b: {  	[hbm:s4], [sflag:s17] =	dma.local [spmem:s21], $0x2800  }
0x4c: {  	_ =	swait.ge [sflag:s22], $0x2800  }
0x4d: {  	[sflag:s22] =	ssyncset.done $0x0  }
0x4e: {  	[sflag:s22] =	ssyncadd.s32 $0xFFFFD800  }
.LBB2_1:
0x4f: {  	[spmem:s21], [sflag:s17] =	dma.local [hbm:s10], $0x2800  }
.Ltmp2:
0x50: {  	_ =	swait.ge [sflag:s22], $0x2800;
	(pc) =	sbr.rel @!p0 .LBB2_2-.Ltmp2, $3  }
0x51: {  	[sflag:s22] =	ssyncset.done $0x0  }
0x52: {  	[sflag:s22] =	ssyncadd.s32 $0xFFFFD800  }
0x53: {  	[bflag:$0x0] =	sbarrier.arrive $0xFFFF;
	_ =	sdelay $0x1  }
0x54: {  	s4 =	rddreg [dreg:$0x9];
	s11 =	simm.s32 $0x80;
	s5 =	simm.s32 $0x0  }
0x55: {  	[tilespmem:s23], [sflag:$0x1] =	stream.linear.gather [hbm4b:s4+s2], $0x2800, $0x38;
	[tilespmem:$0x19100] =	vst v63  }
0x56: {  	s4 =	sand.u32 $0x380, s11;
	s5 =	sand.u32 $0x3C00, s5  }
0x57: {  	s4 =	sor.u32 s4, s5  }
0x58: {  	[tilespmem:s24], [sflag:$0x3] =	stream.linear.gather [hbm4b:s13+s2], $0x80, $0x38;
	[tilespmem:$0x19100] =	vst v63  }
0x59: {  	s4 =	sor.u32 s12, s4  }
0x5a: {  	s4 =	sshrl.u32 s4, $0x3  }
0x5b: {  	[tilespmem:s25], [sflag:$0x2] =	stream.linear.gather [hbm4b:s20+s2], $0x2800, $0x38;
	[tilespmem:$0x19100] =	vst v63  }
0x5c: {  	s4 =	sadd.s32 s6, s4  }
0x5d: {  	[tilespmem:s26], [sflag:$0x4] =	stream.linear.gather [hbm4b:s4+s2], $0x80, $0x38;
	[tilespmem:$0x19100] =	vst v63  }
0x5e: {  	_ =	swait.ge [sflag:s28], $0x2800  }
0x5f: {  	[sflag:s28] =	ssyncset.done $0x0  }
0x60: {  	[sflag:s28] =	ssyncadd.s32 $0xFFFFD800  }
0x61: {  	_ =	swait.ge [sflag:s29], $0x80  }
0x62: {  	s14 =	simm.s32 $0x100;
	[sflag:s29] =	ssyncset.done $0x0  }
0x63: {  	s7 =	sand.u32 $0x7C00, s14;
	[sflag:s29] =	ssyncadd.s32 $0xFFFFFF80  }
0x64: {  	[spmem:s1] =	stream.indirect.scatter.add.f32 [tilespmem:s23], [sflag:$0x5], $0x80, s24, s30, $0xb8;
	[tilespmem:$0x19100] =	vst v63  }
0x65: {  	s5 =	sadd.s32 s12, s7;
	s4 =	sand.u32 $0x300, s14;
	_ =	swait.ge [sflag:s22], $0x2800  }
0x66: {  	s4 =	sor.u32 s4, s5;
	[sflag:s22] =	ssyncset.done $0x0  }
0x67: {  	s8 =	sadd.s32 $0x500, s20;
	s4 =	sshrl.u32 s4, $0x3;
	[sflag:s22] =	ssyncadd.s32 $0xFFFFD800  }
0x68: {  	[tilespmem:s23], [sflag:$0x1] =	stream.linear.gather [hbm4b:s8+s2], $0x2800, $0x38;
	[tilespmem:$0x19100] =	vst v63  }
0x69: {  	s4 =	sadd.s32 s6, s4  }
0x6a: {  	[tilespmem:s24], [sflag:$0x3] =	stream.linear.gather [hbm4b:s4+s2], $0x80, $0x38;
	[tilespmem:$0x19100] =	vst v63  }
0x6b: {  	_ =	swait.ge [sflag:s31], $0x2800  }
0x6c: {  	[sflag:s31] =	ssyncset.done $0x0  }
0x6d: {  	[sflag:s31] =	ssyncadd.s32 $0xFFFFD800  }
0x6e: {  	s11 =	simm.s32 $0x180;
	_ =	swait.ge [sflag:s0], $0x80  }
0x6f: {  	s7 =	sadd.s32 $0xA00, s20;
	s11 =	sand.u32 $0x380, s11;
	[sflag:s0] =	ssyncset.done $0x0  }
0x70: {  	s14 =	simm.s32 $0x100;
	s5 =	simm.s32 $0x300;
	[sflag:s0] =	ssyncadd.s32 $0xFFFFFF80  }
0x71: {  	[spmem:s1] =	stream.indirect.scatter.add.f32 [tilespmem:s25], [sflag:$0x5], $0x80, s26, s30, $0xb8;
	[tilespmem:$0x19100] =	vst v63  }
0x72: {  	s14 =	sand.u32 $0x3C00, s14;
	s8 =	simm.s32 $0x200;
	_ =	swait.ge [sflag:s22], $0x2800  }
.LBB2_6:
0x73: {  	s11 =	sor.u32 s11, s14  }
0x74: {  	[sflag:s22] =	ssyncset.done $0x0;
	s14 =	smov.u32 s5;
	s4 =	sadd.s32 $0x100, s5  }
0x75: {  	p1 =	sne.s32 s5, $0x3F00;
	s5 =	sor.u32 s12, s11;
	[sflag:s22] =	ssyncadd.s32 $0xFFFFD800  }
0x76: {  	[tilespmem:s25], [sflag:$0x2] =	stream.linear.gather [hbm4b:s7+s2], $0x2800, $0x38;
	[tilespmem:$0x19100] =	vst v63  }
0x77: {  	s5 =	sshrl.u32 s5, $0x3  }
0x78: {  	s5 =	sadd.s32 s6, s5  }
0x79: {  	[tilespmem:s26], [sflag:$0x4] =	stream.linear.gather [hbm4b:s5+s2], $0x80, $0x38;
	[tilespmem:$0x19100] =	vst v63  }
0x7a: {  	_ =	swait.ge [sflag:s28], $0x2800  }
0x7b: {  	[sflag:s28] =	ssyncset.done $0x0  }
0x7c: {  	[sflag:s28] =	ssyncadd.s32 $0xFFFFD800  }
0x7d: {  	_ =	swait.ge [sflag:s29], $0x80  }
0x7e: {  	[sflag:s29] =	ssyncset.done $0x0  }
0x7f: {  	s5 =	sand.u32 $0x7C00, s8;
	[sflag:s29] =	ssyncadd.s32 $0xFFFFFF80  }
0x80: {  	[spmem:s1] =	stream.indirect.scatter.add.f32 [tilespmem:s23], [sflag:$0x5], $0x80, s24, s30, $0xb8;
	[tilespmem:$0x19100] =	vst v63  }
0x81: {  	s8 =	sand.u32 $0x300, s8;
	s5 =	sadd.s32 s12, s5;
	_ =	swait.ge [sflag:s22], $0x2800  }
0x82: {  	s5 =	sor.u32 s8, s5;
	s8 =	smov.u32 s14;
	[sflag:s22] =	ssyncset.done $0x0  }
0x83: {  	s11 =	sadd.s32 $0x500, s7;
	s5 =	sshrl.u32 s5, $0x3;
	[sflag:s22] =	ssyncadd.s32 $0xFFFFD800  }
0x84: {  	[tilespmem:s23], [sflag:$0x1] =	stream.linear.gather [hbm4b:s11+s2], $0x2800, $0x38;
	[tilespmem:$0x19100] =	vst v63  }
0x85: {  	s5 =	sadd.s32 s6, s5  }
0x86: {  	[tilespmem:s24], [sflag:$0x3] =	stream.linear.gather [hbm4b:s5+s2], $0x80, $0x38;
	[tilespmem:$0x19100] =	vst v63  }
0x87: {  	_ =	swait.ge [sflag:s31], $0x2800  }
0x88: {  	[sflag:s31] =	ssyncset.done $0x0  }
0x89: {  	[sflag:s31] =	ssyncadd.s32 $0xFFFFD800  }
.Ltmp3:
0x8a: {  	_ =	swait.ge [sflag:s0], $0x80;
	(pc) =	sbr.rel @p1 .LBB2_6-.Ltmp3, $4  }
0x8b: {  	s7 =	sadd.s32 $0xA00, s7;
	s14 =	sadd.s32 $0xFFFFFF00, s8;
	[sflag:s0] =	ssyncset.done $0x0  }
0x8c: {  	s14 =	sand.u32 $0x3C00, s14;
	s5 =	sadd.s32 $0xFFFFFF80, s8;
	[sflag:s0] =	ssyncadd.s32 $0xFFFFFF80  }
0x8d: {  	[spmem:s1] =	stream.indirect.scatter.add.f32 [tilespmem:s25], [sflag:$0x5], $0x80, s26, s30, $0xb8;
	[tilespmem:$0x19100] =	vst v63  }
0x8e: {  	s11 =	sand.u32 $0x380, s5;
	s5 =	smov.u32 s4;
	_ =	swait.ge [sflag:s22], $0x2800  }
.Ltmp4:
0x8f: {  	_ = 	snop;
	(pc) =	sbr.rel .LBB2_7-.Ltmp4, $1  }
0x90: {  	_ =	sdelay $0x3  }
.LBB2_2:
0x91: {  	s4 =	rddreg [dreg:$0x8];
	s11 =	simm.s32 $0x80;
	s5 =	simm.s32 $0x0  }
0x92: {  	[tilespmem:s23], [sflag:$0x1] =	stream.linear.gather [hbm4b:s4+s2], $0x2800, $0x38;
	[tilespmem:$0x19100] =	vst v63  }
0x93: {  	s4 =	sand.u32 $0x380, s11;
	s5 =	sand.u32 $0x3C00, s5  }
0x94: {  	s4 =	sor.u32 s4, s5  }
0x95: {  	[tilespmem:s24], [sflag:$0x3] =	stream.linear.gather [hbm4b:s13+s2], $0x80, $0x38;
	[tilespmem:$0x19100] =	vst v63  }
0x96: {  	s4 =	sor.u32 s12, s4  }
0x97: {  	s4 =	sshrl.u32 s4, $0x3  }
0x98: {  	[tilespmem:s25], [sflag:$0x2] =	stream.linear.gather [hbm4b:s19+s2], $0x2800, $0x38;
	[tilespmem:$0x19100] =	vst v63  }
0x99: {  	s4 =	sadd.s32 s6, s4  }
0x9a: {  	[tilespmem:s26], [sflag:$0x4] =	stream.linear.gather [hbm4b:s4+s2], $0x80, $0x38;
	[tilespmem:$0x19100] =	vst v63  }
0x9b: {  	_ =	swait.ge [sflag:s28], $0x2800  }
0x9c: {  	[sflag:s28] =	ssyncset.done $0x0  }
0x9d: {  	[sflag:s28] =	ssyncadd.s32 $0xFFFFD800  }
0x9e: {  	_ =	swait.ge [sflag:s29], $0x80  }
0x9f: {  	s14 =	simm.s32 $0x100;
	[sflag:s29] =	ssyncset.done $0x0  }
0xa0: {  	s7 =	sand.u32 $0x7C00, s14;
	[sflag:s29] =	ssyncadd.s32 $0xFFFFFF80  }
0xa1: {  	[spmem:s1] =	stream.indirect.scatter.add.f32 [tilespmem:s23], [sflag:$0x5], $0x80, s24, s30, $0xb8;
	[tilespmem:$0x19100] =	vst v63  }
0xa2: {  	s5 =	sadd.s32 s12, s7;
	s4 =	sand.u32 $0x300, s14;
	_ =	swait.ge [sflag:s22], $0x2800  }
0xa3: {  	s4 =	sor.u32 s4, s5;
	[sflag:s22] =	ssyncset.done $0x0  }
0xa4: {  	s8 =	sadd.s32 $0x500, s19;
	s4 =	sshrl.u32 s4, $0x3;
	[sflag:s22] =	ssyncadd.s32 $0xFFFFD800  }
0xa5: {  	[tilespmem:s23], [sflag:$0x1] =	stream.linear.gather [hbm4b:s8+s2], $0x2800, $0x38;
	[tilespmem:$0x19100] =	vst v63  }
0xa6: {  	s4 =	sadd.s32 s6, s4  }
0xa7: {  	[tilespmem:s24], [sflag:$0x3] =	stream.linear.gather [hbm4b:s4+s2], $0x80, $0x38;
	[tilespmem:$0x19100] =	vst v63  }
0xa8: {  	_ =	swait.ge [sflag:s31], $0x2800  }
0xa9: {  	[sflag:s31] =	ssyncset.done $0x0  }
0xaa: {  	[sflag:s31] =	ssyncadd.s32 $0xFFFFD800  }
0xab: {  	s11 =	simm.s32 $0x180;
	_ =	swait.ge [sflag:s0], $0x80  }
0xac: {  	s7 =	sadd.s32 $0xA00, s19;
	s14 =	simm.s32 $0x100;
	[sflag:s0] =	ssyncset.done $0x0  }
0xad: {  	s11 =	sand.u32 $0x380, s11;
	s14 =	sand.u32 $0x3C00, s14;
	[sflag:s0] =	ssyncadd.s32 $0xFFFFFF80  }
0xae: {  	[spmem:s1] =	stream.indirect.scatter.add.f32 [tilespmem:s25], [sflag:$0x5], $0x80, s26, s30, $0xb8;
	[tilespmem:$0x19100] =	vst v63  }
0xaf: {  	s8 =	simm.s32 $0x200;
	s4 =	simm.s32 $0x300;
	_ =	swait.ge [sflag:s22], $0x2800  }
.LBB2_3:
0xb0: {  	s11 =	sor.u32 s11, s14  }
0xb1: {  	[sflag:s22] =	ssyncset.done $0x0;
	s14 =	smov.u32 s4;
	s5 =	sadd.s32 $0x100, s4  }
0xb2: {  	p1 =	seq.s32 s4, $0x3F00;
	s4 =	sor.u32 s12, s11;
	[sflag:s22] =	ssyncadd.s32 $0xFFFFD800  }
0xb3: {  	[tilespmem:s25], [sflag:$0x2] =	stream.linear.gather [hbm4b:s7+s2], $0x2800, $0x38;
	[tilespmem:$0x19100] =	vst v63  }
0xb4: {  	s4 =	sshrl.u32 s4, $0x3  }
0xb5: {  	s4 =	sadd.s32 s6, s4  }
0xb6: {  	[tilespmem:s26], [sflag:$0x4] =	stream.linear.gather [hbm4b:s4+s2], $0x80, $0x38;
	[tilespmem:$0x19100] =	vst v63  }
0xb7: {  	_ =	swait.ge [sflag:s28], $0x2800  }
0xb8: {  	[sflag:s28] =	ssyncset.done $0x0  }
0xb9: {  	[sflag:s28] =	ssyncadd.s32 $0xFFFFD800  }
0xba: {  	_ =	swait.ge [sflag:s29], $0x80  }
0xbb: {  	[sflag:s29] =	ssyncset.done $0x0  }
0xbc: {  	s4 =	sand.u32 $0x7C00, s8;
	[sflag:s29] =	ssyncadd.s32 $0xFFFFFF80  }
0xbd: {  	[spmem:s1] =	stream.indirect.scatter.add.f32 [tilespmem:s23], [sflag:$0x5], $0x80, s24, s30, $0xb8;
	[tilespmem:$0x19100] =	vst v63  }
0xbe: {  	s8 =	sand.u32 $0x300, s8;
	s4 =	sadd.s32 s12, s4;
	_ =	swait.ge [sflag:s22], $0x2800  }
0xbf: {  	s4 =	sor.u32 s8, s4;
	s8 =	smov.u32 s14;
	[sflag:s22] =	ssyncset.done $0x0  }
0xc0: {  	s11 =	sadd.s32 $0x500, s7;
	s4 =	sshrl.u32 s4, $0x3;
	[sflag:s22] =	ssyncadd.s32 $0xFFFFD800  }
0xc1: {  	[tilespmem:s23], [sflag:$0x1] =	stream.linear.gather [hbm4b:s11+s2], $0x2800, $0x38;
	[tilespmem:$0x19100] =	vst v63  }
0xc2: {  	s4 =	sadd.s32 s6, s4  }
0xc3: {  	[tilespmem:s24], [sflag:$0x3] =	stream.linear.gather [hbm4b:s4+s2], $0x80, $0x38;
	[tilespmem:$0x19100] =	vst v63  }
0xc4: {  	_ =	swait.ge [sflag:s31], $0x2800  }
0xc5: {  	[sflag:s31] =	ssyncset.done $0x0  }
0xc6: {  	[sflag:s31] =	ssyncadd.s32 $0xFFFFD800  }
.Ltmp5:
0xc7: {  	_ =	swait.ge [sflag:s0], $0x80;
	(pc) =	sbr.rel @!p1 .LBB2_3-.Ltmp5, $4  }
0xc8: {  	s7 =	sadd.s32 $0xA00, s7;
	s14 =	sadd.s32 $0xFFFFFF00, s8;
	[sflag:s0] =	ssyncset.done $0x0  }
0xc9: {  	s14 =	sand.u32 $0x3C00, s14;
	s4 =	sadd.s32 $0xFFFFFF80, s8;
	[sflag:s0] =	ssyncadd.s32 $0xFFFFFF80  }
0xca: {  	[spmem:s1] =	stream.indirect.scatter.add.f32 [tilespmem:s25], [sflag:$0x5], $0x80, s26, s30, $0xb8;
	[tilespmem:$0x19100] =	vst v63  }
0xcb: {  	s11 =	sand.u32 $0x380, s4;
	s4 =	smov.u32 s5;
	_ =	swait.ge [sflag:s22], $0x2800  }
0xcc: {  	s4 =	sor.u32 s11, s14;
	[sflag:s22] =	ssyncset.done $0x0  }
0xcd: {  	s4 =	sor.u32 s12, s4;
	[sflag:s22] =	ssyncadd.s32 $0xFFFFD800  }
0xce: {  	[tilespmem:s25], [sflag:$0x2] =	stream.linear.gather [hbm4b:s7+s2], $0x2800, $0x38;
	[tilespmem:$0x19100] =	vst v63  }
0xcf: {  	s4 =	sshrl.u32 s4, $0x3  }
0xd0: {  	s4 =	sadd.s32 s6, s4  }
0xd1: {  	[tilespmem:s26], [sflag:$0x4] =	stream.linear.gather [hbm4b:s4+s2], $0x80, $0x38;
	[tilespmem:$0x19100] =	vst v63  }
0xd2: {  	_ =	swait.ge [sflag:s28], $0x2800  }
0xd3: {  	[sflag:s28] =	ssyncset.done $0x0  }
0xd4: {  	[sflag:s28] =	ssyncadd.s32 $0xFFFFD800  }
0xd5: {  	_ =	swait.ge [sflag:s29], $0x80  }
0xd6: {  	[sflag:s29] =	ssyncset.done $0x0  }
0xd7: {  	s11 =	sand.u32 $0x7C00, s8;
	[sflag:s29] =	ssyncadd.s32 $0xFFFFFF80  }
0xd8: {  	[spmem:s1] =	stream.indirect.scatter.add.f32 [tilespmem:s23], [sflag:$0x5], $0x80, s24, s30, $0xb8;
	[tilespmem:$0x19100] =	vst v63  }
0xd9: {  	s5 =	sand.u32 $0x300, s8;
	s4 =	sadd.s32 s12, s11;
	_ =	swait.ge [sflag:s22], $0x2800  }
0xda: {  	s4 =	sor.u32 s5, s4;
	[sflag:s22] =	ssyncset.done $0x0  }
0xdb: {  	s14 =	sadd.s32 $0x500, s7;
	s4 =	sshrl.u32 s4, $0x3;
	[sflag:s22] =	ssyncadd.s32 $0xFFFFD800  }
0xdc: {  	[tilespmem:s23], [sflag:$0x1] =	stream.linear.gather [hbm4b:s14+s2], $0x2800, $0x38;
	[tilespmem:$0x19100] =	vst v63  }
0xdd: {  	s4 =	sadd.s32 s6, s4  }
0xde: {  	[tilespmem:s24], [sflag:$0x3] =	stream.linear.gather [hbm4b:s4+s2], $0x80, $0x38;
	[tilespmem:$0x19100] =	vst v63  }
0xdf: {  	_ =	swait.ge [sflag:s31], $0x2800  }
0xe0: {  	[sflag:s31] =	ssyncset.done $0x0  }
0xe1: {  	[sflag:s31] =	ssyncadd.s32 $0xFFFFD800  }
0xe2: {  	_ =	swait.ge [sflag:s0], $0x80  }
0xe3: {  	[sflag:s0] =	ssyncset.done $0x0  }
.Ltmp6:
0xe4: {  	[sflag:s0] =	ssyncadd.s32 $0xFFFFFF80;
	(pc) =	sbr.rel .LBB2_8-.Ltmp6, $4  }
0xe5: {  	[spmem:s1] =	stream.indirect.scatter.add.f32 [tilespmem:s25], [sflag:$0x5], $0x80, s26, s30, $0xb8;
	[tilespmem:$0x19100] =	vst v63  }
0xe6: {  	_ =	swait.ge [sflag:s22], $0x2800  }
0xe7: {  	[sflag:s22] =	ssyncset.done $0x0;
	s5 =	rddreg [dreg:$0x4]  }
0xe8: {  	s4 =	rddreg [dreg:$0x6];
	[sflag:s22] =	ssyncadd.s32 $0xFFFFD800  }
.LBB2_9:
0xe9: {  	_ =	sfence.sel $0x180000  }
0xea: {  	[bflag:$0x0] =	sbarrier.arrive $0xFFFF  }
0xeb: {  	_ =	strace $0x9000004D  }
0xec: {  	s0 =	stileid.u32;
	[bflag:$0x2] =	sbarrier.arrive $0xFFFF  }
0xed: {  	p0 =	sne.s32 s0, $0x0;
	s0 =	rddreg [dreg:$0x3]  }
0xee: {  	s0 =	sadd.s32 @!p0 $0x100000, s0  }
0xef: {  	[sflag:s0] =	ssyncadd.tile.s32 @!p0 $0x1;
	_ =	shalt  }
.Lfunc_end2:
_tile_overlayer_lowered:
.L_overlay_start_2:
0xf0: {  	(tag) =	ssettag $0x2  }
0xf1: {  	s0 =	rddreg [dreg:$0x0];
	s2 =	stileid.u32  }
0xf2: {  	s1 =	rddreg [dreg:$0x1];
	p0 =	sne.s32 s2, $0x0  }
0xf3: {  	s3 =	rddreg [dreg:$0x2];
	[bflag:$0x3] =	sbarrier.arrive $0xFFFF;
	s2 =	simm.s32 @!p0 $0x1C05  }
0xf4: {  	[timem:s3], [sflag:s2] =	dma.local @!p0 [hbm:s0], s1  }
0xf5: {  	s0 =	simm.s32 @!p0 $0x5  }
0xf6: {  	_ =	swait.ge @!p0 [sflag:s0], s1  }
0xf7: {  	s1 =	ssub.s32 @!p0 $0x0, s1;
	[sflag:s0] =	ssyncset.done @!p0 $0x0  }
0xf8: {  	[sflag:s0] =	ssyncadd.s32 @!p0 s1  }
0xf9: {  	[bflag:$0x3] =	sbarrier.arrive $0xFFFF  }
0xfa: {  	_ =	shalt  }

// kernel: kernel.8.cloned.1.call-start
scs
__scs_entry_jumppad:
0x0: {  	(pc) =	sbr.rel $0x88, $3  }
0x1: {  	(tag) =	ssettag $0x0;
	lr =	simm.s32 $0x1  }
0x2: {  	[smem:$0x3F90] =	sst lr;
	_ =	strace $0xD0000000  }
0x3: {  	_ = 	snop  }
0x4: {  	_ = 	snop  }
0x5: {  	_ = 	snop  }
0x6: {  	_ = 	snop  }
0x7: {  	_ = 	snop  }
__scs_overlays_trampoline_lowered:
0x8: {  	[smem:$0x3F9F] =	sst s0  }
0x9: {  	[smem:$0x3FA0] =	sst s1  }
0xa: {  	[smem:$0x3FA1] =	sst s2  }
0xb: {  	[smem:$0x3FA2] =	sst s3  }
0xc: {  	[smem:$0x3FA3] =	sst s4  }
0xd: {  	[smem:$0x3FA4] =	sst s5  }
0xe: {  	[smem:$0x3FA5] =	sst s6  }
0xf: {  	[smem:$0x3FA6] =	sst s7  }
0x10: {  	[smem:$0x3FA7] =	sst s8  }
0x11: {  	[smem:$0x3FA8] =	sst s9;
	s0 =	simm.s32 @!p0 $0x0  }
0x12: {  	s1 =	sld [smem:$0x3F8E];
	s0 =	simm.s32 @p0 $0x1  }
0x13: {  	[smem:$0x3FA9] =	sst s0;
	s0 =	simm.s32 @!p1 $0x0  }
0x14: {  	s2 =	sld [smem:$0x3F8D];
	s0 =	simm.s32 @p1 $0x1  }
0x15: {  	[smem:$0x3FAA] =	sst s0;
	s0 =	simm.s32 @!p2 $0x0  }
0x16: {  	s3 =	sld [smem:$0x3FDB];
	s0 =	simm.s32 @p2 $0x1  }
0x17: {  	s4 =	simm.s32 $0x1BF5;
	[smem:$0x3FAC] =	sst s0  }
0x18: {  	s0 =	sld [smem:$0x3F8F];
	_ =	swait.ge [sflag:s4], $0x0  }
0x19: {  	s7 =	sld [smem:$0x3F90]  }
0x1a: {  	s8 =	sadd.s32 $0xFFFFE003, lr  }
0x1b: {  	s9 =	sadd.s32 $0xFFFFFEF7, lr;
	s5 =	simm.s32 $0xFFFFFFFF;
	p2 =	slt.u32 s8, $0xFFFFF086  }
0x1c: {  	p1 =	slt.u32 s9, $0xF7A;
	s5 =	simm.s32 @!p2 $0x0  }
0x1d: {  	s5 =	simm.s32 @p1 $0x1;
	p0 =	seq.s32 s7, s2  }
0x1e: {  	s7 =	smul.u32 @!p0 $0xF7A, s2;
	p2 =	seq.s32 @!p0 s5, $0x0  }
0x1f: {  	s9 =	smul.u32 $0xF7A, s1;
	s8 =	simm.s32 @!p0 $0x1BF5;
	p2 =	por !p2, p0  }
0x20: {  	[sflag:s8] =	ssyncset.s32 @!p0 $0xFFFFF086;
	s6 =	sadd.s32 @!p0 s3, s7;
	s7 =	simm.s32 @!p0 $0x108  }
0x21: {  	s3 =	sadd.s32 s3, s9;
	s6 =	sadd.s32 @!p0 $0x88, s6;
	s7 =	simm.s32 @p2 $0x1082  }
0x22: {  	[simem:s7], [sflag:s8] =	dma.local @!p0 [hbm:s6], $0xF7A  }
0x23: {  	s9 =	sor.u32 $0xD0000000, s2;
	s6 =	simm.s32 $0x108;
	_ =	swait.ge @!p0 [sflag:s8], $0x0  }
0x24: {  	s3 =	sadd.s32 $0x88, s3;
	s6 =	simm.s32 @!p1 $0x1082;
	[sflag:s4] =	ssyncset.s32 $0xFFFFF086  }
0x25: {  	[simem:s6], [sflag:s4] =	dma.local [hbm:s3], $0xF7A  }
0x26: {  	[smem:$0x3F90] =	sst s1;
	(tag) =	ssettag s2;
	_ =	strace s9  }
0x27: {  	s1 =	sld [smem:$0x3FA0]  }
0x28: {  	s2 =	sld [smem:$0x3FA1]  }
0x29: {  	s4 =	sld [smem:$0x3FA3]  }
0x2a: {  	p0 =	seq.s32 s5, $0x0;
	s5 =	sld [smem:$0x3FA4]  }
0x2b: {  	s6 =	sld [smem:$0x3FA5]  }
0x2c: {  	s7 =	sld [smem:$0x3FA6]  }
0x2d: {  	s3 =	simm.s32 $0x108;
	s8 =	sld [smem:$0x3FA7]  }
0x2e: {  	s3 =	simm.s32 @!p0 $0x1082;
	s9 =	sld [smem:$0x3FA8]  }
0x2f: {  	lr =	sadd.s32 s0, s3;
	s0 =	sld [smem:$0x3F9F]  }
0x30: {  	s3 =	sld [smem:$0x3FA2]  }
0x31: {  	[smem:$0x3FAB] =	sst s10  }
0x32: {  	s10 =	sld [smem:$0x3FA9];
	_ =	sdelay $0x3  }
0x33: {  	p0 =	seq.s32 s10, $0x1;
	s10 =	sld [smem:$0x3FAB];
	_ =	sdelay $0x3  }
0x34: {  	[smem:$0x3FAB] =	sst s10  }
0x35: {  	s10 =	sld [smem:$0x3FAA];
	_ =	sdelay $0x3  }
0x36: {  	p1 =	seq.s32 s10, $0x1;
	s10 =	sld [smem:$0x3FAB];
	_ =	sdelay $0x3  }
0x37: {  	[smem:$0x3FAB] =	sst s10  }
0x38: {  	s10 =	sld [smem:$0x3FAC]  }
0x39: {  	_ = 	snop;
	(pc) =	sbr.ind lr, $3  }
0x3a: {  	_ = 	snop  }
0x3b: {  	_ = 	snop  }
0x3c: {  	p2 =	seq.s32 s10, $0x1;
	s10 =	sld [smem:$0x3FAB]  }
0x3d: {  	_ =	shalt  }
0x3e: {  	_ =	shalt  }
0x3f: {  	_ =	shalt  }
0x40: {  	_ =	shalt  }
0x41: {  	_ =	shalt  }
0x42: {  	_ =	shalt  }
0x43: {  	_ =	shalt  }
0x44: {  	_ =	shalt  }
0x45: {  	_ =	shalt  }
0x46: {  	_ =	shalt  }
0x47: {  	_ =	shalt  }
0x48: {  	_ =	shalt  }
0x49: {  	_ =	shalt  }
0x4a: {  	_ =	shalt  }
0x4b: {  	_ =	shalt  }
0x4c: {  	_ =	shalt  }
0x4d: {  	_ =	shalt  }
0x4e: {  	_ =	shalt  }
0x4f: {  	_ =	shalt  }
0x50: {  	_ =	shalt  }
0x51: {  	_ =	shalt  }
0x52: {  	_ =	shalt  }
0x53: {  	_ =	shalt  }
0x54: {  	_ =	shalt  }
0x55: {  	_ =	shalt  }
0x56: {  	_ =	shalt  }
0x57: {  	_ =	shalt  }
0x58: {  	_ =	shalt  }
0x59: {  	_ =	shalt  }
0x5a: {  	_ =	shalt  }
0x5b: {  	_ =	shalt  }
0x5c: {  	_ =	shalt  }
0x5d: {  	_ =	shalt  }
0x5e: {  	_ =	shalt  }
0x5f: {  	_ =	shalt  }
0x60: {  	_ =	shalt  }
0x61: {  	_ =	shalt  }
0x62: {  	_ =	shalt  }
0x63: {  	_ =	shalt  }
0x64: {  	_ =	shalt  }
0x65: {  	_ =	shalt  }
0x66: {  	_ =	shalt  }
0x67: {  	_ =	shalt  }
0x68: {  	_ =	shalt  }
0x69: {  	_ =	shalt  }
0x6a: {  	_ =	shalt  }
0x6b: {  	_ =	shalt  }
0x6c: {  	_ =	shalt  }
0x6d: {  	_ =	shalt  }
0x6e: {  	_ =	shalt  }
0x6f: {  	_ =	shalt  }
0x70: {  	_ =	shalt  }
0x71: {  	_ =	shalt  }
0x72: {  	_ =	shalt  }
0x73: {  	_ =	shalt  }
0x74: {  	_ =	shalt  }
0x75: {  	_ =	shalt  }
0x76: {  	_ =	shalt  }
0x77: {  	_ =	shalt  }
0x78: {  	_ =	shalt  }
0x79: {  	_ =	shalt  }
0x7a: {  	_ =	shalt  }
0x7b: {  	_ =	shalt  }
0x7c: {  	_ =	shalt  }
0x7d: {  	_ =	shalt  }
0x7e: {  	_ =	shalt  }
0x7f: {  	_ =	shalt  }
0x80: {  	_ =	shalt  }
0x81: {  	_ =	shalt  }
0x82: {  	_ =	shalt  }
0x83: {  	_ =	shalt  }
0x84: {  	_ =	shalt  }
0x85: {  	_ =	shalt  }
0x86: {  	_ =	shalt  }
0x87: {  	_ =	shalt  }
.Lfunc_end0:
.L_simem_size_0:
called_computation_lowered:
.L_overlay_start_0:
0x88: {  	s2 =	sld [smem:$0x3FD9]  }
0x89: {  	s3 =	sld [smem:$0x3FFE];
	_ =	sdelay $0x1  }
0x8a: {  	s1 =	srdreg.scid  }
0x8b: {  	s0 =	sand.u32 $0x1, s1  }
0x8c: {  	s16 =	sshll.u32 s0, $0xA;
	s2 =	sadd.s32 s3, s2  }
0x8d: {  	s2 =	sadd.s32 s2, s16  }
0x8e: {  	[smem:$0x3FB7] =	sst s2  }
0x8f: {  	_ = 	snop  }
0x90: {  	(tm) =	ssettm $0x1  }
0x91: {  	s17 =	sld [smem:$0x3FFB];
	_ =	sdelay $0x3  }
0x92: {  	_ =	strace s17  }
0x93: {  	s2 =	sld [smem:$0x3FFC];
	_ =	sdelay $0x3  }
0x94: {  	_ =	strace s2  }
0x95: {  	s2 =	sld [smem:$0x3FFD];
	_ =	sdelay $0x3  }
0x96: {  	_ =	strace s2  }
0x97: {  	_ =	strace $0x8FFFFFFF  }
0x98: {  	s18 =	sld [smem:$0x3FDB];
	_ =	sdelay $0x1  }
0x99: {  	s19 =	simm.s32 $_scs_section_size  }
0x9a: {  	s4 =	simm.s32 $_size__tile_overlayer_lowered;
	s5 =	simm.s32 $_tile_overlayer_lowered  }
0x9b: {  	s22 =	simm.s32 $0x1BFF;
	s21 =	sshll.u32 s5, $0x1;
	s2 =	sadd.s32 s19, s18  }
0x9c: {  	s6 =	simm.s32 $0x0;
	s20 =	sshll.u32 s4, $0x1;
	s4 =	sadd.s32 s21, s2  }
0x9d: {  	[timem:s6], [sflag:s22] =	dma.local [hbm:s4], s20  }
0x9e: {  	_ =	swait.ge [sflag:s22], s20  }
0x9f: {  	s3 =	ssub.s32 $0x0, s20;
	[sflag:s22] =	ssyncset.done $0x0  }
0xa0: {  	[sflag:s22] =	ssyncadd.s32 s3;
	_ =	sdelay $0x1  }
0xa1: {  	s23 =	simm.s32 $0x1B8B  }
0xa2: {  	_ =	swait.ge [sflag:s23], $0x1  }
0xa3: {  	[sflag:s23] =	ssyncset.done $0x0  }
0xa4: {  	s25 =	simm.s32 $0x1B8E;
	s24 =	sld [smem:$0x3FFE];
	[sflag:s23] =	ssyncadd.s32 $0xFFFFFFFF  }
0xa5: {  	s26 =	simm.s32 $execute0_lowered;
	[smem:$0x3FD2] =	sst s25  }
0xa6: {  	s4 =	sshll.u32 s26, $0x1;
	_ =	strace $0x80000046;
	[dreg:$0x1] =	wrdreg $0xFFFFFFFF  }
0xa7: {  	s28 =	simm.s32 $_size_execute0_lowered;
	s2 =	sadd.s32 s2, s4;
	[dreg:$0x0] =	wrdreg $0x0  }
0xa8: {  	s4 =	sshll.u32 s28, $0x1;
	[dreg:$0x2] =	wrdreg s2  }
0xa9: {  	[dreg:$0x3] =	wrdreg s4  }
0xaa: {  	[dreg:$0x4] =	wrdreg $0xC0  }
0xab: {  	_ =	task [dreg:s6], $0x5FFFF  }
0xac: {  	[dreg:$0x1] =	wrdreg $0xFFFFFFFF  }
0xad: {  	[dreg:$0x0] =	wrdreg $0x60  }
0xae: {  	[dreg:$0x2] =	wrdreg s24  }
0xaf: {  	[dreg:$0x3] =	wrdreg $0xA  }
0xb0: {  	_ =	task.clear_ibuf [dreg:s6], $0x4FFFF;
	_ =	strace $0x90000046  }
0xb1: {  	s29 =	simm.s32 $0xA;
	_ =	strace $0x80000048  }
0xb2: {  	_ =	swait.ge [sflag:s29], $0x1  }
0xb3: {  	[sflag:s29] =	ssyncadd.s32 $0xFFFFFFFF  }
0xb4: {  	_ =	strace $0x90000048  }
0xb5: {  	_ =	sfence  }
0xb6: {  	s30 =	sld [smem:$0x0];
	_ =	sdelay $0x2  }
0xb7: {  	s31 =	sshll.u32 s1, $0xD;
	s1 =	sshrl.u32 s1, $0x2  }
0xb8: {  	s3 =	sand.u32 $0x4000, s31;
	s1 =	sadd.s32 s1, s30  }
0xb9: {  	s0 =	sor.u32 s3, s0;
	s1 =	sshll.u32 s1, $0x11  }
0xba: {  	s0 =	sor.u32 s1, s0  }
0xbb: {  	s0 =	sadd.s32 $0x8F2B, s0  }
0xbc: {  	[sflag:s0] =	ssyncadd.remote.s32 $0x1  }
0xbd: {  	_ =	sfence.sel $0xFFFF  }
0xbe: {  	[dreg:$0x0] =	wrdreg $0xFFFFFFFF;
	(pc) =	sbr.abs _section_cstart, $3  }
0xbf: {  	[dreg:$0x1] =	wrdreg $0xFFFFFFFF  }
0xc0: {  	_ =	task.clear_ibuf [dreg:s6], $0x2FFFF;
	_ =	strace $0x9FFFFFFF  }
0xc1: {  	(tm) =	ssettm $0x7FFFFFFF  }
tec
execute0_lowered:
.L_overlay_start_1:
0x0: {  	(tag) =	ssettag $0x1  }
0x1: {  	s0 =	rddreg [dreg:$0x0];
	s1 =	srdreg.scid  }
0x2: {  	s10 =	stileid.u32;
	s2 =	simm.s32 $0x0;
	s28 =	simm.s32 $0xB800  }
0x3: {  	s29 =	simm.s32 $0x1;
	s30 =	simm.s32 $0x3;
	s31 =	simm.s32 $0x5  }
0x4: {  	s1 =	sand.u32 $0x1, s1;
	s3 =	sshll.u32 s10, $0x1;
	[smem:$0x7FF] =	sst s2  }
0x5: {  	s4 =	sadd.s32 $0x3BA00, s0;
	s8 =	sadd.s32 $0xB1000, s0;
	s26 =	smul.u32 $0x28000, s10  }
0x6: {  	s5 =	sor.u32 s1, s3;
	_ =	strace $0x80000047;
	s3 =	sadd.s32 $0x14800, s0  }
0x7: {  	s7 =	ssub.s32 $0x2, s1;
	s16 =	smul.u32 $0x14000, s1;
	s6 =	sshll.u32 s5, $0xA  }
0x8: {  	s1 =	simm.s32 $0x4;
	s9 =	sshrl.u32 s7, $0x1;
	s6 =	sadd.s32 s6, s0  }
0x9: {  	s5 =	smul.u32 $0x14000, s5;
	s0 =	sadd.s32 $0x331000, s0;
	s17 =	sadd.s32 $0x4800, s6  }
0xa: {  	s7 =	ssub.s32 s7, s9;
	s6 =	sadd.s32 $0xC800, s6;
	[dreg:$0x2] =	wrdreg s17  }
0xb: {  	s18 =	smax.u32 s7, $0x1;
	s19 =	sadd.s32 s8, s5;
	[dreg:$0x3] =	wrdreg s6  }
0xc: {  	s20 =	sadd.s32 s0, s5;
	s21 =	sor.u32 $0x500, s5;
	[dreg:$0x4] =	wrdreg s18  }
0xd: {  	s22 =	sadd.s32 $0x13600, s5;
	s5 =	sadd.s32 $0x13B00, s5;
	[dreg:$0x5] =	wrdreg s19  }
0xe: {  	[dreg:$0x6] =	wrdreg s20;
	s23 =	sadd.s32 s8, s21;
	s6 =	sadd.s32 s0, s21  }
0xf: {  	s24 =	sadd.s32 s8, s22;
	s25 =	sadd.s32 s0, s22;
	s14 =	sadd.s32 s8, s5  }
0x10: {  	s15 =	sadd.s32 s0, s5;
	s17 =	sadd.s32 s26, s8;
	s18 =	sadd.s32 s26, s0  }
0x11: {  	s19 =	simm.s32 $0x9;
	s20 =	simm.s32 $0x2000;
	[dreg:$0x7] =	wrdreg s23  }
0x12: {  	s21 =	simm.s32 $0x50;
	s22 =	simm.s32 $0x4000;
	[dreg:$0x8] =	wrdreg s6  }
0x13: {  	s0 =	simm.s32 $0x7;
	s26 =	simm.s32 $0x2;
	[dreg:$0x9] =	wrdreg s24  }
0x14: {  	s5 =	simm.s32 $0x8;
	[dreg:$0xa] =	wrdreg s25;
	s23 =	simm.s32 $0x9000  }
0x15: {  	s25 =	simm.s32 $0x6800;
	s24 =	simm.s32 $0x6;
	s6 =	simm.s32 $0x0  }
.LBB2_1:
0x16: {  	s7 =	rddreg [dreg:$0x2]  }
0x17: {  	[tilespmem:s2], [sflag:$0x9] =	stream.linear.gather [hbm4b:s7+s2], $0x2000, $0x38;
	[tilespmem:$0xE000] =	vst v63  }
0x18: {  	_ =	swait.ge [sflag:s19], $0x2000  }
0x19: {  	[sflag:s19] =	ssyncset.done $0x0  }
0x1a: {  	s11 =	rddreg [dreg:$0x3];
	[sflag:s19] =	ssyncadd.s32 $0xFFFFE000  }
0x1b: {  	[tilespmem:s20], [sflag:$0x9] =	stream.linear.gather [hbm4b:s11+s2], $0x2000, $0x38;
	[tilespmem:$0xE000] =	vst v63  }
0x1c: {  	_ =	swait.ge [sflag:s19], $0x2000  }
0x1d: {  	[sflag:s19] =	ssyncset.done $0x0  }
0x1e: {  	[sflag:s19] =	ssyncadd.s32 $0xFFFFE000  }
0x1f: {  	[tilespmem:s22], [sflag:$0x1] =	stream.indirect.gather [hbm4b:s3+s21], $0x80, s2, s21, $0xb8;
	[tilespmem:$0xE000] =	vst v63  }
0x20: {  	_ = 	snop  }
0x21: {  	[tilespmem:s23], [sflag:$0x3] =	stream.indirect.gather [hbm4b:s4+s21], $0x80, s20, s21, $0xb8;
	[tilespmem:$0xE000] =	vst v63  }
0x22: {  	s12 =	simm.s32 $0x80  }
0x23: {  	[tilespmem:s25], [sflag:$0x2] =	stream.indirect.gather [hbm4b:s3+s21], $0x80, s12, s21, $0xb8;
	[tilespmem:$0xE000] =	vst v63  }
0x24: {  	s13 =	simm.s32 $0x2080  }
0x25: {  	[tilespmem:s28], [sflag:$0x4] =	stream.indirect.gather [hbm4b:s4+s21], $0x80, s13, s21, $0xb8;
	[tilespmem:$0xE000] =	vst v63  }
0x26: {  	_ =	swait.ge [sflag:s29], $0x2800  }
0x27: {  	[sflag:s29] =	ssyncset.done $0x0  }
0x28: {  	[sflag:s29] =	ssyncadd.s32 $0xFFFFD800  }
0x29: {  	_ =	swait.ge [sflag:s30], $0x2800  }
0x2a: {  	[sflag:s30] =	ssyncset.done $0x0  }
0x2b: {  	s8 =	rddreg [dreg:$0x5];
	[sflag:s30] =	ssyncadd.s32 $0xFFFFD800  }
0x2c: {  	[hbm4b:s8+s2] =	stream.linear.scatter [tilespmem:s22], [sflag:$0x5], $0x2800, $0x38;
	[tilespmem:$0xE000] =	vst v63  }
0x2d: {  	s9 =	rddreg [dreg:$0x6]  }
0x2e: {  	[hbm4b:s9+s2] =	stream.linear.scatter [tilespmem:s23], [sflag:$0x7], $0x2800, $0x38;
	[tilespmem:$0xE000] =	vst v63  }
0x2f: {  	_ =	swait.ge [sflag:s31], $0x2800  }
0x30: {  	[sflag:s31] =	ssyncset.done $0x0  }
0x31: {  	[sflag:s31] =	ssyncadd.s32 $0xFFFFD800  }
0x32: {  	_ =	swait.ge [sflag:s0], $0x2800  }
0x33: {  	[sflag:s0] =	ssyncset.done $0x0  }
0x34: {  	s10 =	simm.s32 $0x100;
	[sflag:s0] =	ssyncadd.s32 $0xFFFFD800  }
0x35: {  	[tilespmem:s22], [sflag:$0x1] =	stream.indirect.gather [hbm4b:s3+s21], $0x80, s10, s21, $0xb8;
	[tilespmem:$0xE000] =	vst v63  }
0x36: {  	s11 =	simm.s32 $0x2100  }
0x37: {  	[tilespmem:s23], [sflag:$0x3] =	stream.indirect.gather [hbm4b:s4+s21], $0x80, s11, s21, $0xb8;
	[tilespmem:$0xE000] =	vst v63  }
0x38: {  	_ =	swait.ge [sflag:s26], $0x2800  }
0x39: {  	[sflag:s26] =	ssyncset.done $0x0  }
0x3a: {  	[sflag:s26] =	ssyncadd.s32 $0xFFFFD800  }
0x3b: {  	_ =	swait.ge [sflag:s1], $0x2800  }
0x3c: {  	[sflag:s1] =	ssyncset.done $0x0  }
0x3d: {  	s12 =	rddreg [dreg:$0x7];
	[sflag:s1] =	ssyncadd.s32 $0xFFFFD800  }
0x3e: {  	[hbm4b:s12+s2] =	stream.linear.scatter [tilespmem:s25], [sflag:$0x6], $0x2800, $0x38;
	[tilespmem:$0xE000] =	vst v63  }
0x3f: {  	s13 =	rddreg [dreg:$0x8]  }
0x40: {  	[hbm4b:s13+s2] =	stream.linear.scatter [tilespmem:s28], [sflag:$0x8], $0x2800, $0x38;
	[tilespmem:$0xE000] =	vst v63  }
0x41: {  	_ =	swait.ge [sflag:s24], $0x2800  }
0x42: {  	[sflag:s24] =	ssyncset.done $0x0  }
0x43: {  	[sflag:s24] =	ssyncadd.s32 $0xFFFFD800  }
0x44: {  	_ =	swait.ge [sflag:s5], $0x2800  }
0x45: {  	[sflag:s5] =	ssyncset.done $0x0  }
0x46: {  	s8 =	simm.s32 $0x180;
	[sflag:s5] =	ssyncadd.s32 $0xFFFFD800  }
0x47: {  	[tilespmem:s25], [sflag:$0x2] =	stream.indirect.gather [hbm4b:s3+s21], $0x80, s8, s21, $0xb8;
	[tilespmem:$0xE000] =	vst v63  }
0x48: {  	s9 =	simm.s32 $0x2180  }
0x49: {  	[tilespmem:s28], [sflag:$0x4] =	stream.indirect.gather [hbm4b:s4+s21], $0x80, s9, s21, $0xb8;
	[tilespmem:$0xE000] =	vst v63  }
0x4a: {  	_ =	swait.ge [sflag:s29], $0x2800  }
0x4b: {  	[sflag:s29] =	ssyncset.done $0x0  }
0x4c: {  	[sflag:s29] =	ssyncadd.s32 $0xFFFFD800  }
0x4d: {  	_ =	swait.ge [sflag:s30], $0x2800  }
0x4e: {  	s10 =	sadd.s32 s17, s16;
	[sflag:s30] =	ssyncset.done $0x0  }
0x4f: {  	s8 =	sadd.s32 $0xA00, s10;
	s9 =	sadd.s32 s18, s16;
	[sflag:s30] =	ssyncadd.s32 $0xFFFFD800  }
0x50: {  	[hbm4b:s8+s2] =	stream.linear.scatter [tilespmem:s22], [sflag:$0x5], $0x2800, $0x38;
	[tilespmem:$0xE000] =	vst v63  }
0x51: {  	s11 =	sadd.s32 $0xA00, s9  }
0x52: {  	[hbm4b:s11+s2] =	stream.linear.scatter [tilespmem:s23], [sflag:$0x7], $0x2800, $0x38;
	[tilespmem:$0xE000] =	vst v63  }
0x53: {  	_ =	swait.ge [sflag:s31], $0x2800  }
0x54: {  	[sflag:s31] =	ssyncset.done $0x0  }
0x55: {  	[sflag:s31] =	ssyncadd.s32 $0xFFFFD800  }
0x56: {  	_ =	swait.ge [sflag:s0], $0x2800  }
0x57: {  	[sflag:s0] =	ssyncset.done $0x0  }
0x58: {  	s12 =	simm.s32 $0x200;
	[sflag:s0] =	ssyncadd.s32 $0xFFFFD800  }
0x59: {  	[tilespmem:s22], [sflag:$0x1] =	stream.indirect.gather [hbm4b:s3+s21], $0x80, s12, s21, $0xb8;
	[tilespmem:$0xE000] =	vst v63  }
0x5a: {  	s13 =	simm.s32 $0x2200  }
0x5b: {  	[tilespmem:s23], [sflag:$0x3] =	stream.indirect.gather [hbm4b:s4+s21], $0x80, s13, s21, $0xb8;
	[tilespmem:$0xE000] =	vst v63  }
0x5c: {  	_ =	swait.ge [sflag:s26], $0x2800  }
0x5d: {  	[sflag:s26] =	ssyncset.done $0x0  }
0x5e: {  	[sflag:s26] =	ssyncadd.s32 $0xFFFFD800  }
0x5f: {  	_ =	swait.ge [sflag:s1], $0x2800  }
0x60: {  	[sflag:s1] =	ssyncset.done $0x0  }
0x61: {  	s7 =	sadd.s32 $0xF00, s10;
	s10 =	sadd.s32 $0xF00, s9;
	[sflag:s1] =	ssyncadd.s32 $0xFFFFD800  }
0x62: {  	[hbm4b:s7+s2] =	stream.linear.scatter [tilespmem:s25], [sflag:$0x6], $0x2800, $0x38;
	[tilespmem:$0xE000] =	vst v63  }
0x63: {  	s9 =	sadd.s32 $0xA00, s18;
	s8 =	sadd.s32 $0xA00, s17;
	s7 =	simm.s32 $0x400  }
.LBB2_2:
0x64: {  	[hbm4b:s10+s2] =	stream.linear.scatter [tilespmem:s28], [sflag:$0x8], $0x2800, $0x38;
	[tilespmem:$0xE000] =	vst v63  }
0x65: {  	s10 =	smov.u32 s7  }
0x66: {  	p0 =	sne.s32 s7, $0x7400;
	s7 =	sadd.s32 $0x400, s7;
	_ =	swait.ge [sflag:s24], $0x2800  }
0x67: {  	[sflag:s24] =	ssyncset.done $0x0  }
0x68: {  	[sflag:s24] =	ssyncadd.s32 $0xFFFFD800  }
0x69: {  	_ =	swait.ge [sflag:s5], $0x2800  }
0x6a: {  	s10 =	sshra.s32 s10, $0x2;
	[sflag:s5] =	ssyncset.done $0x0  }
0x6b: {  	s11 =	sadd.s32 $0x180, s10;
	[sflag:s5] =	ssyncadd.s32 $0xFFFFD800  }
0x6c: {  	[tilespmem:s25], [sflag:$0x2] =	stream.indirect.gather [hbm4b:s3+s21], $0x80, s11, s21, $0xb8;
	[tilespmem:$0xE000] =	vst v63  }
0x6d: {  	s11 =	sadd.s32 $0x2180, s10  }
0x6e: {  	[tilespmem:s28], [sflag:$0x4] =	stream.indirect.gather [hbm4b:s4+s21], $0x80, s11, s21, $0xb8;
	[tilespmem:$0xE000] =	vst v63  }
0x6f: {  	_ =	swait.ge [sflag:s29], $0x2800  }
0x70: {  	[sflag:s29] =	ssyncset.done $0x0  }
0x71: {  	[sflag:s29] =	ssyncadd.s32 $0xFFFFD800  }
0x72: {  	_ =	swait.ge [sflag:s30], $0x2800  }
0x73: {  	s11 =	sadd.s32 s8, s16;
	[sflag:s30] =	ssyncset.done $0x0  }
0x74: {  	s13 =	sadd.s32 s9, s16;
	s12 =	sadd.s32 $0xA00, s11;
	[sflag:s30] =	ssyncadd.s32 $0xFFFFD800  }
0x75: {  	[hbm4b:s12+s2] =	stream.linear.scatter [tilespmem:s22], [sflag:$0x5], $0x2800, $0x38;
	[tilespmem:$0xE000] =	vst v63  }
0x76: {  	s12 =	sadd.s32 $0xA00, s13  }
0x77: {  	[hbm4b:s12+s2] =	stream.linear.scatter [tilespmem:s23], [sflag:$0x7], $0x2800, $0x38;
	[tilespmem:$0xE000] =	vst v63  }
0x78: {  	_ =	swait.ge [sflag:s31], $0x2800  }
0x79: {  	[sflag:s31] =	ssyncset.done $0x0  }
0x7a: {  	[sflag:s31] =	ssyncadd.s32 $0xFFFFD800  }
0x7b: {  	_ =	swait.ge [sflag:s0], $0x2800  }
0x7c: {  	[sflag:s0] =	ssyncset.done $0x0  }
0x7d: {  	s12 =	sadd.s32 $0x200, s10;
	[sflag:s0] =	ssyncadd.s32 $0xFFFFD800  }
0x7e: {  	[tilespmem:s22], [sflag:$0x1] =	stream.indirect.gather [hbm4b:s3+s21], $0x80, s12, s21, $0xb8;
	[tilespmem:$0xE000] =	vst v63  }
0x7f: {  	s10 =	sadd.s32 $0x2200, s10  }
0x80: {  	[tilespmem:s23], [sflag:$0x3] =	stream.indirect.gather [hbm4b:s4+s21], $0x80, s10, s21, $0xb8;
	[tilespmem:$0xE000] =	vst v63  }
0x81: {  	_ =	swait.ge [sflag:s26], $0x2800  }
0x82: {  	[sflag:s26] =	ssyncset.done $0x0  }
0x83: {  	[sflag:s26] =	ssyncadd.s32 $0xFFFFD800  }
.Ltmp0:
0x84: {  	_ =	swait.ge [sflag:s1], $0x2800;
	(pc) =	sbr.rel @p0 .LBB2_2-.Ltmp0, $4  }
0x85: {  	[sflag:s1] =	ssyncset.done $0x0  }
0x86: {  	s10 =	sadd.s32 $0xF00, s11;
	[sflag:s1] =	ssyncadd.s32 $0xFFFFD800  }
0x87: {  	[hbm4b:s10+s2] =	stream.linear.scatter [tilespmem:s25], [sflag:$0x6], $0x2800, $0x38;
	[tilespmem:$0xE000] =	vst v63  }
0x88: {  	s9 =	sadd.s32 $0xA00, s9;
	s8 =	sadd.s32 $0xA00, s8;
	s10 =	sadd.s32 $0xF00, s13  }
0x89: {  	[hbm4b:s10+s2] =	stream.linear.scatter [tilespmem:s28], [sflag:$0x8], $0x2800, $0x38;
	[tilespmem:$0xE000] =	vst v63  }
0x8a: {  	_ =	swait.ge [sflag:s24], $0x2800  }
0x8b: {  	[sflag:s24] =	ssyncset.done $0x0  }
0x8c: {  	[sflag:s24] =	ssyncadd.s32 $0xFFFFD800  }
0x8d: {  	_ =	swait.ge [sflag:s5], $0x2800  }
0x8e: {  	[sflag:s5] =	ssyncset.done $0x0  }
0x8f: {  	s7 =	simm.s32 $0x1F80;
	[sflag:s5] =	ssyncadd.s32 $0xFFFFD800  }
0x90: {  	[tilespmem:s25], [sflag:$0x2] =	stream.indirect.gather [hbm4b:s3+s21], $0x80, s7, s21, $0xb8;
	[tilespmem:$0xE000] =	vst v63  }
0x91: {  	s10 =	simm.s32 $0x3F80  }
0x92: {  	[tilespmem:s28], [sflag:$0x4] =	stream.indirect.gather [hbm4b:s4+s21], $0x80, s10, s21, $0xb8;
	[tilespmem:$0xE000] =	vst v63  }
0x93: {  	_ =	swait.ge [sflag:s29], $0x2800  }
0x94: {  	[sflag:s29] =	ssyncset.done $0x0  }
0x95: {  	[sflag:s29] =	ssyncadd.s32 $0xFFFFD800  }
0x96: {  	_ =	swait.ge [sflag:s30], $0x2800  }
0x97: {  	[sflag:s30] =	ssyncset.done $0x0  }
0x98: {  	s11 =	rddreg [dreg:$0x9];
	[sflag:s30] =	ssyncadd.s32 $0xFFFFD800  }
0x99: {  	[hbm4b:s11+s2] =	stream.linear.scatter [tilespmem:s22], [sflag:$0x5], $0x2800, $0x38;
	[tilespmem:$0xE000] =	vst v63  }
0x9a: {  	s12 =	rddreg [dreg:$0xa]  }
0x9b: {  	[hbm4b:s12+s2] =	stream.linear.scatter [tilespmem:s23], [sflag:$0x7], $0x2800, $0x38;
	[tilespmem:$0xE000] =	vst v63  }
0x9c: {  	_ =	swait.ge [sflag:s26], $0x2800  }
0x9d: {  	[sflag:s26] =	ssyncset.done $0x0  }
0x9e: {  	[sflag:s26] =	ssyncadd.s32 $0xFFFFD800  }
0x9f: {  	_ =	swait.ge [sflag:s1], $0x2800  }
0xa0: {  	[sflag:s1] =	ssyncset.done $0x0  }
0xa1: {  	[sflag:s1] =	ssyncadd.s32 $0xFFFFD800  }
0xa2: {  	[hbm4b:s14+s2] =	stream.linear.scatter [tilespmem:s25], [sflag:$0x6], $0x2800, $0x38;
	[tilespmem:$0xE000] =	vst v63  }
0xa3: {  	_ = 	snop  }
0xa4: {  	[hbm4b:s15+s2] =	stream.linear.scatter [tilespmem:s28], [sflag:$0x8], $0x2800, $0x38;
	[tilespmem:$0xE000] =	vst v63  }
0xa5: {  	_ =	swait.ge [sflag:s31], $0x2800  }
0xa6: {  	[sflag:s31] =	ssyncset.done $0x0  }
0xa7: {  	[sflag:s31] =	ssyncadd.s32 $0xFFFFD800  }
0xa8: {  	_ =	swait.ge [sflag:s24], $0x2800  }
0xa9: {  	[sflag:s24] =	ssyncset.done $0x0  }
0xaa: {  	[sflag:s24] =	ssyncadd.s32 $0xFFFFD800  }
0xab: {  	_ =	swait.ge [sflag:s0], $0x2800  }
0xac: {  	[sflag:s0] =	ssyncset.done $0x0  }
0xad: {  	[sflag:s0] =	ssyncadd.s32 $0xFFFFD800  }
0xae: {  	_ =	swait.ge [sflag:s5], $0x2800  }
0xaf: {  	s6 =	sadd.s32 $0x1, s6;
	s13 =	rddreg [dreg:$0x4]  }
0xb0: {  	p0 =	sne.s32 s6, s13  }
.Ltmp1:
0xb1: {  	_ = 	snop;
	(pc) =	sbr.rel @p0 .LBB2_1-.Ltmp1, $3  }
0xb2: {  	_ =	sdelay $0x1  }
0xb3: {  	[sflag:s5] =	ssyncset.done $0x0  }
0xb4: {  	[sflag:s5] =	ssyncadd.s32 $0xFFFFD800  }
0xb5: {  	_ =	sfence.sel $0x180000  }
0xb6: {  	[bflag:$0x0] =	sbarrier.arrive $0xFFFF  }
0xb7: {  	_ =	strace $0x90000047  }
0xb8: {  	s0 =	stileid.u32;
	[bflag:$0x2] =	sbarrier.arrive $0xFFFF  }
0xb9: {  	p0 =	sne.s32 s0, $0x0;
	s0 =	rddreg [dreg:$0x1]  }
0xba: {  	s0 =	sadd.s32 @!p0 $0x100000, s0  }
0xbb: {  	[sflag:s0] =	ssyncadd.tile.s32 @!p0 $0x1;
	_ =	shalt  }
.Lfunc_end2:
_tile_overlayer_lowered:
.L_overlay_start_2:
0xbc: {  	(tag) =	ssettag $0x2  }
0xbd: {  	s0 =	rddreg [dreg:$0x0];
	s2 =	stileid.u32  }
0xbe: {  	s1 =	rddreg [dreg:$0x1];
	p0 =	sne.s32 s2, $0x0  }
0xbf: {  	s3 =	rddreg [dreg:$0x2];
	[bflag:$0x3] =	sbarrier.arrive $0xFFFF;
	s2 =	simm.s32 @!p0 $0x1C09  }
0xc0: {  	[timem:s3], [sflag:s2] =	dma.local @!p0 [hbm:s0], s1  }
0xc1: {  	s0 =	simm.s32 @!p0 $0x9  }
0xc2: {  	_ =	swait.ge @!p0 [sflag:s0], s1  }
0xc3: {  	s1 =	ssub.s32 @!p0 $0x0, s1;
	[sflag:s0] =	ssyncset.done @!p0 $0x0  }
0xc4: {  	[sflag:s0] =	ssyncadd.s32 @!p0 s1  }
0xc5: {  	[bflag:$0x3] =	sbarrier.arrive $0xFFFF  }
0xc6: {  	_ =	shalt  }

</sc_bundles>
